<compile_context>
chip_gen: v7x
topology: tpu7x:2x2x1
jax: 0.10.2.dev20260603
libtpu: 0.0.44.dev20260713+nightly
codegen_flags: <defaults>
</compile_context>

<pallas_src>
import jax
import jax.numpy as jnp
from jax import lax
from jax.experimental import pallas as pl
from jax.experimental.pallas import tpu as pltpu
from jax.experimental.pallas import tpu_sc as plsc

_B, _N, _M = 8, 20000, 100
_VPB = _N // 16
_MAIN = _VPB // 4
_NB = 2
_BV = _MAIN // _NB
_BLK = _BV * 16
_CHUNK = (_MAIN + 1) * 16
_TROWS = 112

_LN2 = 0.6931471805599453
_P5 = (0.04392863, -0.40947559, 1.61017755, -3.52021884, 5.06975632,
       -2.79415368)


def _ln(x):
    bits = lax.bitcast_convert_type(x, jnp.int32)
    e = ((bits >> 23) & 0xFF) - 127
    m = lax.bitcast_convert_type((bits & 0x007FFFFF) | 0x3F800000,
                                 jnp.float32)
    p = jnp.float32(_P5[0])
    for c in _P5[1:]:
        p = p * m + c
    return (e.astype(jnp.float32) + p) * _LN2


def _body(boxes_hbm, gt_hbm, flag_hbm, idx_hbm,
          cls_hbm, clsm_hbm, reg_hbm, regm_hbm,
          tbl_v, tt_v, x1_v, y1_v, x2_v, y2_v, flag_v, idx_v,
          cls_v, clsm_v, dx_v, dy_v, dw_v, dh_v, regm_v,
          stbl, s0, s1, sx, sout):
    nc = 2
    w = lax.axis_index("s") * nc + lax.axis_index("c")
    b = w // 4
    q = w % 4
    has_extra = q < 2
    n0 = (q * 313 - jnp.maximum(q - 2, 0)) * 16
    pbase = b * 4 * _N + n0
    abase = b * _N + n0
    n_main = _MAIN * 16

    def in_copies(off, length, sem):
        return [
            pltpu.make_async_copy(boxes_hbm.at[pl.ds(pbase + off, length)],
                                  x1_v.at[pl.ds(off, length)], sem),
            pltpu.make_async_copy(
                boxes_hbm.at[pl.ds(pbase + _N + off, length)],
                y1_v.at[pl.ds(off, length)], sem),
            pltpu.make_async_copy(
                boxes_hbm.at[pl.ds(pbase + 2 * _N + off, length)],
                x2_v.at[pl.ds(off, length)], sem),
            pltpu.make_async_copy(
                boxes_hbm.at[pl.ds(pbase + 3 * _N + off, length)],
                y2_v.at[pl.ds(off, length)], sem),
            pltpu.make_async_copy(flag_hbm.at[pl.ds(abase + off, length)],
                                  flag_v.at[pl.ds(off, length)], sem),
            pltpu.make_async_copy(idx_hbm.at[pl.ds(abase + off, length)],
                                  idx_v.at[pl.ds(off, length)], sem),
        ]

    def out_copies(off, length):
        return [
            pltpu.make_async_copy(dx_v.at[pl.ds(off, length)],
                                  reg_hbm.at[pl.ds(pbase + off, length)],
                                  sout),
            pltpu.make_async_copy(dy_v.at[pl.ds(off, length)],
                                  reg_hbm.at[pl.ds(pbase + _N + off, length)],
                                  sout),
            pltpu.make_async_copy(
                dw_v.at[pl.ds(off, length)],
                reg_hbm.at[pl.ds(pbase + 2 * _N + off, length)], sout),
            pltpu.make_async_copy(
                dh_v.at[pl.ds(off, length)],
                reg_hbm.at[pl.ds(pbase + 3 * _N + off, length)], sout),
            pltpu.make_async_copy(cls_v.at[pl.ds(off, length)],
                                  cls_hbm.at[pl.ds(abase + off, length)],
                                  sout),
            pltpu.make_async_copy(clsm_v.at[pl.ds(off, length)],
                                  clsm_hbm.at[pl.ds(abase + off, length)],
                                  sout),
            pltpu.make_async_copy(regm_v.at[pl.ds(off, length)],
                                  regm_hbm.at[pl.ds(abase + off, length)],
                                  sout),
        ]

    tbl_cp = pltpu.make_async_copy(gt_hbm, tbl_v, stbl)
    tbl_cp.start()
    sems = (s0, s1)
    for k in range(_NB):
        for c in in_copies(k * _BLK, _BLK, sems[k]):
            c.start()

    @pl.when(has_extra)
    def _():
        for c in in_copies(n_main, 16, sx):
            c.start()

    lanes = lax.iota(jnp.int32, 16)
    tbl_cp.wait()
    tbase = b * (_M * 5)
    for j in range(_TROWS // 16):
        r = jnp.minimum(j * 16 + lanes, _M - 1) * 5 + tbase
        gx1 = plsc.load_gather(tbl_v, [r])
        gy1 = plsc.load_gather(tbl_v, [r + 1])
        gx2 = plsc.load_gather(tbl_v, [r + 2])
        gy2 = plsc.load_gather(tbl_v, [r + 3])
        gcl = plsc.load_gather(tbl_v, [r + 4])
        sl = pl.ds(j * 16, 16)
        tt_v[sl] = gx1 + gx2
        tt_v[pl.ds(_TROWS + j * 16, 16)] = gy1 + gy2
        tt_v[pl.ds(2 * _TROWS + j * 16, 16)] = _ln(
            jnp.maximum(gx2 - gx1, 1e-3))
        tt_v[pl.ds(3 * _TROWS + j * 16, 16)] = _ln(
            jnp.maximum(gy2 - gy1, 1e-3))
        tt_v[pl.ds(4 * _TROWS + j * 16, 16)] = gcl

    def one_vec(i):
        al = i * 16
        sl = pl.ds(al, 16)
        idx16 = idx_v[sl]
        gsx = plsc.load_gather(tt_v, [idx16])
        gsy = plsc.load_gather(tt_v, [idx16 + _TROWS])
        lgw = plsc.load_gather(tt_v, [idx16 + 2 * _TROWS])
        lgh = plsc.load_gather(tt_v, [idx16 + 3 * _TROWS])
        gcl = plsc.load_gather(tt_v, [idx16 + 4 * _TROWS])

        x1 = x1_v[sl]
        y1 = y1_v[sl]
        x2 = x2_v[sl]
        y2 = y2_v[sl]
        bw = jnp.maximum(x2 - x1, 1e-3)
        bh = jnp.maximum(y2 - y1, 1e-3)
        dx_v[sl] = (gsx - (x1 + x2)) * 0.5 / bw
        dy_v[sl] = (gsy - (y1 + y2)) * 0.5 / bh
        dw_v[sl] = lgw - _ln(bw)
        dh_v[sl] = lgh - _ln(bh)

        flag = flag_v[sl]
        cls = jnp.where(flag == 0, 0.0, gcl)
        regm_v[sl] = jnp.where((flag > 0) & (cls > 0.0), 1, 0)
        cls = jnp.where(flag < 0, -jnp.abs(cls), cls)
        cls_v[sl] = cls
        clsm_v[sl] = jnp.where(cls >= 0.0, 1, 0)

    def loop_body(i, carry):
        one_vec(i)
        return carry

    for k in range(_NB):
        for c in in_copies(k * _BLK, _BLK, sems[k]):
            c.wait()
        lax.fori_loop(k * _BV, (k + 1) * _BV, loop_body, 0)
        for c in out_copies(k * _BLK, _BLK):
            c.start()

    @pl.when(has_extra)
    def _():
        for c in in_copies(n_main, 16, sx):
            c.wait()
        one_vec(jnp.int32(_MAIN))
        for c in out_copies(n_main, 16):
            c.start()

    for k in range(_NB):
        for c in out_copies(k * _BLK, _BLK):
            c.wait()

    @pl.when(has_extra)
    def _():
        for c in out_copies(n_main, 16):
            c.wait()


@jax.jit
def _run(boxes_pl, gt_flat, flag_f, idx_f):
    call = pl.kernel(
        _body,
        out_type=(
            jax.ShapeDtypeStruct((_B * _N,), jnp.float32),
            jax.ShapeDtypeStruct((_B * _N,), jnp.int32),
            jax.ShapeDtypeStruct((_B * 4 * _N,), jnp.float32),
            jax.ShapeDtypeStruct((_B * _N,), jnp.int32),
        ),
        mesh=plsc.VectorSubcoreMesh(core_axis_name="c", subcore_axis_name="s"),
        compiler_params=pltpu.CompilerParams(needs_layout_passes=False),
        scratch_types=[
            pltpu.VMEM((_B * _M * 5,), jnp.float32),
            pltpu.VMEM((5 * _TROWS,), jnp.float32),
            pltpu.VMEM((_CHUNK,), jnp.float32),
            pltpu.VMEM((_CHUNK,), jnp.float32),
            pltpu.VMEM((_CHUNK,), jnp.float32),
            pltpu.VMEM((_CHUNK,), jnp.float32),
            pltpu.VMEM((_CHUNK,), jnp.int32),
            pltpu.VMEM((_CHUNK,), jnp.int32),
            pltpu.VMEM((_CHUNK,), jnp.float32),
            pltpu.VMEM((_CHUNK,), jnp.int32),
            pltpu.VMEM((_CHUNK,), jnp.float32),
            pltpu.VMEM((_CHUNK,), jnp.float32),
            pltpu.VMEM((_CHUNK,), jnp.float32),
            pltpu.VMEM((_CHUNK,), jnp.float32),
            pltpu.VMEM((_CHUNK,), jnp.int32),
            pltpu.SemaphoreType.DMA,
            pltpu.SemaphoreType.DMA,
            pltpu.SemaphoreType.DMA,
            pltpu.SemaphoreType.DMA,
            pltpu.SemaphoreType.DMA,
        ],
    )
    return call(boxes_pl, gt_flat, flag_f, idx_f)


def kernel(boxes, gt_boxes, match_pos_flag, match_gt_id):
    boxes_pl = boxes.transpose(0, 2, 1).reshape(-1)
    cls, clsm, reg, regm = _run(boxes_pl, gt_boxes.reshape(-1),
                                match_pos_flag.reshape(-1),
                                match_gt_id.reshape(-1))
    cls_label = cls.reshape(_B, _N, 1)
    cls_label_mask = clsm.astype(jnp.bool_).reshape(_B, _N, 1)
    reg_label = reg.reshape(_B, 4, _N).transpose(0, 2, 1)
    reg_label_mask = jnp.broadcast_to(
        regm.astype(jnp.bool_).reshape(_B, _N, 1), (_B, _N, 4))
    return cls_label, cls_label_mask, reg_label, reg_label_mask

# --- scband reference (transcript-rebuilt; emitter-appended) ---
"""Pipeline reference for scband-match-label-sep-encoder-15719580304258 (READ-ONLY COPY).

The authoritative reference and input builder live on the scoring server;
editing this copy changes nothing except your own understanding.
"""

import jax, jax.numpy as jnp
import numpy as np

B, N, M = 8, 20000, 100


def _bbox_encode(boxes, matched_gt):
    # XYWH delta encoder (standard RCNN-style box coding)
    x1, y1, x2, y2 = boxes[..., 0], boxes[..., 1], boxes[..., 2], boxes[..., 3]
    gx1, gy1, gx2, gy2 = matched_gt[..., 0], matched_gt[..., 1], matched_gt[..., 2], matched_gt[..., 3]
    w = jnp.maximum(x2 - x1, 1e-3)
    h = jnp.maximum(y2 - y1, 1e-3)
    cx = (x1 + x2) * 0.5
    cy = (y1 + y2) * 0.5
    gw = jnp.maximum(gx2 - gx1, 1e-3)
    gh = jnp.maximum(gy2 - gy1, 1e-3)
    gcx = (gx1 + gx2) * 0.5
    gcy = (gy1 + gy2) * 0.5
    dx = (gcx - cx) / w
    dy = (gcy - cy) / h
    dw = jnp.log(gw / w)
    dh = jnp.log(gh / h)
    return jnp.stack([dx, dy, dw, dh], axis=-1)


def setup_inputs(seed: int = 0):
    key = jax.random.key(seed)
    k1, k2, k3, k4 = jax.random.split(key, 4)
    boxes = jax.random.uniform(k1, (B, N, 4), dtype=jnp.float32)
    gt_boxes = jax.random.uniform(k2, (B, M, 5), dtype=jnp.float32)
    match_pos_flag = jax.random.randint(k3, (B, N), 0, 3, dtype=jnp.int32)
    match_gt_id = jax.random.randint(k4, (B, N), 0, M, dtype=jnp.int32)
    return {"boxes": boxes, "gt_boxes": gt_boxes,
            "match_pos_flag": match_pos_flag, "match_gt_id": match_gt_id}


def reference(boxes, gt_boxes, match_pos_flag, match_gt_id):
    # take_row: per-batch gather of matched gt rows -> (B, N, 5)
    matched = jnp.take_along_axis(gt_boxes, match_gt_id[..., None], axis=1)
    cls = matched[..., 4]
    # cls_label[match_pos_flag == 0] = 0
    cls = jnp.where(match_pos_flag == 0, 0.0, cls)
    pos_match = match_pos_flag > 0
    # reg_on_hard=False: mask = pos_match * (cls_label > 0)
    reg_label_mask = pos_match & (cls > 0)
    # ignore: cls_label[ig] = -abs(cls_label[ig])
    ig_index = match_pos_flag < 0
    cls = jnp.where(ig_index, -jnp.abs(cls), cls)
    # class_encoder: identity encoder producing a trailing channel dim (B, N, 1)
    cls_label = cls[..., None]
    cls_label_mask = cls_label >= 0
    # bbox_encoder: XYWH delta coding, (B, N, 4)
    reg_label = _bbox_encode(boxes, matched)
    reg_label_mask_full = jnp.broadcast_to(reg_label_mask[..., None], reg_label.shape)
    return cls_label, cls_label_mask, reg_label, reg_label_mask_full

if __name__ == "__main__":
    import jax
    _d = setup_inputs()
    print(jax.jit(kernel)(*tuple(_d.values())))

</pallas_src>

<mosaic_0001>
#map = affine_map<(d0, d1) -> (0)>
module attributes {stable_mosaic.version = 14 : i64} {
  func.func @_body(%arg0: i32, %arg1: i32, %arg2: memref<640000xf32, #tpu.memory_space<hbm>>, %arg3: memref<4000xf32, #tpu.memory_space<hbm>>, %arg4: memref<160000xi32, #tpu.memory_space<hbm>>, %arg5: memref<160000xi32, #tpu.memory_space<hbm>>, %arg6: memref<160000xf32, #tpu.memory_space<hbm>>, %arg7: memref<160000xi32, #tpu.memory_space<hbm>>, %arg8: memref<640000xf32, #tpu.memory_space<hbm>>, %arg9: memref<160000xi32, #tpu.memory_space<hbm>>, %arg10: memref<4000xf32, #tpu.memory_space<vmem>>, %arg11: memref<560xf32, #tpu.memory_space<vmem>>, %arg12: memref<5008xf32, #tpu.memory_space<vmem>>, %arg13: memref<5008xf32, #tpu.memory_space<vmem>>, %arg14: memref<5008xf32, #tpu.memory_space<vmem>>, %arg15: memref<5008xf32, #tpu.memory_space<vmem>>, %arg16: memref<5008xi32, #tpu.memory_space<vmem>>, %arg17: memref<5008xi32, #tpu.memory_space<vmem>>, %arg18: memref<5008xf32, #tpu.memory_space<vmem>>, %arg19: memref<5008xi32, #tpu.memory_space<vmem>>, %arg20: memref<5008xf32, #tpu.memory_space<vmem>>, %arg21: memref<5008xf32, #tpu.memory_space<vmem>>, %arg22: memref<5008xf32, #tpu.memory_space<vmem>>, %arg23: memref<5008xf32, #tpu.memory_space<vmem>>, %arg24: memref<5008xi32, #tpu.memory_space<vmem>>, %arg25: memref<!tpu.dma_semaphore, #tpu.memory_space<semaphore_mem>>, %arg26: memref<!tpu.dma_semaphore, #tpu.memory_space<semaphore_mem>>, %arg27: memref<!tpu.dma_semaphore, #tpu.memory_space<semaphore_mem>>, %arg28: memref<!tpu.dma_semaphore, #tpu.memory_space<semaphore_mem>>, %arg29: memref<!tpu.dma_semaphore, #tpu.memory_space<semaphore_mem>>) attributes {dimension_semantics = [#tpu.dimension_semantics<core_parallel>, #tpu.dimension_semantics<subcore_parallel>], iteration_bounds = array<i64: 2, 16>, scalar_prefetch = 0 : i64, scratch_operands = 20 : i64, tpu.core_type = #tpu.core_type<sc_vector_subcore>, window_params = [{transform_indices = #map}, {transform_indices = #map}, {transform_indices = #map}, {transform_indices = #map}, {transform_indices = #map}, {transform_indices = #map}, {transform_indices = #map}, {transform_indices = #map}]} {
    %mul3A = arith.constant 2 : i32
    %mul3A_0 = arith.muli %arg1, %mul3A : i32
    %add3A = arith.addi %mul3A_0, %arg0 : i32
    %jit3A = arith.constant 4 : i32
    %div3A = arith.divsi %add3A, %jit3A : i32
    %sign3A = arith.constant 0 : i32
    %sign3A_1 = arith.cmpi sgt, %add3A, %sign3A : i32
    %sign3A_2 = arith.extui %sign3A_1 : i1 to i32
    %sign3A_3 = arith.constant 0 : i32
    %sign3A_4 = arith.cmpi slt, %add3A, %sign3A_3 : i32
    %sign3A_5 = arith.extui %sign3A_4 : i1 to i32
    %sign3A_6 = arith.subi %sign3A_2, %sign3A_5 : i32
    %sign3A_7 = arith.constant 0 : i32
    %sign3A_8 = arith.cmpi sgt, %jit3A, %sign3A_7 : i32
    %sign3A_9 = arith.extui %sign3A_8 : i1 to i32
    %sign3A_10 = arith.constant 0 : i32
    %sign3A_11 = arith.cmpi slt, %jit3A, %sign3A_10 : i32
    %sign3A_12 = arith.extui %sign3A_11 : i1 to i32
    %sign3A_13 = arith.subi %sign3A_9, %sign3A_12 : i32
    %ne3A = arith.cmpi ne, %sign3A_6, %sign3A_13 : i32
    %rem3A = arith.remsi %add3A, %jit3A : i32
    %ne3A_14 = arith.constant 0 : i32
    %ne3A_15 = arith.cmpi ne, %rem3A, %ne3A_14 : i32
    %and3A = arith.andi %ne3A, %ne3A_15 : i1
    %sub3A = arith.constant 1 : i32
    %sub3A_16 = arith.subi %div3A, %sub3A : i32
    %select_n3A = arith.select %and3A, %sub3A_16, %div3A : i32
    %jit3A_17 = arith.constant 4 : i32
    %eq3A = arith.constant 0 : i32
    %eq3A_18 = arith.cmpi eq, %jit3A_17, %eq3A : i32
    %jit3A_19 = arith.constant 1 : i32
    %select_n3A_20 = arith.select %eq3A_18, %jit3A_19, %jit3A_17 : i32
    %rem3A_21 = arith.remsi %add3A, %select_n3A_20 : i32
    %ne3A_22 = arith.constant 0 : i32
    %ne3A_23 = arith.cmpi ne, %rem3A_21, %ne3A_22 : i32
    %lt3A = arith.constant 0 : i32
    %lt3A_24 = arith.cmpi slt, %rem3A_21, %lt3A : i32
    %lt3A_25 = arith.constant 0 : i32
    %lt3A_26 = arith.cmpi slt, %select_n3A_20, %lt3A_25 : i32
    %ne3A_27 = arith.xori %lt3A_24, %lt3A_26 : i1
    %and3A_28 = arith.andi %ne3A_27, %ne3A_23 : i1
    %add3A_29 = arith.addi %rem3A_21, %select_n3A_20 : i32
    %select_n3A_30 = arith.select %and3A_28, %add3A_29, %rem3A_21 : i32
    %lt3A_31 = arith.constant 2 : i32
    %lt3A_32 = arith.cmpi slt, %select_n3A_30, %lt3A_31 : i32
    %mul3A_33 = arith.constant 313 : i32
    %mul3A_34 = arith.muli %select_n3A_30, %mul3A_33 : i32
    %sub3A_35 = arith.constant 2 : i32
    %sub3A_36 = arith.subi %select_n3A_30, %sub3A_35 : i32
    %max3A = arith.constant 0 : i32
    %max3A_37 = arith.maxsi %sub3A_36, %max3A : i32
    %sub3A_38 = arith.subi %mul3A_34, %max3A_37 : i32
    %mul3A_39 = arith.constant 16 : i32
    %mul3A_40 = arith.muli %sub3A_38, %mul3A_39 : i32
    %mul3A_41 = arith.constant 4 : i32
    %mul3A_42 = arith.muli %select_n3A, %mul3A_41 : i32
    %mul3A_43 = arith.constant 20000 : i32
    %mul3A_44 = arith.muli %mul3A_42, %mul3A_43 : i32
    %add3A_45 = arith.addi %mul3A_44, %mul3A_40 : i32
    %mul3A_46 = arith.constant 20000 : i32
    %mul3A_47 = arith.muli %select_n3A, %mul3A_46 : i32
    %add3A_48 = arith.addi %mul3A_47, %mul3A_40 : i32
    tpu.enqueue_dma source(%arg3 : memref<4000xf32, #tpu.memory_space<hbm>>) target(%arg10 : memref<4000xf32, #tpu.memory_space<vmem>>) target_semaphore(%arg25 : memref<!tpu.dma_semaphore, #tpu.memory_space<semaphore_mem>>)
    %add3A_49 = arith.constant 0 : i32
    %add3A_50 = arith.addi %add3A_45, %add3A_49 : i32
    %add3A_51 = arith.constant 20000 : i32
    %add3A_52 = arith.addi %add3A_45, %add3A_51 : i32
    %add3A_53 = arith.constant 0 : i32
    %add3A_54 = arith.addi %add3A_52, %add3A_53 : i32
    %add3A_55 = arith.constant 40000 : i32
    %add3A_56 = arith.addi %add3A_45, %add3A_55 : i32
    %add3A_57 = arith.constant 0 : i32
    %add3A_58 = arith.addi %add3A_56, %add3A_57 : i32
    %add3A_59 = arith.constant 60000 : i32
    %add3A_60 = arith.addi %add3A_45, %add3A_59 : i32
    %add3A_61 = arith.constant 0 : i32
    %add3A_62 = arith.addi %add3A_60, %add3A_61 : i32
    %add3A_63 = arith.constant 0 : i32
    %add3A_64 = arith.addi %add3A_48, %add3A_63 : i32
    %add3A_65 = arith.constant 0 : i32
    %add3A_66 = arith.addi %add3A_48, %add3A_65 : i32
    %dma_start3A = arith.constant 0 : i32
    %dma_start3A_67 = tpu.memref_slice %arg12[%dma_start3A] : memref<5008xf32, #tpu.memory_space<vmem>> -> memref<2496xf32, #tpu.memory_space<vmem>>
    %dma_start3A_68 = tpu.memref_slice %arg2[%add3A_50] : memref<640000xf32, #tpu.memory_space<hbm>> -> memref<2496xf32, #tpu.memory_space<hbm>>
    %dma_start3A_69 = arith.constant 0 : i32
    %dma_start3A_70 = tpu.memref_slice %arg12[%dma_start3A_69] : memref<5008xf32, #tpu.memory_space<vmem>> -> memref<2496xf32, #tpu.memory_space<vmem>>
    %dma_start3A_71 = tpu.memref_slice %arg2[%add3A_50] : memref<640000xf32, #tpu.memory_space<hbm>> -> memref<2496xf32, #tpu.memory_space<hbm>>
    tpu.enqueue_dma source(%dma_start3A_71 : memref<2496xf32, #tpu.memory_space<hbm>>) target(%dma_start3A_70 : memref<2496xf32, #tpu.memory_space<vmem>>) target_semaphore(%arg26 : memref<!tpu.dma_semaphore, #tpu.memory_space<semaphore_mem>>)
    %dma_start3A_72 = arith.constant 0 : i32
    %dma_start3A_73 = tpu.memref_slice %arg13[%dma_start3A_72] : memref<5008xf32, #tpu.memory_space<vmem>> -> memref<2496xf32, #tpu.memory_space<vmem>>
    %dma_start3A_74 = tpu.memref_slice %arg2[%add3A_54] : memref<640000xf32, #tpu.memory_space<hbm>> -> memref<2496xf32, #tpu.memory_space<hbm>>
    %dma_start3A_75 = arith.constant 0 : i32
    %dma_start3A_76 = tpu.memref_slice %arg13[%dma_start3A_75] : memref<5008xf32, #tpu.memory_space<vmem>> -> memref<2496xf32, #tpu.memory_space<vmem>>
    %dma_start3A_77 = tpu.memref_slice %arg2[%add3A_54] : memref<640000xf32, #tpu.memory_space<hbm>> -> memref<2496xf32, #tpu.memory_space<hbm>>
    tpu.enqueue_dma source(%dma_start3A_77 : memref<2496xf32, #tpu.memory_space<hbm>>) target(%dma_start3A_76 : memref<2496xf32, #tpu.memory_space<vmem>>) target_semaphore(%arg26 : memref<!tpu.dma_semaphore, #tpu.memory_space<semaphore_mem>>)
    %dma_start3A_78 = arith.constant 0 : i32
    %dma_start3A_79 = tpu.memref_slice %arg14[%dma_start3A_78] : memref<5008xf32, #tpu.memory_space<vmem>> -> memref<2496xf32, #tpu.memory_space<vmem>>
    %dma_start3A_80 = tpu.memref_slice %arg2[%add3A_58] : memref<640000xf32, #tpu.memory_space<hbm>> -> memref<2496xf32, #tpu.memory_space<hbm>>
    %dma_start3A_81 = arith.constant 0 : i32
    %dma_start3A_82 = tpu.memref_slice %arg14[%dma_start3A_81] : memref<5008xf32, #tpu.memory_space<vmem>> -> memref<2496xf32, #tpu.memory_space<vmem>>
    %dma_start3A_83 = tpu.memref_slice %arg2[%add3A_58] : memref<640000xf32, #tpu.memory_space<hbm>> -> memref<2496xf32, #tpu.memory_space<hbm>>
    tpu.enqueue_dma source(%dma_start3A_83 : memref<2496xf32, #tpu.memory_space<hbm>>) target(%dma_start3A_82 : memref<2496xf32, #tpu.memory_space<vmem>>) target_semaphore(%arg26 : memref<!tpu.dma_semaphore, #tpu.memory_space<semaphore_mem>>)
    %dma_start3A_84 = arith.constant 0 : i32
    %dma_start3A_85 = tpu.memref_slice %arg15[%dma_start3A_84] : memref<5008xf32, #tpu.memory_space<vmem>> -> memref<2496xf32, #tpu.memory_space<vmem>>
    %dma_start3A_86 = tpu.memref_slice %arg2[%add3A_62] : memref<640000xf32, #tpu.memory_space<hbm>> -> memref<2496xf32, #tpu.memory_space<hbm>>
    %dma_start3A_87 = arith.constant 0 : i32
    %dma_start3A_88 = tpu.memref_slice %arg15[%dma_start3A_87] : memref<5008xf32, #tpu.memory_space<vmem>> -> memref<2496xf32, #tpu.memory_space<vmem>>
    %dma_start3A_89 = tpu.memref_slice %arg2[%add3A_62] : memref<640000xf32, #tpu.memory_space<hbm>> -> memref<2496xf32, #tpu.memory_space<hbm>>
    tpu.enqueue_dma source(%dma_start3A_89 : memref<2496xf32, #tpu.memory_space<hbm>>) target(%dma_start3A_88 : memref<2496xf32, #tpu.memory_space<vmem>>) target_semaphore(%arg26 : memref<!tpu.dma_semaphore, #tpu.memory_space<semaphore_mem>>)
    %dma_start3A_90 = arith.constant 0 : i32
    %dma_start3A_91 = tpu.memref_slice %arg16[%dma_start3A_90] : memref<5008xi32, #tpu.memory_space<vmem>> -> memref<2496xi32, #tpu.memory_space<vmem>>
    %dma_start3A_92 = tpu.memref_slice %arg4[%add3A_64] : memref<160000xi32, #tpu.memory_space<hbm>> -> memref<2496xi32, #tpu.memory_space<hbm>>
    %dma_start3A_93 = arith.constant 0 : i32
    %dma_start3A_94 = tpu.memref_slice %arg16[%dma_start3A_93] : memref<5008xi32, #tpu.memory_space<vmem>> -> memref<2496xi32, #tpu.memory_space<vmem>>
    %dma_start3A_95 = tpu.memref_slice %arg4[%add3A_64] : memref<160000xi32, #tpu.memory_space<hbm>> -> memref<2496xi32, #tpu.memory_space<hbm>>
    tpu.enqueue_dma source(%dma_start3A_95 : memref<2496xi32, #tpu.memory_space<hbm>>) target(%dma_start3A_94 : memref<2496xi32, #tpu.memory_space<vmem>>) target_semaphore(%arg26 : memref<!tpu.dma_semaphore, #tpu.memory_space<semaphore_mem>>)
    %dma_start3A_96 = arith.constant 0 : i32
    %dma_start3A_97 = tpu.memref_slice %arg17[%dma_start3A_96] : memref<5008xi32, #tpu.memory_space<vmem>> -> memref<2496xi32, #tpu.memory_space<vmem>>
    %dma_start3A_98 = tpu.memref_slice %arg5[%add3A_66] : memref<160000xi32, #tpu.memory_space<hbm>> -> memref<2496xi32, #tpu.memory_space<hbm>>
    %dma_start3A_99 = arith.constant 0 : i32
    %dma_start3A_100 = tpu.memref_slice %arg17[%dma_start3A_99] : memref<5008xi32, #tpu.memory_space<vmem>> -> memref<2496xi32, #tpu.memory_space<vmem>>
    %dma_start3A_101 = tpu.memref_slice %arg5[%add3A_66] : memref<160000xi32, #tpu.memory_space<hbm>> -> memref<2496xi32, #tpu.memory_space<hbm>>
    tpu.enqueue_dma source(%dma_start3A_101 : memref<2496xi32, #tpu.memory_space<hbm>>) target(%dma_start3A_100 : memref<2496xi32, #tpu.memory_space<vmem>>) target_semaphore(%arg26 : memref<!tpu.dma_semaphore, #tpu.memory_space<semaphore_mem>>)
    %add3A_102 = arith.constant 2496 : i32
    %add3A_103 = arith.addi %add3A_45, %add3A_102 : i32
    %add3A_104 = arith.constant 20000 : i32
    %add3A_105 = arith.addi %add3A_45, %add3A_104 : i32
    %add3A_106 = arith.constant 2496 : i32
    %add3A_107 = arith.addi %add3A_105, %add3A_106 : i32
    %add3A_108 = arith.constant 40000 : i32
    %add3A_109 = arith.addi %add3A_45, %add3A_108 : i32
    %add3A_110 = arith.constant 2496 : i32
    %add3A_111 = arith.addi %add3A_109, %add3A_110 : i32
    %add3A_112 = arith.constant 60000 : i32
    %add3A_113 = arith.addi %add3A_45, %add3A_112 : i32
    %add3A_114 = arith.constant 2496 : i32
    %add3A_115 = arith.addi %add3A_113, %add3A_114 : i32
    %add3A_116 = arith.constant 2496 : i32
    %add3A_117 = arith.addi %add3A_48, %add3A_116 : i32
    %add3A_118 = arith.constant 2496 : i32
    %add3A_119 = arith.addi %add3A_48, %add3A_118 : i32
    %dma_start3A_120 = arith.constant 2496 : i32
    %dma_start3A_121 = tpu.memref_slice %arg12[%dma_start3A_120] : memref<5008xf32, #tpu.memory_space<vmem>> -> memref<2496xf32, #tpu.memory_space<vmem>>
    %dma_start3A_122 = tpu.memref_slice %arg2[%add3A_103] : memref<640000xf32, #tpu.memory_space<hbm>> -> memref<2496xf32, #tpu.memory_space<hbm>>
    %dma_start3A_123 = arith.constant 2496 : i32
    %dma_start3A_124 = tpu.memref_slice %arg12[%dma_start3A_123] : memref<5008xf32, #tpu.memory_space<vmem>> -> memref<2496xf32, #tpu.memory_space<vmem>>
    %dma_start3A_125 = tpu.memref_slice %arg2[%add3A_103] : memref<640000xf32, #tpu.memory_space<hbm>> -> memref<2496xf32, #tpu.memory_space<hbm>>
    tpu.enqueue_dma source(%dma_start3A_125 : memref<2496xf32, #tpu.memory_space<hbm>>) target(%dma_start3A_124 : memref<2496xf32, #tpu.memory_space<vmem>>) target_semaphore(%arg27 : memref<!tpu.dma_semaphore, #tpu.memory_space<semaphore_mem>>)
    %dma_start3A_126 = arith.constant 2496 : i32
    %dma_start3A_127 = tpu.memref_slice %arg13[%dma_start3A_126] : memref<5008xf32, #tpu.memory_space<vmem>> -> memref<2496xf32, #tpu.memory_space<vmem>>
    %dma_start3A_128 = tpu.memref_slice %arg2[%add3A_107] : memref<640000xf32, #tpu.memory_space<hbm>> -> memref<2496xf32, #tpu.memory_space<hbm>>
    %dma_start3A_129 = arith.constant 2496 : i32
    %dma_start3A_130 = tpu.memref_slice %arg13[%dma_start3A_129] : memref<5008xf32, #tpu.memory_space<vmem>> -> memref<2496xf32, #tpu.memory_space<vmem>>
    %dma_start3A_131 = tpu.memref_slice %arg2[%add3A_107] : memref<640000xf32, #tpu.memory_space<hbm>> -> memref<2496xf32, #tpu.memory_space<hbm>>
    tpu.enqueue_dma source(%dma_start3A_131 : memref<2496xf32, #tpu.memory_space<hbm>>) target(%dma_start3A_130 : memref<2496xf32, #tpu.memory_space<vmem>>) target_semaphore(%arg27 : memref<!tpu.dma_semaphore, #tpu.memory_space<semaphore_mem>>)
    %dma_start3A_132 = arith.constant 2496 : i32
    %dma_start3A_133 = tpu.memref_slice %arg14[%dma_start3A_132] : memref<5008xf32, #tpu.memory_space<vmem>> -> memref<2496xf32, #tpu.memory_space<vmem>>
    %dma_start3A_134 = tpu.memref_slice %arg2[%add3A_111] : memref<640000xf32, #tpu.memory_space<hbm>> -> memref<2496xf32, #tpu.memory_space<hbm>>
    %dma_start3A_135 = arith.constant 2496 : i32
    %dma_start3A_136 = tpu.memref_slice %arg14[%dma_start3A_135] : memref<5008xf32, #tpu.memory_space<vmem>> -> memref<2496xf32, #tpu.memory_space<vmem>>
    %dma_start3A_137 = tpu.memref_slice %arg2[%add3A_111] : memref<640000xf32, #tpu.memory_space<hbm>> -> memref<2496xf32, #tpu.memory_space<hbm>>
    tpu.enqueue_dma source(%dma_start3A_137 : memref<2496xf32, #tpu.memory_space<hbm>>) target(%dma_start3A_136 : memref<2496xf32, #tpu.memory_space<vmem>>) target_semaphore(%arg27 : memref<!tpu.dma_semaphore, #tpu.memory_space<semaphore_mem>>)
    %dma_start3A_138 = arith.constant 2496 : i32
    %dma_start3A_139 = tpu.memref_slice %arg15[%dma_start3A_138] : memref<5008xf32, #tpu.memory_space<vmem>> -> memref<2496xf32, #tpu.memory_space<vmem>>
    %dma_start3A_140 = tpu.memref_slice %arg2[%add3A_115] : memref<640000xf32, #tpu.memory_space<hbm>> -> memref<2496xf32, #tpu.memory_space<hbm>>
    %dma_start3A_141 = arith.constant 2496 : i32
    %dma_start3A_142 = tpu.memref_slice %arg15[%dma_start3A_141] : memref<5008xf32, #tpu.memory_space<vmem>> -> memref<2496xf32, #tpu.memory_space<vmem>>
    %dma_start3A_143 = tpu.memref_slice %arg2[%add3A_115] : memref<640000xf32, #tpu.memory_space<hbm>> -> memref<2496xf32, #tpu.memory_space<hbm>>
    tpu.enqueue_dma source(%dma_start3A_143 : memref<2496xf32, #tpu.memory_space<hbm>>) target(%dma_start3A_142 : memref<2496xf32, #tpu.memory_space<vmem>>) target_semaphore(%arg27 : memref<!tpu.dma_semaphore, #tpu.memory_space<semaphore_mem>>)
    %dma_start3A_144 = arith.constant 2496 : i32
    %dma_start3A_145 = tpu.memref_slice %arg16[%dma_start3A_144] : memref<5008xi32, #tpu.memory_space<vmem>> -> memref<2496xi32, #tpu.memory_space<vmem>>
    %dma_start3A_146 = tpu.memref_slice %arg4[%add3A_117] : memref<160000xi32, #tpu.memory_space<hbm>> -> memref<2496xi32, #tpu.memory_space<hbm>>
    %dma_start3A_147 = arith.constant 2496 : i32
    %dma_start3A_148 = tpu.memref_slice %arg16[%dma_start3A_147] : memref<5008xi32, #tpu.memory_space<vmem>> -> memref<2496xi32, #tpu.memory_space<vmem>>
    %dma_start3A_149 = tpu.memref_slice %arg4[%add3A_117] : memref<160000xi32, #tpu.memory_space<hbm>> -> memref<2496xi32, #tpu.memory_space<hbm>>
    tpu.enqueue_dma source(%dma_start3A_149 : memref<2496xi32, #tpu.memory_space<hbm>>) target(%dma_start3A_148 : memref<2496xi32, #tpu.memory_space<vmem>>) target_semaphore(%arg27 : memref<!tpu.dma_semaphore, #tpu.memory_space<semaphore_mem>>)
    %dma_start3A_150 = arith.constant 2496 : i32
    %dma_start3A_151 = tpu.memref_slice %arg17[%dma_start3A_150] : memref<5008xi32, #tpu.memory_space<vmem>> -> memref<2496xi32, #tpu.memory_space<vmem>>
    %dma_start3A_152 = tpu.memref_slice %arg5[%add3A_119] : memref<160000xi32, #tpu.memory_space<hbm>> -> memref<2496xi32, #tpu.memory_space<hbm>>
    %dma_start3A_153 = arith.constant 2496 : i32
    %dma_start3A_154 = tpu.memref_slice %arg17[%dma_start3A_153] : memref<5008xi32, #tpu.memory_space<vmem>> -> memref<2496xi32, #tpu.memory_space<vmem>>
    %dma_start3A_155 = tpu.memref_slice %arg5[%add3A_119] : memref<160000xi32, #tpu.memory_space<hbm>> -> memref<2496xi32, #tpu.memory_space<hbm>>
    tpu.enqueue_dma source(%dma_start3A_155 : memref<2496xi32, #tpu.memory_space<hbm>>) target(%dma_start3A_154 : memref<2496xi32, #tpu.memory_space<vmem>>) target_semaphore(%arg27 : memref<!tpu.dma_semaphore, #tpu.memory_space<semaphore_mem>>)
    %convert_element_type3A = arith.extui %lt3A_32 : i1 to i32
    %cond3A = arith.constant 0 : i32
    %cond3A_156 = arith.cmpi ne, %convert_element_type3A, %cond3A : i32
    scf.if %cond3A_156 {
      %add3A_1477 = arith.constant 4992 : i32
      %add3A_1478 = arith.addi %add3A_45, %add3A_1477 : i32
      %add3A_1479 = arith.constant 20000 : i32
      %add3A_1480 = arith.addi %add3A_45, %add3A_1479 : i32
      %add3A_1481 = arith.constant 4992 : i32
      %add3A_1482 = arith.addi %add3A_1480, %add3A_1481 : i32
      %add3A_1483 = arith.constant 40000 : i32
      %add3A_1484 = arith.addi %add3A_45, %add3A_1483 : i32
      %add3A_1485 = arith.constant 4992 : i32
      %add3A_1486 = arith.addi %add3A_1484, %add3A_1485 : i32
      %add3A_1487 = arith.constant 60000 : i32
      %add3A_1488 = arith.addi %add3A_45, %add3A_1487 : i32
      %add3A_1489 = arith.constant 4992 : i32
      %add3A_1490 = arith.addi %add3A_1488, %add3A_1489 : i32
      %add3A_1491 = arith.constant 4992 : i32
      %add3A_1492 = arith.addi %add3A_48, %add3A_1491 : i32
      %add3A_1493 = arith.constant 4992 : i32
      %add3A_1494 = arith.addi %add3A_48, %add3A_1493 : i32
      %dma_start3A_1495 = arith.constant 4992 : i32
      %dma_start3A_1496 = tpu.memref_slice %arg12[%dma_start3A_1495] : memref<5008xf32, #tpu.memory_space<vmem>> -> memref<16xf32, #tpu.memory_space<vmem>>
      %dma_start3A_1497 = tpu.memref_slice %arg2[%add3A_1478] : memref<640000xf32, #tpu.memory_space<hbm>> -> memref<16xf32, #tpu.memory_space<hbm>>
      %dma_start3A_1498 = arith.constant 4992 : i32
      %dma_start3A_1499 = tpu.memref_slice %arg12[%dma_start3A_1498] : memref<5008xf32, #tpu.memory_space<vmem>> -> memref<16xf32, #tpu.memory_space<vmem>>
      %dma_start3A_1500 = tpu.memref_slice %arg2[%add3A_1478] : memref<640000xf32, #tpu.memory_space<hbm>> -> memref<16xf32, #tpu.memory_space<hbm>>
      tpu.enqueue_dma source(%dma_start3A_1500 : memref<16xf32, #tpu.memory_space<hbm>>) target(%dma_start3A_1499 : memref<16xf32, #tpu.memory_space<vmem>>) target_semaphore(%arg28 : memref<!tpu.dma_semaphore, #tpu.memory_space<semaphore_mem>>)
      %dma_start3A_1501 = arith.constant 4992 : i32
      %dma_start3A_1502 = tpu.memref_slice %arg13[%dma_start3A_1501] : memref<5008xf32, #tpu.memory_space<vmem>> -> memref<16xf32, #tpu.memory_space<vmem>>
      %dma_start3A_1503 = tpu.memref_slice %arg2[%add3A_1482] : memref<640000xf32, #tpu.memory_space<hbm>> -> memref<16xf32, #tpu.memory_space<hbm>>
      %dma_start3A_1504 = arith.constant 4992 : i32
      %dma_start3A_1505 = tpu.memref_slice %arg13[%dma_start3A_1504] : memref<5008xf32, #tpu.memory_space<vmem>> -> memref<16xf32, #tpu.memory_space<vmem>>
      %dma_start3A_1506 = tpu.memref_slice %arg2[%add3A_1482] : memref<640000xf32, #tpu.memory_space<hbm>> -> memref<16xf32, #tpu.memory_space<hbm>>
      tpu.enqueue_dma source(%dma_start3A_1506 : memref<16xf32, #tpu.memory_space<hbm>>) target(%dma_start3A_1505 : memref<16xf32, #tpu.memory_space<vmem>>) target_semaphore(%arg28 : memref<!tpu.dma_semaphore, #tpu.memory_space<semaphore_mem>>)
      %dma_start3A_1507 = arith.constant 4992 : i32
      %dma_start3A_1508 = tpu.memref_slice %arg14[%dma_start3A_1507] : memref<5008xf32, #tpu.memory_space<vmem>> -> memref<16xf32, #tpu.memory_space<vmem>>
      %dma_start3A_1509 = tpu.memref_slice %arg2[%add3A_1486] : memref<640000xf32, #tpu.memory_space<hbm>> -> memref<16xf32, #tpu.memory_space<hbm>>
      %dma_start3A_1510 = arith.constant 4992 : i32
      %dma_start3A_1511 = tpu.memref_slice %arg14[%dma_start3A_1510] : memref<5008xf32, #tpu.memory_space<vmem>> -> memref<16xf32, #tpu.memory_space<vmem>>
      %dma_start3A_1512 = tpu.memref_slice %arg2[%add3A_1486] : memref<640000xf32, #tpu.memory_space<hbm>> -> memref<16xf32, #tpu.memory_space<hbm>>
      tpu.enqueue_dma source(%dma_start3A_1512 : memref<16xf32, #tpu.memory_space<hbm>>) target(%dma_start3A_1511 : memref<16xf32, #tpu.memory_space<vmem>>) target_semaphore(%arg28 : memref<!tpu.dma_semaphore, #tpu.memory_space<semaphore_mem>>)
      %dma_start3A_1513 = arith.constant 4992 : i32
      %dma_start3A_1514 = tpu.memref_slice %arg15[%dma_start3A_1513] : memref<5008xf32, #tpu.memory_space<vmem>> -> memref<16xf32, #tpu.memory_space<vmem>>
      %dma_start3A_1515 = tpu.memref_slice %arg2[%add3A_1490] : memref<640000xf32, #tpu.memory_space<hbm>> -> memref<16xf32, #tpu.memory_space<hbm>>
      %dma_start3A_1516 = arith.constant 4992 : i32
      %dma_start3A_1517 = tpu.memref_slice %arg15[%dma_start3A_1516] : memref<5008xf32, #tpu.memory_space<vmem>> -> memref<16xf32, #tpu.memory_space<vmem>>
      %dma_start3A_1518 = tpu.memref_slice %arg2[%add3A_1490] : memref<640000xf32, #tpu.memory_space<hbm>> -> memref<16xf32, #tpu.memory_space<hbm>>
      tpu.enqueue_dma source(%dma_start3A_1518 : memref<16xf32, #tpu.memory_space<hbm>>) target(%dma_start3A_1517 : memref<16xf32, #tpu.memory_space<vmem>>) target_semaphore(%arg28 : memref<!tpu.dma_semaphore, #tpu.memory_space<semaphore_mem>>)
      %dma_start3A_1519 = arith.constant 4992 : i32
      %dma_start3A_1520 = tpu.memref_slice %arg16[%dma_start3A_1519] : memref<5008xi32, #tpu.memory_space<vmem>> -> memref<16xi32, #tpu.memory_space<vmem>>
      %dma_start3A_1521 = tpu.memref_slice %arg4[%add3A_1492] : memref<160000xi32, #tpu.memory_space<hbm>> -> memref<16xi32, #tpu.memory_space<hbm>>
      %dma_start3A_1522 = arith.constant 4992 : i32
      %dma_start3A_1523 = tpu.memref_slice %arg16[%dma_start3A_1522] : memref<5008xi32, #tpu.memory_space<vmem>> -> memref<16xi32, #tpu.memory_space<vmem>>
      %dma_start3A_1524 = tpu.memref_slice %arg4[%add3A_1492] : memref<160000xi32, #tpu.memory_space<hbm>> -> memref<16xi32, #tpu.memory_space<hbm>>
      tpu.enqueue_dma source(%dma_start3A_1524 : memref<16xi32, #tpu.memory_space<hbm>>) target(%dma_start3A_1523 : memref<16xi32, #tpu.memory_space<vmem>>) target_semaphore(%arg28 : memref<!tpu.dma_semaphore, #tpu.memory_space<semaphore_mem>>)
      %dma_start3A_1525 = arith.constant 4992 : i32
      %dma_start3A_1526 = tpu.memref_slice %arg17[%dma_start3A_1525] : memref<5008xi32, #tpu.memory_space<vmem>> -> memref<16xi32, #tpu.memory_space<vmem>>
      %dma_start3A_1527 = tpu.memref_slice %arg5[%add3A_1494] : memref<160000xi32, #tpu.memory_space<hbm>> -> memref<16xi32, #tpu.memory_space<hbm>>
      %dma_start3A_1528 = arith.constant 4992 : i32
      %dma_start3A_1529 = tpu.memref_slice %arg17[%dma_start3A_1528] : memref<5008xi32, #tpu.memory_space<vmem>> -> memref<16xi32, #tpu.memory_space<vmem>>
      %dma_start3A_1530 = tpu.memref_slice %arg5[%add3A_1494] : memref<160000xi32, #tpu.memory_space<hbm>> -> memref<16xi32, #tpu.memory_space<hbm>>
      tpu.enqueue_dma source(%dma_start3A_1530 : memref<16xi32, #tpu.memory_space<hbm>>) target(%dma_start3A_1529 : memref<16xi32, #tpu.memory_space<vmem>>) target_semaphore(%arg28 : memref<!tpu.dma_semaphore, #tpu.memory_space<semaphore_mem>>)
    } else {
    }
    %iota3A = tpu.iota {dimensions = array<i32: 0>} : vector<16xi32>
    tpu.wait_dma2 semaphore(%arg25 : memref<!tpu.dma_semaphore, #tpu.memory_space<semaphore_mem>>) src(%arg3 : memref<4000xf32, #tpu.memory_space<hbm>>) dst(%arg10 : memref<4000xf32, #tpu.memory_space<vmem>>)
    %mul3A_157 = arith.constant 500 : i32
    %mul3A_158 = arith.muli %select_n3A, %mul3A_157 : i32
    %add3A_159 = arith.constant 0 : i32
    %add3A_160 = vector.broadcast %add3A_159 : i32 to vector<16xi32>
    %add3A_161 = arith.addi %add3A_160, %iota3A : vector<16xi32>
    %min3A = arith.constant 99 : i32
    %min3A_162 = vector.broadcast %min3A : i32 to vector<16xi32>
    %min3A_163 = arith.minsi %add3A_161, %min3A_162 : vector<16xi32>
    %mul3A_164 = arith.constant 5 : i32
    %mul3A_165 = vector.broadcast %mul3A_164 : i32 to vector<16xi32>
    %mul3A_166 = arith.muli %min3A_163, %mul3A_165 : vector<16xi32>
    %add3A_167 = vector.broadcast %mul3A_158 : i32 to vector<16xi32>
    %add3A_168 = arith.addi %mul3A_166, %add3A_167 : vector<16xi32>
    %gather3A = tpu.vector_load_idx %arg10[%add3A_168] : memref<4000xf32, #tpu.memory_space<vmem>>[vector<16xi32>], vector<16xf32>,
    %add3A_169 = arith.constant 1 : i32
    %add3A_170 = vector.broadcast %add3A_169 : i32 to vector<16xi32>
    %add3A_171 = arith.addi %add3A_168, %add3A_170 : vector<16xi32>
    %gather3A_172 = tpu.vector_load_idx %arg10[%add3A_171] : memref<4000xf32, #tpu.memory_space<vmem>>[vector<16xi32>], vector<16xf32>,
    %add3A_173 = arith.constant 2 : i32
    %add3A_174 = vector.broadcast %add3A_173 : i32 to vector<16xi32>
    %add3A_175 = arith.addi %add3A_168, %add3A_174 : vector<16xi32>
    %gather3A_176 = tpu.vector_load_idx %arg10[%add3A_175] : memref<4000xf32, #tpu.memory_space<vmem>>[vector<16xi32>], vector<16xf32>,
    %add3A_177 = arith.constant 3 : i32
    %add3A_178 = vector.broadcast %add3A_177 : i32 to vector<16xi32>
    %add3A_179 = arith.addi %add3A_168, %add3A_178 : vector<16xi32>
    %gather3A_180 = tpu.vector_load_idx %arg10[%add3A_179] : memref<4000xf32, #tpu.memory_space<vmem>>[vector<16xi32>], vector<16xf32>,
    %add3A_181 = arith.constant 4 : i32
    %add3A_182 = vector.broadcast %add3A_181 : i32 to vector<16xi32>
    %add3A_183 = arith.addi %add3A_168, %add3A_182 : vector<16xi32>
    %gather3A_184 = tpu.vector_load_idx %arg10[%add3A_183] : memref<4000xf32, #tpu.memory_space<vmem>>[vector<16xi32>], vector<16xf32>,
    %add3A_185 = arith.addf %gather3A, %gather3A_176 : vector<16xf32>
    %swap3A = arith.constant 0 : index
    %swap3A_186 = tpu.vector_load %arg11[%swap3A] {strides = array<i32>} : memref<560xf32, #tpu.memory_space<vmem>>, vector<16xf32>,
    tpu.vector_store %arg11[%swap3A], %add3A_185 {strides = array<i32>} : memref<560xf32, #tpu.memory_space<vmem>>, vector<16xf32>,
    %add3A_187 = arith.addf %gather3A_172, %gather3A_180 : vector<16xf32>
    %swap3A_188 = arith.constant 112 : index
    %swap3A_189 = tpu.vector_load %arg11[%swap3A_188] {strides = array<i32>} : memref<560xf32, #tpu.memory_space<vmem>>, vector<16xf32>,
    tpu.vector_store %arg11[%swap3A_188], %add3A_187 {strides = array<i32>} : memref<560xf32, #tpu.memory_space<vmem>>, vector<16xf32>,
    %sub3A_190 = arith.subf %gather3A_176, %gather3A : vector<16xf32>
    %max3A_191 = arith.constant 1.000000e-03 : f32
    %max3A_192 = vector.broadcast %max3A_191 : f32 to vector<16xf32>
    %max3A_193 = arith.maximumf %sub3A_190, %max3A_192 : vector<16xf32>
    %bitcast_convert_type3A = tpu.bitcast %max3A_193 : vector<16xf32> -> vector<16xi32>
    %shift_right_arithmetic3A = arith.constant 23 : i32
    %shift_right_arithmetic3A_194 = vector.broadcast %shift_right_arithmetic3A : i32 to vector<16xi32>
    %shift_right_arithmetic3A_195 = arith.shrsi %bitcast_convert_type3A, %shift_right_arithmetic3A_194 : vector<16xi32>
    %and3A_196 = arith.constant 255 : i32
    %and3A_197 = vector.broadcast %and3A_196 : i32 to vector<16xi32>
    %and3A_198 = arith.andi %shift_right_arithmetic3A_195, %and3A_197 : vector<16xi32>
    %sub3A_199 = arith.constant 127 : i32
    %sub3A_200 = vector.broadcast %sub3A_199 : i32 to vector<16xi32>
    %sub3A_201 = arith.subi %and3A_198, %sub3A_200 : vector<16xi32>
    %and3A_202 = arith.constant 8388607 : i32
    %and3A_203 = vector.broadcast %and3A_202 : i32 to vector<16xi32>
    %and3A_204 = arith.andi %bitcast_convert_type3A, %and3A_203 : vector<16xi32>
    %or3A = arith.constant 1065353216 : i32
    %or3A_205 = vector.broadcast %or3A : i32 to vector<16xi32>
    %or3A_206 = arith.ori %and3A_204, %or3A_205 : vector<16xi32>
    %bitcast_convert_type3A_207 = tpu.bitcast %or3A_206 : vector<16xi32> -> vector<16xf32>
    %mul3A_208 = arith.constant 0.0439286307 : f32
    %mul3A_209 = vector.broadcast %mul3A_208 : f32 to vector<16xf32>
    %mul3A_210 = arith.mulf %mul3A_209, %bitcast_convert_type3A_207 : vector<16xf32>
    %add3A_211 = arith.constant -0.409475595 : f32
    %add3A_212 = vector.broadcast %add3A_211 : f32 to vector<16xf32>
    %add3A_213 = arith.addf %mul3A_210, %add3A_212 : vector<16xf32>
    %mul3A_214 = arith.mulf %add3A_213, %bitcast_convert_type3A_207 : vector<16xf32>
    %add3A_215 = arith.constant 1.61017752 : f32
    %add3A_216 = vector.broadcast %add3A_215 : f32 to vector<16xf32>
    %add3A_217 = arith.addf %mul3A_214, %add3A_216 : vector<16xf32>
    %mul3A_218 = arith.mulf %add3A_217, %bitcast_convert_type3A_207 : vector<16xf32>
    %add3A_219 = arith.constant -3.52021885 : f32
    %add3A_220 = vector.broadcast %add3A_219 : f32 to vector<16xf32>
    %add3A_221 = arith.addf %mul3A_218, %add3A_220 : vector<16xf32>
    %mul3A_222 = arith.mulf %add3A_221, %bitcast_convert_type3A_207 : vector<16xf32>
    %add3A_223 = arith.constant 5.06975651 : f32
    %add3A_224 = vector.broadcast %add3A_223 : f32 to vector<16xf32>
    %add3A_225 = arith.addf %mul3A_222, %add3A_224 : vector<16xf32>
    %mul3A_226 = arith.mulf %add3A_225, %bitcast_convert_type3A_207 : vector<16xf32>
    %add3A_227 = arith.constant -2.79415369 : f32
    %add3A_228 = vector.broadcast %add3A_227 : f32 to vector<16xf32>
    %add3A_229 = arith.addf %mul3A_226, %add3A_228 : vector<16xf32>
    %convert_element_type3A_230 = arith.sitofp %sub3A_201 : vector<16xi32> to vector<16xf32>
    %add3A_231 = arith.addf %convert_element_type3A_230, %add3A_229 : vector<16xf32>
    %mul3A_232 = arith.constant 0.693147182 : f32
    %mul3A_233 = vector.broadcast %mul3A_232 : f32 to vector<16xf32>
    %mul3A_234 = arith.mulf %add3A_231, %mul3A_233 : vector<16xf32>
    %swap3A_235 = arith.constant 224 : index
    %swap3A_236 = tpu.vector_load %arg11[%swap3A_235] {strides = array<i32>} : memref<560xf32, #tpu.memory_space<vmem>>, vector<16xf32>,
    tpu.vector_store %arg11[%swap3A_235], %mul3A_234 {strides = array<i32>} : memref<560xf32, #tpu.memory_space<vmem>>, vector<16xf32>,
    %sub3A_237 = arith.subf %gather3A_180, %gather3A_172 : vector<16xf32>
    %max3A_238 = arith.constant 1.000000e-03 : f32
    %max3A_239 = vector.broadcast %max3A_238 : f32 to vector<16xf32>
    %max3A_240 = arith.maximumf %sub3A_237, %max3A_239 : vector<16xf32>
    %bitcast_convert_type3A_241 = tpu.bitcast %max3A_240 : vector<16xf32> -> vector<16xi32>
    %shift_right_arithmetic3A_242 = arith.constant 23 : i32
    %shift_right_arithmetic3A_243 = vector.broadcast %shift_right_arithmetic3A_242 : i32 to vector<16xi32>
    %shift_right_arithmetic3A_244 = arith.shrsi %bitcast_convert_type3A_241, %shift_right_arithmetic3A_243 : vector<16xi32>
    %and3A_245 = arith.constant 255 : i32
    %and3A_246 = vector.broadcast %and3A_245 : i32 to vector<16xi32>
    %and3A_247 = arith.andi %shift_right_arithmetic3A_244, %and3A_246 : vector<16xi32>
    %sub3A_248 = arith.constant 127 : i32
    %sub3A_249 = vector.broadcast %sub3A_248 : i32 to vector<16xi32>
    %sub3A_250 = arith.subi %and3A_247, %sub3A_249 : vector<16xi32>
    %and3A_251 = arith.constant 8388607 : i32
    %and3A_252 = vector.broadcast %and3A_251 : i32 to vector<16xi32>
    %and3A_253 = arith.andi %bitcast_convert_type3A_241, %and3A_252 : vector<16xi32>
    %or3A_254 = arith.constant 1065353216 : i32
    %or3A_255 = vector.broadcast %or3A_254 : i32 to vector<16xi32>
    %or3A_256 = arith.ori %and3A_253, %or3A_255 : vector<16xi32>
    %bitcast_convert_type3A_257 = tpu.bitcast %or3A_256 : vector<16xi32> -> vector<16xf32>
    %mul3A_258 = arith.constant 0.0439286307 : f32
    %mul3A_259 = vector.broadcast %mul3A_258 : f32 to vector<16xf32>
    %mul3A_260 = arith.mulf %mul3A_259, %bitcast_convert_type3A_257 : vector<16xf32>
    %add3A_261 = arith.constant -0.409475595 : f32
    %add3A_262 = vector.broadcast %add3A_261 : f32 to vector<16xf32>
    %add3A_263 = arith.addf %mul3A_260, %add3A_262 : vector<16xf32>
    %mul3A_264 = arith.mulf %add3A_263, %bitcast_convert_type3A_257 : vector<16xf32>
    %add3A_265 = arith.constant 1.61017752 : f32
    %add3A_266 = vector.broadcast %add3A_265 : f32 to vector<16xf32>
    %add3A_267 = arith.addf %mul3A_264, %add3A_266 : vector<16xf32>
    %mul3A_268 = arith.mulf %add3A_267, %bitcast_convert_type3A_257 : vector<16xf32>
    %add3A_269 = arith.constant -3.52021885 : f32
    %add3A_270 = vector.broadcast %add3A_269 : f32 to vector<16xf32>
    %add3A_271 = arith.addf %mul3A_268, %add3A_270 : vector<16xf32>
    %mul3A_272 = arith.mulf %add3A_271, %bitcast_convert_type3A_257 : vector<16xf32>
    %add3A_273 = arith.constant 5.06975651 : f32
    %add3A_274 = vector.broadcast %add3A_273 : f32 to vector<16xf32>
    %add3A_275 = arith.addf %mul3A_272, %add3A_274 : vector<16xf32>
    %mul3A_276 = arith.mulf %add3A_275, %bitcast_convert_type3A_257 : vector<16xf32>
    %add3A_277 = arith.constant -2.79415369 : f32
    %add3A_278 = vector.broadcast %add3A_277 : f32 to vector<16xf32>
    %add3A_279 = arith.addf %mul3A_276, %add3A_278 : vector<16xf32>
    %convert_element_type3A_280 = arith.sitofp %sub3A_250 : vector<16xi32> to vector<16xf32>
    %add3A_281 = arith.addf %convert_element_type3A_280, %add3A_279 : vector<16xf32>
    %mul3A_282 = arith.constant 0.693147182 : f32
    %mul3A_283 = vector.broadcast %mul3A_282 : f32 to vector<16xf32>
    %mul3A_284 = arith.mulf %add3A_281, %mul3A_283 : vector<16xf32>
    %swap3A_285 = arith.constant 336 : index
    %swap3A_286 = tpu.vector_load %arg11[%swap3A_285] {strides = array<i32>} : memref<560xf32, #tpu.memory_space<vmem>>, vector<16xf32>,
    tpu.vector_store %arg11[%swap3A_285], %mul3A_284 {strides = array<i32>} : memref<560xf32, #tpu.memory_space<vmem>>, vector<16xf32>,
    %swap3A_287 = arith.constant 448 : index
    %swap3A_288 = tpu.vector_load %arg11[%swap3A_287] {strides = array<i32>} : memref<560xf32, #tpu.memory_space<vmem>>, vector<16xf32>,
    tpu.vector_store %arg11[%swap3A_287], %gather3A_184 {strides = array<i32>} : memref<560xf32, #tpu.memory_space<vmem>>, vector<16xf32>,
    %add3A_289 = arith.constant 16 : i32
    %add3A_290 = vector.broadcast %add3A_289 : i32 to vector<16xi32>
    %add3A_291 = arith.addi %add3A_290, %iota3A : vector<16xi32>
    %min3A_292 = arith.constant 99 : i32
    %min3A_293 = vector.broadcast %min3A_292 : i32 to vector<16xi32>
    %min3A_294 = arith.minsi %add3A_291, %min3A_293 : vector<16xi32>
    %mul3A_295 = arith.constant 5 : i32
    %mul3A_296 = vector.broadcast %mul3A_295 : i32 to vector<16xi32>
    %mul3A_297 = arith.muli %min3A_294, %mul3A_296 : vector<16xi32>
    %add3A_298 = vector.broadcast %mul3A_158 : i32 to vector<16xi32>
    %add3A_299 = arith.addi %mul3A_297, %add3A_298 : vector<16xi32>
    %gather3A_300 = tpu.vector_load_idx %arg10[%add3A_299] : memref<4000xf32, #tpu.memory_space<vmem>>[vector<16xi32>], vector<16xf32>,
    %add3A_301 = arith.constant 1 : i32
    %add3A_302 = vector.broadcast %add3A_301 : i32 to vector<16xi32>
    %add3A_303 = arith.addi %add3A_299, %add3A_302 : vector<16xi32>
    %gather3A_304 = tpu.vector_load_idx %arg10[%add3A_303] : memref<4000xf32, #tpu.memory_space<vmem>>[vector<16xi32>], vector<16xf32>,
    %add3A_305 = arith.constant 2 : i32
    %add3A_306 = vector.broadcast %add3A_305 : i32 to vector<16xi32>
    %add3A_307 = arith.addi %add3A_299, %add3A_306 : vector<16xi32>
    %gather3A_308 = tpu.vector_load_idx %arg10[%add3A_307] : memref<4000xf32, #tpu.memory_space<vmem>>[vector<16xi32>], vector<16xf32>,
    %add3A_309 = arith.constant 3 : i32
    %add3A_310 = vector.broadcast %add3A_309 : i32 to vector<16xi32>
    %add3A_311 = arith.addi %add3A_299, %add3A_310 : vector<16xi32>
    %gather3A_312 = tpu.vector_load_idx %arg10[%add3A_311] : memref<4000xf32, #tpu.memory_space<vmem>>[vector<16xi32>], vector<16xf32>,
    %add3A_313 = arith.constant 4 : i32
    %add3A_314 = vector.broadcast %add3A_313 : i32 to vector<16xi32>
    %add3A_315 = arith.addi %add3A_299, %add3A_314 : vector<16xi32>
    %gather3A_316 = tpu.vector_load_idx %arg10[%add3A_315] : memref<4000xf32, #tpu.memory_space<vmem>>[vector<16xi32>], vector<16xf32>,
    %add3A_317 = arith.addf %gather3A_300, %gather3A_308 : vector<16xf32>
    %swap3A_318 = arith.constant 16 : index
    %swap3A_319 = tpu.vector_load %arg11[%swap3A_318] {strides = array<i32>} : memref<560xf32, #tpu.memory_space<vmem>>, vector<16xf32>,
    tpu.vector_store %arg11[%swap3A_318], %add3A_317 {strides = array<i32>} : memref<560xf32, #tpu.memory_space<vmem>>, vector<16xf32>,
    %add3A_320 = arith.addf %gather3A_304, %gather3A_312 : vector<16xf32>
    %swap3A_321 = arith.constant 128 : index
    %swap3A_322 = tpu.vector_load %arg11[%swap3A_321] {strides = array<i32>} : memref<560xf32, #tpu.memory_space<vmem>>, vector<16xf32>,
    tpu.vector_store %arg11[%swap3A_321], %add3A_320 {strides = array<i32>} : memref<560xf32, #tpu.memory_space<vmem>>, vector<16xf32>,
    %sub3A_323 = arith.subf %gather3A_308, %gather3A_300 : vector<16xf32>
    %max3A_324 = arith.constant 1.000000e-03 : f32
    %max3A_325 = vector.broadcast %max3A_324 : f32 to vector<16xf32>
    %max3A_326 = arith.maximumf %sub3A_323, %max3A_325 : vector<16xf32>
    %bitcast_convert_type3A_327 = tpu.bitcast %max3A_326 : vector<16xf32> -> vector<16xi32>
    %shift_right_arithmetic3A_328 = arith.constant 23 : i32
    %shift_right_arithmetic3A_329 = vector.broadcast %shift_right_arithmetic3A_328 : i32 to vector<16xi32>
    %shift_right_arithmetic3A_330 = arith.shrsi %bitcast_convert_type3A_327, %shift_right_arithmetic3A_329 : vector<16xi32>
    %and3A_331 = arith.constant 255 : i32
    %and3A_332 = vector.broadcast %and3A_331 : i32 to vector<16xi32>
    %and3A_333 = arith.andi %shift_right_arithmetic3A_330, %and3A_332 : vector<16xi32>
    %sub3A_334 = arith.constant 127 : i32
    %sub3A_335 = vector.broadcast %sub3A_334 : i32 to vector<16xi32>
    %sub3A_336 = arith.subi %and3A_333, %sub3A_335 : vector<16xi32>
    %and3A_337 = arith.constant 8388607 : i32
    %and3A_338 = vector.broadcast %and3A_337 : i32 to vector<16xi32>
    %and3A_339 = arith.andi %bitcast_convert_type3A_327, %and3A_338 : vector<16xi32>
    %or3A_340 = arith.constant 1065353216 : i32
    %or3A_341 = vector.broadcast %or3A_340 : i32 to vector<16xi32>
    %or3A_342 = arith.ori %and3A_339, %or3A_341 : vector<16xi32>
    %bitcast_convert_type3A_343 = tpu.bitcast %or3A_342 : vector<16xi32> -> vector<16xf32>
    %mul3A_344 = arith.constant 0.0439286307 : f32
    %mul3A_345 = vector.broadcast %mul3A_344 : f32 to vector<16xf32>
    %mul3A_346 = arith.mulf %mul3A_345, %bitcast_convert_type3A_343 : vector<16xf32>
    %add3A_347 = arith.constant -0.409475595 : f32
    %add3A_348 = vector.broadcast %add3A_347 : f32 to vector<16xf32>
    %add3A_349 = arith.addf %mul3A_346, %add3A_348 : vector<16xf32>
    %mul3A_350 = arith.mulf %add3A_349, %bitcast_convert_type3A_343 : vector<16xf32>
    %add3A_351 = arith.constant 1.61017752 : f32
    %add3A_352 = vector.broadcast %add3A_351 : f32 to vector<16xf32>
    %add3A_353 = arith.addf %mul3A_350, %add3A_352 : vector<16xf32>
    %mul3A_354 = arith.mulf %add3A_353, %bitcast_convert_type3A_343 : vector<16xf32>
    %add3A_355 = arith.constant -3.52021885 : f32
    %add3A_356 = vector.broadcast %add3A_355 : f32 to vector<16xf32>
    %add3A_357 = arith.addf %mul3A_354, %add3A_356 : vector<16xf32>
    %mul3A_358 = arith.mulf %add3A_357, %bitcast_convert_type3A_343 : vector<16xf32>
    %add3A_359 = arith.constant 5.06975651 : f32
    %add3A_360 = vector.broadcast %add3A_359 : f32 to vector<16xf32>
    %add3A_361 = arith.addf %mul3A_358, %add3A_360 : vector<16xf32>
    %mul3A_362 = arith.mulf %add3A_361, %bitcast_convert_type3A_343 : vector<16xf32>
    %add3A_363 = arith.constant -2.79415369 : f32
    %add3A_364 = vector.broadcast %add3A_363 : f32 to vector<16xf32>
    %add3A_365 = arith.addf %mul3A_362, %add3A_364 : vector<16xf32>
    %convert_element_type3A_366 = arith.sitofp %sub3A_336 : vector<16xi32> to vector<16xf32>
    %add3A_367 = arith.addf %convert_element_type3A_366, %add3A_365 : vector<16xf32>
    %mul3A_368 = arith.constant 0.693147182 : f32
    %mul3A_369 = vector.broadcast %mul3A_368 : f32 to vector<16xf32>
    %mul3A_370 = arith.mulf %add3A_367, %mul3A_369 : vector<16xf32>
    %swap3A_371 = arith.constant 240 : index
    %swap3A_372 = tpu.vector_load %arg11[%swap3A_371] {strides = array<i32>} : memref<560xf32, #tpu.memory_space<vmem>>, vector<16xf32>,
    tpu.vector_store %arg11[%swap3A_371], %mul3A_370 {strides = array<i32>} : memref<560xf32, #tpu.memory_space<vmem>>, vector<16xf32>,
    %sub3A_373 = arith.subf %gather3A_312, %gather3A_304 : vector<16xf32>
    %max3A_374 = arith.constant 1.000000e-03 : f32
    %max3A_375 = vector.broadcast %max3A_374 : f32 to vector<16xf32>
    %max3A_376 = arith.maximumf %sub3A_373, %max3A_375 : vector<16xf32>
    %bitcast_convert_type3A_377 = tpu.bitcast %max3A_376 : vector<16xf32> -> vector<16xi32>
    %shift_right_arithmetic3A_378 = arith.constant 23 : i32
    %shift_right_arithmetic3A_379 = vector.broadcast %shift_right_arithmetic3A_378 : i32 to vector<16xi32>
    %shift_right_arithmetic3A_380 = arith.shrsi %bitcast_convert_type3A_377, %shift_right_arithmetic3A_379 : vector<16xi32>
    %and3A_381 = arith.constant 255 : i32
    %and3A_382 = vector.broadcast %and3A_381 : i32 to vector<16xi32>
    %and3A_383 = arith.andi %shift_right_arithmetic3A_380, %and3A_382 : vector<16xi32>
    %sub3A_384 = arith.constant 127 : i32
    %sub3A_385 = vector.broadcast %sub3A_384 : i32 to vector<16xi32>
    %sub3A_386 = arith.subi %and3A_383, %sub3A_385 : vector<16xi32>
    %and3A_387 = arith.constant 8388607 : i32
    %and3A_388 = vector.broadcast %and3A_387 : i32 to vector<16xi32>
    %and3A_389 = arith.andi %bitcast_convert_type3A_377, %and3A_388 : vector<16xi32>
    %or3A_390 = arith.constant 1065353216 : i32
    %or3A_391 = vector.broadcast %or3A_390 : i32 to vector<16xi32>
    %or3A_392 = arith.ori %and3A_389, %or3A_391 : vector<16xi32>
    %bitcast_convert_type3A_393 = tpu.bitcast %or3A_392 : vector<16xi32> -> vector<16xf32>
    %mul3A_394 = arith.constant 0.0439286307 : f32
    %mul3A_395 = vector.broadcast %mul3A_394 : f32 to vector<16xf32>
    %mul3A_396 = arith.mulf %mul3A_395, %bitcast_convert_type3A_393 : vector<16xf32>
    %add3A_397 = arith.constant -0.409475595 : f32
    %add3A_398 = vector.broadcast %add3A_397 : f32 to vector<16xf32>
    %add3A_399 = arith.addf %mul3A_396, %add3A_398 : vector<16xf32>
    %mul3A_400 = arith.mulf %add3A_399, %bitcast_convert_type3A_393 : vector<16xf32>
    %add3A_401 = arith.constant 1.61017752 : f32
    %add3A_402 = vector.broadcast %add3A_401 : f32 to vector<16xf32>
    %add3A_403 = arith.addf %mul3A_400, %add3A_402 : vector<16xf32>
    %mul3A_404 = arith.mulf %add3A_403, %bitcast_convert_type3A_393 : vector<16xf32>
    %add3A_405 = arith.constant -3.52021885 : f32
    %add3A_406 = vector.broadcast %add3A_405 : f32 to vector<16xf32>
    %add3A_407 = arith.addf %mul3A_404, %add3A_406 : vector<16xf32>
    %mul3A_408 = arith.mulf %add3A_407, %bitcast_convert_type3A_393 : vector<16xf32>
    %add3A_409 = arith.constant 5.06975651 : f32
    %add3A_410 = vector.broadcast %add3A_409 : f32 to vector<16xf32>
    %add3A_411 = arith.addf %mul3A_408, %add3A_410 : vector<16xf32>
    %mul3A_412 = arith.mulf %add3A_411, %bitcast_convert_type3A_393 : vector<16xf32>
    %add3A_413 = arith.constant -2.79415369 : f32
    %add3A_414 = vector.broadcast %add3A_413 : f32 to vector<16xf32>
    %add3A_415 = arith.addf %mul3A_412, %add3A_414 : vector<16xf32>
    %convert_element_type3A_416 = arith.sitofp %sub3A_386 : vector<16xi32> to vector<16xf32>
    %add3A_417 = arith.addf %convert_element_type3A_416, %add3A_415 : vector<16xf32>
    %mul3A_418 = arith.constant 0.693147182 : f32
    %mul3A_419 = vector.broadcast %mul3A_418 : f32 to vector<16xf32>
    %mul3A_420 = arith.mulf %add3A_417, %mul3A_419 : vector<16xf32>
    %swap3A_421 = arith.constant 352 : index
    %swap3A_422 = tpu.vector_load %arg11[%swap3A_421] {strides = array<i32>} : memref<560xf32, #tpu.memory_space<vmem>>, vector<16xf32>,
    tpu.vector_store %arg11[%swap3A_421], %mul3A_420 {strides = array<i32>} : memref<560xf32, #tpu.memory_space<vmem>>, vector<16xf32>,
    %swap3A_423 = arith.constant 464 : index
    %swap3A_424 = tpu.vector_load %arg11[%swap3A_423] {strides = array<i32>} : memref<560xf32, #tpu.memory_space<vmem>>, vector<16xf32>,
    tpu.vector_store %arg11[%swap3A_423], %gather3A_316 {strides = array<i32>} : memref<560xf32, #tpu.memory_space<vmem>>, vector<16xf32>,
    %add3A_425 = arith.constant 32 : i32
    %add3A_426 = vector.broadcast %add3A_425 : i32 to vector<16xi32>
    %add3A_427 = arith.addi %add3A_426, %iota3A : vector<16xi32>
    %min3A_428 = arith.constant 99 : i32
    %min3A_429 = vector.broadcast %min3A_428 : i32 to vector<16xi32>
    %min3A_430 = arith.minsi %add3A_427, %min3A_429 : vector<16xi32>
    %mul3A_431 = arith.constant 5 : i32
    %mul3A_432 = vector.broadcast %mul3A_431 : i32 to vector<16xi32>
    %mul3A_433 = arith.muli %min3A_430, %mul3A_432 : vector<16xi32>
    %add3A_434 = vector.broadcast %mul3A_158 : i32 to vector<16xi32>
    %add3A_435 = arith.addi %mul3A_433, %add3A_434 : vector<16xi32>
    %gather3A_436 = tpu.vector_load_idx %arg10[%add3A_435] : memref<4000xf32, #tpu.memory_space<vmem>>[vector<16xi32>], vector<16xf32>,
    %add3A_437 = arith.constant 1 : i32
    %add3A_438 = vector.broadcast %add3A_437 : i32 to vector<16xi32>
    %add3A_439 = arith.addi %add3A_435, %add3A_438 : vector<16xi32>
    %gather3A_440 = tpu.vector_load_idx %arg10[%add3A_439] : memref<4000xf32, #tpu.memory_space<vmem>>[vector<16xi32>], vector<16xf32>,
    %add3A_441 = arith.constant 2 : i32
    %add3A_442 = vector.broadcast %add3A_441 : i32 to vector<16xi32>
    %add3A_443 = arith.addi %add3A_435, %add3A_442 : vector<16xi32>
    %gather3A_444 = tpu.vector_load_idx %arg10[%add3A_443] : memref<4000xf32, #tpu.memory_space<vmem>>[vector<16xi32>], vector<16xf32>,
    %add3A_445 = arith.constant 3 : i32
    %add3A_446 = vector.broadcast %add3A_445 : i32 to vector<16xi32>
    %add3A_447 = arith.addi %add3A_435, %add3A_446 : vector<16xi32>
    %gather3A_448 = tpu.vector_load_idx %arg10[%add3A_447] : memref<4000xf32, #tpu.memory_space<vmem>>[vector<16xi32>], vector<16xf32>,
    %add3A_449 = arith.constant 4 : i32
    %add3A_450 = vector.broadcast %add3A_449 : i32 to vector<16xi32>
    %add3A_451 = arith.addi %add3A_435, %add3A_450 : vector<16xi32>
    %gather3A_452 = tpu.vector_load_idx %arg10[%add3A_451] : memref<4000xf32, #tpu.memory_space<vmem>>[vector<16xi32>], vector<16xf32>,
    %add3A_453 = arith.addf %gather3A_436, %gather3A_444 : vector<16xf32>
    %swap3A_454 = arith.constant 32 : index
    %swap3A_455 = tpu.vector_load %arg11[%swap3A_454] {strides = array<i32>} : memref<560xf32, #tpu.memory_space<vmem>>, vector<16xf32>,
    tpu.vector_store %arg11[%swap3A_454], %add3A_453 {strides = array<i32>} : memref<560xf32, #tpu.memory_space<vmem>>, vector<16xf32>,
    %add3A_456 = arith.addf %gather3A_440, %gather3A_448 : vector<16xf32>
    %swap3A_457 = arith.constant 144 : index
    %swap3A_458 = tpu.vector_load %arg11[%swap3A_457] {strides = array<i32>} : memref<560xf32, #tpu.memory_space<vmem>>, vector<16xf32>,
    tpu.vector_store %arg11[%swap3A_457], %add3A_456 {strides = array<i32>} : memref<560xf32, #tpu.memory_space<vmem>>, vector<16xf32>,
    %sub3A_459 = arith.subf %gather3A_444, %gather3A_436 : vector<16xf32>
    %max3A_460 = arith.constant 1.000000e-03 : f32
    %max3A_461 = vector.broadcast %max3A_460 : f32 to vector<16xf32>
    %max3A_462 = arith.maximumf %sub3A_459, %max3A_461 : vector<16xf32>
    %bitcast_convert_type3A_463 = tpu.bitcast %max3A_462 : vector<16xf32> -> vector<16xi32>
    %shift_right_arithmetic3A_464 = arith.constant 23 : i32
    %shift_right_arithmetic3A_465 = vector.broadcast %shift_right_arithmetic3A_464 : i32 to vector<16xi32>
    %shift_right_arithmetic3A_466 = arith.shrsi %bitcast_convert_type3A_463, %shift_right_arithmetic3A_465 : vector<16xi32>
    %and3A_467 = arith.constant 255 : i32
    %and3A_468 = vector.broadcast %and3A_467 : i32 to vector<16xi32>
    %and3A_469 = arith.andi %shift_right_arithmetic3A_466, %and3A_468 : vector<16xi32>
    %sub3A_470 = arith.constant 127 : i32
    %sub3A_471 = vector.broadcast %sub3A_470 : i32 to vector<16xi32>
    %sub3A_472 = arith.subi %and3A_469, %sub3A_471 : vector<16xi32>
    %and3A_473 = arith.constant 8388607 : i32
    %and3A_474 = vector.broadcast %and3A_473 : i32 to vector<16xi32>
    %and3A_475 = arith.andi %bitcast_convert_type3A_463, %and3A_474 : vector<16xi32>
    %or3A_476 = arith.constant 1065353216 : i32
    %or3A_477 = vector.broadcast %or3A_476 : i32 to vector<16xi32>
    %or3A_478 = arith.ori %and3A_475, %or3A_477 : vector<16xi32>
    %bitcast_convert_type3A_479 = tpu.bitcast %or3A_478 : vector<16xi32> -> vector<16xf32>
    %mul3A_480 = arith.constant 0.0439286307 : f32
    %mul3A_481 = vector.broadcast %mul3A_480 : f32 to vector<16xf32>
    %mul3A_482 = arith.mulf %mul3A_481, %bitcast_convert_type3A_479 : vector<16xf32>
    %add3A_483 = arith.constant -0.409475595 : f32
    %add3A_484 = vector.broadcast %add3A_483 : f32 to vector<16xf32>
    %add3A_485 = arith.addf %mul3A_482, %add3A_484 : vector<16xf32>
    %mul3A_486 = arith.mulf %add3A_485, %bitcast_convert_type3A_479 : vector<16xf32>
    %add3A_487 = arith.constant 1.61017752 : f32
    %add3A_488 = vector.broadcast %add3A_487 : f32 to vector<16xf32>
    %add3A_489 = arith.addf %mul3A_486, %add3A_488 : vector<16xf32>
    %mul3A_490 = arith.mulf %add3A_489, %bitcast_convert_type3A_479 : vector<16xf32>
    %add3A_491 = arith.constant -3.52021885 : f32
    %add3A_492 = vector.broadcast %add3A_491 : f32 to vector<16xf32>
    %add3A_493 = arith.addf %mul3A_490, %add3A_492 : vector<16xf32>
    %mul3A_494 = arith.mulf %add3A_493, %bitcast_convert_type3A_479 : vector<16xf32>
    %add3A_495 = arith.constant 5.06975651 : f32
    %add3A_496 = vector.broadcast %add3A_495 : f32 to vector<16xf32>
    %add3A_497 = arith.addf %mul3A_494, %add3A_496 : vector<16xf32>
    %mul3A_498 = arith.mulf %add3A_497, %bitcast_convert_type3A_479 : vector<16xf32>
    %add3A_499 = arith.constant -2.79415369 : f32
    %add3A_500 = vector.broadcast %add3A_499 : f32 to vector<16xf32>
    %add3A_501 = arith.addf %mul3A_498, %add3A_500 : vector<16xf32>
    %convert_element_type3A_502 = arith.sitofp %sub3A_472 : vector<16xi32> to vector<16xf32>
    %add3A_503 = arith.addf %convert_element_type3A_502, %add3A_501 : vector<16xf32>
    %mul3A_504 = arith.constant 0.693147182 : f32
    %mul3A_505 = vector.broadcast %mul3A_504 : f32 to vector<16xf32>
    %mul3A_506 = arith.mulf %add3A_503, %mul3A_505 : vector<16xf32>
    %swap3A_507 = arith.constant 256 : index
    %swap3A_508 = tpu.vector_load %arg11[%swap3A_507] {strides = array<i32>} : memref<560xf32, #tpu.memory_space<vmem>>, vector<16xf32>,
    tpu.vector_store %arg11[%swap3A_507], %mul3A_506 {strides = array<i32>} : memref<560xf32, #tpu.memory_space<vmem>>, vector<16xf32>,
    %sub3A_509 = arith.subf %gather3A_448, %gather3A_440 : vector<16xf32>
    %max3A_510 = arith.constant 1.000000e-03 : f32
    %max3A_511 = vector.broadcast %max3A_510 : f32 to vector<16xf32>
    %max3A_512 = arith.maximumf %sub3A_509, %max3A_511 : vector<16xf32>
    %bitcast_convert_type3A_513 = tpu.bitcast %max3A_512 : vector<16xf32> -> vector<16xi32>
    %shift_right_arithmetic3A_514 = arith.constant 23 : i32
    %shift_right_arithmetic3A_515 = vector.broadcast %shift_right_arithmetic3A_514 : i32 to vector<16xi32>
    %shift_right_arithmetic3A_516 = arith.shrsi %bitcast_convert_type3A_513, %shift_right_arithmetic3A_515 : vector<16xi32>
    %and3A_517 = arith.constant 255 : i32
    %and3A_518 = vector.broadcast %and3A_517 : i32 to vector<16xi32>
    %and3A_519 = arith.andi %shift_right_arithmetic3A_516, %and3A_518 : vector<16xi32>
    %sub3A_520 = arith.constant 127 : i32
    %sub3A_521 = vector.broadcast %sub3A_520 : i32 to vector<16xi32>
    %sub3A_522 = arith.subi %and3A_519, %sub3A_521 : vector<16xi32>
    %and3A_523 = arith.constant 8388607 : i32
    %and3A_524 = vector.broadcast %and3A_523 : i32 to vector<16xi32>
    %and3A_525 = arith.andi %bitcast_convert_type3A_513, %and3A_524 : vector<16xi32>
    %or3A_526 = arith.constant 1065353216 : i32
    %or3A_527 = vector.broadcast %or3A_526 : i32 to vector<16xi32>
    %or3A_528 = arith.ori %and3A_525, %or3A_527 : vector<16xi32>
    %bitcast_convert_type3A_529 = tpu.bitcast %or3A_528 : vector<16xi32> -> vector<16xf32>
    %mul3A_530 = arith.constant 0.0439286307 : f32
    %mul3A_531 = vector.broadcast %mul3A_530 : f32 to vector<16xf32>
    %mul3A_532 = arith.mulf %mul3A_531, %bitcast_convert_type3A_529 : vector<16xf32>
    %add3A_533 = arith.constant -0.409475595 : f32
    %add3A_534 = vector.broadcast %add3A_533 : f32 to vector<16xf32>
    %add3A_535 = arith.addf %mul3A_532, %add3A_534 : vector<16xf32>
    %mul3A_536 = arith.mulf %add3A_535, %bitcast_convert_type3A_529 : vector<16xf32>
    %add3A_537 = arith.constant 1.61017752 : f32
    %add3A_538 = vector.broadcast %add3A_537 : f32 to vector<16xf32>
    %add3A_539 = arith.addf %mul3A_536, %add3A_538 : vector<16xf32>
    %mul3A_540 = arith.mulf %add3A_539, %bitcast_convert_type3A_529 : vector<16xf32>
    %add3A_541 = arith.constant -3.52021885 : f32
    %add3A_542 = vector.broadcast %add3A_541 : f32 to vector<16xf32>
    %add3A_543 = arith.addf %mul3A_540, %add3A_542 : vector<16xf32>
    %mul3A_544 = arith.mulf %add3A_543, %bitcast_convert_type3A_529 : vector<16xf32>
    %add3A_545 = arith.constant 5.06975651 : f32
    %add3A_546 = vector.broadcast %add3A_545 : f32 to vector<16xf32>
    %add3A_547 = arith.addf %mul3A_544, %add3A_546 : vector<16xf32>
    %mul3A_548 = arith.mulf %add3A_547, %bitcast_convert_type3A_529 : vector<16xf32>
    %add3A_549 = arith.constant -2.79415369 : f32
    %add3A_550 = vector.broadcast %add3A_549 : f32 to vector<16xf32>
    %add3A_551 = arith.addf %mul3A_548, %add3A_550 : vector<16xf32>
    %convert_element_type3A_552 = arith.sitofp %sub3A_522 : vector<16xi32> to vector<16xf32>
    %add3A_553 = arith.addf %convert_element_type3A_552, %add3A_551 : vector<16xf32>
    %mul3A_554 = arith.constant 0.693147182 : f32
    %mul3A_555 = vector.broadcast %mul3A_554 : f32 to vector<16xf32>
    %mul3A_556 = arith.mulf %add3A_553, %mul3A_555 : vector<16xf32>
    %swap3A_557 = arith.constant 368 : index
    %swap3A_558 = tpu.vector_load %arg11[%swap3A_557] {strides = array<i32>} : memref<560xf32, #tpu.memory_space<vmem>>, vector<16xf32>,
    tpu.vector_store %arg11[%swap3A_557], %mul3A_556 {strides = array<i32>} : memref<560xf32, #tpu.memory_space<vmem>>, vector<16xf32>,
    %swap3A_559 = arith.constant 480 : index
    %swap3A_560 = tpu.vector_load %arg11[%swap3A_559] {strides = array<i32>} : memref<560xf32, #tpu.memory_space<vmem>>, vector<16xf32>,
    tpu.vector_store %arg11[%swap3A_559], %gather3A_452 {strides = array<i32>} : memref<560xf32, #tpu.memory_space<vmem>>, vector<16xf32>,
    %add3A_561 = arith.constant 48 : i32
    %add3A_562 = vector.broadcast %add3A_561 : i32 to vector<16xi32>
    %add3A_563 = arith.addi %add3A_562, %iota3A : vector<16xi32>
    %min3A_564 = arith.constant 99 : i32
    %min3A_565 = vector.broadcast %min3A_564 : i32 to vector<16xi32>
    %min3A_566 = arith.minsi %add3A_563, %min3A_565 : vector<16xi32>
    %mul3A_567 = arith.constant 5 : i32
    %mul3A_568 = vector.broadcast %mul3A_567 : i32 to vector<16xi32>
    %mul3A_569 = arith.muli %min3A_566, %mul3A_568 : vector<16xi32>
    %add3A_570 = vector.broadcast %mul3A_158 : i32 to vector<16xi32>
    %add3A_571 = arith.addi %mul3A_569, %add3A_570 : vector<16xi32>
    %gather3A_572 = tpu.vector_load_idx %arg10[%add3A_571] : memref<4000xf32, #tpu.memory_space<vmem>>[vector<16xi32>], vector<16xf32>,
    %add3A_573 = arith.constant 1 : i32
    %add3A_574 = vector.broadcast %add3A_573 : i32 to vector<16xi32>
    %add3A_575 = arith.addi %add3A_571, %add3A_574 : vector<16xi32>
    %gather3A_576 = tpu.vector_load_idx %arg10[%add3A_575] : memref<4000xf32, #tpu.memory_space<vmem>>[vector<16xi32>], vector<16xf32>,
    %add3A_577 = arith.constant 2 : i32
    %add3A_578 = vector.broadcast %add3A_577 : i32 to vector<16xi32>
    %add3A_579 = arith.addi %add3A_571, %add3A_578 : vector<16xi32>
    %gather3A_580 = tpu.vector_load_idx %arg10[%add3A_579] : memref<4000xf32, #tpu.memory_space<vmem>>[vector<16xi32>], vector<16xf32>,
    %add3A_581 = arith.constant 3 : i32
    %add3A_582 = vector.broadcast %add3A_581 : i32 to vector<16xi32>
    %add3A_583 = arith.addi %add3A_571, %add3A_582 : vector<16xi32>
    %gather3A_584 = tpu.vector_load_idx %arg10[%add3A_583] : memref<4000xf32, #tpu.memory_space<vmem>>[vector<16xi32>], vector<16xf32>,
    %add3A_585 = arith.constant 4 : i32
    %add3A_586 = vector.broadcast %add3A_585 : i32 to vector<16xi32>
    %add3A_587 = arith.addi %add3A_571, %add3A_586 : vector<16xi32>
    %gather3A_588 = tpu.vector_load_idx %arg10[%add3A_587] : memref<4000xf32, #tpu.memory_space<vmem>>[vector<16xi32>], vector<16xf32>,
    %add3A_589 = arith.addf %gather3A_572, %gather3A_580 : vector<16xf32>
    %swap3A_590 = arith.constant 48 : index
    %swap3A_591 = tpu.vector_load %arg11[%swap3A_590] {strides = array<i32>} : memref<560xf32, #tpu.memory_space<vmem>>, vector<16xf32>,
    tpu.vector_store %arg11[%swap3A_590], %add3A_589 {strides = array<i32>} : memref<560xf32, #tpu.memory_space<vmem>>, vector<16xf32>,
    %add3A_592 = arith.addf %gather3A_576, %gather3A_584 : vector<16xf32>
    %swap3A_593 = arith.constant 160 : index
    %swap3A_594 = tpu.vector_load %arg11[%swap3A_593] {strides = array<i32>} : memref<560xf32, #tpu.memory_space<vmem>>, vector<16xf32>,
    tpu.vector_store %arg11[%swap3A_593], %add3A_592 {strides = array<i32>} : memref<560xf32, #tpu.memory_space<vmem>>, vector<16xf32>,
    %sub3A_595 = arith.subf %gather3A_580, %gather3A_572 : vector<16xf32>
    %max3A_596 = arith.constant 1.000000e-03 : f32
    %max3A_597 = vector.broadcast %max3A_596 : f32 to vector<16xf32>
    %max3A_598 = arith.maximumf %sub3A_595, %max3A_597 : vector<16xf32>
    %bitcast_convert_type3A_599 = tpu.bitcast %max3A_598 : vector<16xf32> -> vector<16xi32>
    %shift_right_arithmetic3A_600 = arith.constant 23 : i32
    %shift_right_arithmetic3A_601 = vector.broadcast %shift_right_arithmetic3A_600 : i32 to vector<16xi32>
    %shift_right_arithmetic3A_602 = arith.shrsi %bitcast_convert_type3A_599, %shift_right_arithmetic3A_601 : vector<16xi32>
    %and3A_603 = arith.constant 255 : i32
    %and3A_604 = vector.broadcast %and3A_603 : i32 to vector<16xi32>
    %and3A_605 = arith.andi %shift_right_arithmetic3A_602, %and3A_604 : vector<16xi32>
    %sub3A_606 = arith.constant 127 : i32
    %sub3A_607 = vector.broadcast %sub3A_606 : i32 to vector<16xi32>
    %sub3A_608 = arith.subi %and3A_605, %sub3A_607 : vector<16xi32>
    %and3A_609 = arith.constant 8388607 : i32
    %and3A_610 = vector.broadcast %and3A_609 : i32 to vector<16xi32>
    %and3A_611 = arith.andi %bitcast_convert_type3A_599, %and3A_610 : vector<16xi32>
    %or3A_612 = arith.constant 1065353216 : i32
    %or3A_613 = vector.broadcast %or3A_612 : i32 to vector<16xi32>
    %or3A_614 = arith.ori %and3A_611, %or3A_613 : vector<16xi32>
    %bitcast_convert_type3A_615 = tpu.bitcast %or3A_614 : vector<16xi32> -> vector<16xf32>
    %mul3A_616 = arith.constant 0.0439286307 : f32
    %mul3A_617 = vector.broadcast %mul3A_616 : f32 to vector<16xf32>
    %mul3A_618 = arith.mulf %mul3A_617, %bitcast_convert_type3A_615 : vector<16xf32>
    %add3A_619 = arith.constant -0.409475595 : f32
    %add3A_620 = vector.broadcast %add3A_619 : f32 to vector<16xf32>
    %add3A_621 = arith.addf %mul3A_618, %add3A_620 : vector<16xf32>
    %mul3A_622 = arith.mulf %add3A_621, %bitcast_convert_type3A_615 : vector<16xf32>
    %add3A_623 = arith.constant 1.61017752 : f32
    %add3A_624 = vector.broadcast %add3A_623 : f32 to vector<16xf32>
    %add3A_625 = arith.addf %mul3A_622, %add3A_624 : vector<16xf32>
    %mul3A_626 = arith.mulf %add3A_625, %bitcast_convert_type3A_615 : vector<16xf32>
    %add3A_627 = arith.constant -3.52021885 : f32
    %add3A_628 = vector.broadcast %add3A_627 : f32 to vector<16xf32>
    %add3A_629 = arith.addf %mul3A_626, %add3A_628 : vector<16xf32>
    %mul3A_630 = arith.mulf %add3A_629, %bitcast_convert_type3A_615 : vector<16xf32>
    %add3A_631 = arith.constant 5.06975651 : f32
    %add3A_632 = vector.broadcast %add3A_631 : f32 to vector<16xf32>
    %add3A_633 = arith.addf %mul3A_630, %add3A_632 : vector<16xf32>
    %mul3A_634 = arith.mulf %add3A_633, %bitcast_convert_type3A_615 : vector<16xf32>
    %add3A_635 = arith.constant -2.79415369 : f32
    %add3A_636 = vector.broadcast %add3A_635 : f32 to vector<16xf32>
    %add3A_637 = arith.addf %mul3A_634, %add3A_636 : vector<16xf32>
    %convert_element_type3A_638 = arith.sitofp %sub3A_608 : vector<16xi32> to vector<16xf32>
    %add3A_639 = arith.addf %convert_element_type3A_638, %add3A_637 : vector<16xf32>
    %mul3A_640 = arith.constant 0.693147182 : f32
    %mul3A_641 = vector.broadcast %mul3A_640 : f32 to vector<16xf32>
    %mul3A_642 = arith.mulf %add3A_639, %mul3A_641 : vector<16xf32>
    %swap3A_643 = arith.constant 272 : index
    %swap3A_644 = tpu.vector_load %arg11[%swap3A_643] {strides = array<i32>} : memref<560xf32, #tpu.memory_space<vmem>>, vector<16xf32>,
    tpu.vector_store %arg11[%swap3A_643], %mul3A_642 {strides = array<i32>} : memref<560xf32, #tpu.memory_space<vmem>>, vector<16xf32>,
    %sub3A_645 = arith.subf %gather3A_584, %gather3A_576 : vector<16xf32>
    %max3A_646 = arith.constant 1.000000e-03 : f32
    %max3A_647 = vector.broadcast %max3A_646 : f32 to vector<16xf32>
    %max3A_648 = arith.maximumf %sub3A_645, %max3A_647 : vector<16xf32>
    %bitcast_convert_type3A_649 = tpu.bitcast %max3A_648 : vector<16xf32> -> vector<16xi32>
    %shift_right_arithmetic3A_650 = arith.constant 23 : i32
    %shift_right_arithmetic3A_651 = vector.broadcast %shift_right_arithmetic3A_650 : i32 to vector<16xi32>
    %shift_right_arithmetic3A_652 = arith.shrsi %bitcast_convert_type3A_649, %shift_right_arithmetic3A_651 : vector<16xi32>
    %and3A_653 = arith.constant 255 : i32
    %and3A_654 = vector.broadcast %and3A_653 : i32 to vector<16xi32>
    %and3A_655 = arith.andi %shift_right_arithmetic3A_652, %and3A_654 : vector<16xi32>
    %sub3A_656 = arith.constant 127 : i32
    %sub3A_657 = vector.broadcast %sub3A_656 : i32 to vector<16xi32>
    %sub3A_658 = arith.subi %and3A_655, %sub3A_657 : vector<16xi32>
    %and3A_659 = arith.constant 8388607 : i32
    %and3A_660 = vector.broadcast %and3A_659 : i32 to vector<16xi32>
    %and3A_661 = arith.andi %bitcast_convert_type3A_649, %and3A_660 : vector<16xi32>
    %or3A_662 = arith.constant 1065353216 : i32
    %or3A_663 = vector.broadcast %or3A_662 : i32 to vector<16xi32>
    %or3A_664 = arith.ori %and3A_661, %or3A_663 : vector<16xi32>
    %bitcast_convert_type3A_665 = tpu.bitcast %or3A_664 : vector<16xi32> -> vector<16xf32>
    %mul3A_666 = arith.constant 0.0439286307 : f32
    %mul3A_667 = vector.broadcast %mul3A_666 : f32 to vector<16xf32>
    %mul3A_668 = arith.mulf %mul3A_667, %bitcast_convert_type3A_665 : vector<16xf32>
    %add3A_669 = arith.constant -0.409475595 : f32
    %add3A_670 = vector.broadcast %add3A_669 : f32 to vector<16xf32>
    %add3A_671 = arith.addf %mul3A_668, %add3A_670 : vector<16xf32>
    %mul3A_672 = arith.mulf %add3A_671, %bitcast_convert_type3A_665 : vector<16xf32>
    %add3A_673 = arith.constant 1.61017752 : f32
    %add3A_674 = vector.broadcast %add3A_673 : f32 to vector<16xf32>
    %add3A_675 = arith.addf %mul3A_672, %add3A_674 : vector<16xf32>
    %mul3A_676 = arith.mulf %add3A_675, %bitcast_convert_type3A_665 : vector<16xf32>
    %add3A_677 = arith.constant -3.52021885 : f32
    %add3A_678 = vector.broadcast %add3A_677 : f32 to vector<16xf32>
    %add3A_679 = arith.addf %mul3A_676, %add3A_678 : vector<16xf32>
    %mul3A_680 = arith.mulf %add3A_679, %bitcast_convert_type3A_665 : vector<16xf32>
    %add3A_681 = arith.constant 5.06975651 : f32
    %add3A_682 = vector.broadcast %add3A_681 : f32 to vector<16xf32>
    %add3A_683 = arith.addf %mul3A_680, %add3A_682 : vector<16xf32>
    %mul3A_684 = arith.mulf %add3A_683, %bitcast_convert_type3A_665 : vector<16xf32>
    %add3A_685 = arith.constant -2.79415369 : f32
    %add3A_686 = vector.broadcast %add3A_685 : f32 to vector<16xf32>
    %add3A_687 = arith.addf %mul3A_684, %add3A_686 : vector<16xf32>
    %convert_element_type3A_688 = arith.sitofp %sub3A_658 : vector<16xi32> to vector<16xf32>
    %add3A_689 = arith.addf %convert_element_type3A_688, %add3A_687 : vector<16xf32>
    %mul3A_690 = arith.constant 0.693147182 : f32
    %mul3A_691 = vector.broadcast %mul3A_690 : f32 to vector<16xf32>
    %mul3A_692 = arith.mulf %add3A_689, %mul3A_691 : vector<16xf32>
    %swap3A_693 = arith.constant 384 : index
    %swap3A_694 = tpu.vector_load %arg11[%swap3A_693] {strides = array<i32>} : memref<560xf32, #tpu.memory_space<vmem>>, vector<16xf32>,
    tpu.vector_store %arg11[%swap3A_693], %mul3A_692 {strides = array<i32>} : memref<560xf32, #tpu.memory_space<vmem>>, vector<16xf32>,
    %swap3A_695 = arith.constant 496 : index
    %swap3A_696 = tpu.vector_load %arg11[%swap3A_695] {strides = array<i32>} : memref<560xf32, #tpu.memory_space<vmem>>, vector<16xf32>,
    tpu.vector_store %arg11[%swap3A_695], %gather3A_588 {strides = array<i32>} : memref<560xf32, #tpu.memory_space<vmem>>, vector<16xf32>,
    %add3A_697 = arith.constant 64 : i32
    %add3A_698 = vector.broadcast %add3A_697 : i32 to vector<16xi32>
    %add3A_699 = arith.addi %add3A_698, %iota3A : vector<16xi32>
    %min3A_700 = arith.constant 99 : i32
    %min3A_701 = vector.broadcast %min3A_700 : i32 to vector<16xi32>
    %min3A_702 = arith.minsi %add3A_699, %min3A_701 : vector<16xi32>
    %mul3A_703 = arith.constant 5 : i32
    %mul3A_704 = vector.broadcast %mul3A_703 : i32 to vector<16xi32>
    %mul3A_705 = arith.muli %min3A_702, %mul3A_704 : vector<16xi32>
    %add3A_706 = vector.broadcast %mul3A_158 : i32 to vector<16xi32>
    %add3A_707 = arith.addi %mul3A_705, %add3A_706 : vector<16xi32>
    %gather3A_708 = tpu.vector_load_idx %arg10[%add3A_707] : memref<4000xf32, #tpu.memory_space<vmem>>[vector<16xi32>], vector<16xf32>,
    %add3A_709 = arith.constant 1 : i32
    %add3A_710 = vector.broadcast %add3A_709 : i32 to vector<16xi32>
    %add3A_711 = arith.addi %add3A_707, %add3A_710 : vector<16xi32>
    %gather3A_712 = tpu.vector_load_idx %arg10[%add3A_711] : memref<4000xf32, #tpu.memory_space<vmem>>[vector<16xi32>], vector<16xf32>,
    %add3A_713 = arith.constant 2 : i32
    %add3A_714 = vector.broadcast %add3A_713 : i32 to vector<16xi32>
    %add3A_715 = arith.addi %add3A_707, %add3A_714 : vector<16xi32>
    %gather3A_716 = tpu.vector_load_idx %arg10[%add3A_715] : memref<4000xf32, #tpu.memory_space<vmem>>[vector<16xi32>], vector<16xf32>,
    %add3A_717 = arith.constant 3 : i32
    %add3A_718 = vector.broadcast %add3A_717 : i32 to vector<16xi32>
    %add3A_719 = arith.addi %add3A_707, %add3A_718 : vector<16xi32>
    %gather3A_720 = tpu.vector_load_idx %arg10[%add3A_719] : memref<4000xf32, #tpu.memory_space<vmem>>[vector<16xi32>], vector<16xf32>,
    %add3A_721 = arith.constant 4 : i32
    %add3A_722 = vector.broadcast %add3A_721 : i32 to vector<16xi32>
    %add3A_723 = arith.addi %add3A_707, %add3A_722 : vector<16xi32>
    %gather3A_724 = tpu.vector_load_idx %arg10[%add3A_723] : memref<4000xf32, #tpu.memory_space<vmem>>[vector<16xi32>], vector<16xf32>,
    %add3A_725 = arith.addf %gather3A_708, %gather3A_716 : vector<16xf32>
    %swap3A_726 = arith.constant 64 : index
    %swap3A_727 = tpu.vector_load %arg11[%swap3A_726] {strides = array<i32>} : memref<560xf32, #tpu.memory_space<vmem>>, vector<16xf32>,
    tpu.vector_store %arg11[%swap3A_726], %add3A_725 {strides = array<i32>} : memref<560xf32, #tpu.memory_space<vmem>>, vector<16xf32>,
    %add3A_728 = arith.addf %gather3A_712, %gather3A_720 : vector<16xf32>
    %swap3A_729 = arith.constant 176 : index
    %swap3A_730 = tpu.vector_load %arg11[%swap3A_729] {strides = array<i32>} : memref<560xf32, #tpu.memory_space<vmem>>, vector<16xf32>,
    tpu.vector_store %arg11[%swap3A_729], %add3A_728 {strides = array<i32>} : memref<560xf32, #tpu.memory_space<vmem>>, vector<16xf32>,
    %sub3A_731 = arith.subf %gather3A_716, %gather3A_708 : vector<16xf32>
    %max3A_732 = arith.constant 1.000000e-03 : f32
    %max3A_733 = vector.broadcast %max3A_732 : f32 to vector<16xf32>
    %max3A_734 = arith.maximumf %sub3A_731, %max3A_733 : vector<16xf32>
    %bitcast_convert_type3A_735 = tpu.bitcast %max3A_734 : vector<16xf32> -> vector<16xi32>
    %shift_right_arithmetic3A_736 = arith.constant 23 : i32
    %shift_right_arithmetic3A_737 = vector.broadcast %shift_right_arithmetic3A_736 : i32 to vector<16xi32>
    %shift_right_arithmetic3A_738 = arith.shrsi %bitcast_convert_type3A_735, %shift_right_arithmetic3A_737 : vector<16xi32>
    %and3A_739 = arith.constant 255 : i32
    %and3A_740 = vector.broadcast %and3A_739 : i32 to vector<16xi32>
    %and3A_741 = arith.andi %shift_right_arithmetic3A_738, %and3A_740 : vector<16xi32>
    %sub3A_742 = arith.constant 127 : i32
    %sub3A_743 = vector.broadcast %sub3A_742 : i32 to vector<16xi32>
    %sub3A_744 = arith.subi %and3A_741, %sub3A_743 : vector<16xi32>
    %and3A_745 = arith.constant 8388607 : i32
    %and3A_746 = vector.broadcast %and3A_745 : i32 to vector<16xi32>
    %and3A_747 = arith.andi %bitcast_convert_type3A_735, %and3A_746 : vector<16xi32>
    %or3A_748 = arith.constant 1065353216 : i32
    %or3A_749 = vector.broadcast %or3A_748 : i32 to vector<16xi32>
    %or3A_750 = arith.ori %and3A_747, %or3A_749 : vector<16xi32>
    %bitcast_convert_type3A_751 = tpu.bitcast %or3A_750 : vector<16xi32> -> vector<16xf32>
    %mul3A_752 = arith.constant 0.0439286307 : f32
    %mul3A_753 = vector.broadcast %mul3A_752 : f32 to vector<16xf32>
    %mul3A_754 = arith.mulf %mul3A_753, %bitcast_convert_type3A_751 : vector<16xf32>
    %add3A_755 = arith.constant -0.409475595 : f32
    %add3A_756 = vector.broadcast %add3A_755 : f32 to vector<16xf32>
    %add3A_757 = arith.addf %mul3A_754, %add3A_756 : vector<16xf32>
    %mul3A_758 = arith.mulf %add3A_757, %bitcast_convert_type3A_751 : vector<16xf32>
    %add3A_759 = arith.constant 1.61017752 : f32
    %add3A_760 = vector.broadcast %add3A_759 : f32 to vector<16xf32>
    %add3A_761 = arith.addf %mul3A_758, %add3A_760 : vector<16xf32>
    %mul3A_762 = arith.mulf %add3A_761, %bitcast_convert_type3A_751 : vector<16xf32>
    %add3A_763 = arith.constant -3.52021885 : f32
    %add3A_764 = vector.broadcast %add3A_763 : f32 to vector<16xf32>
    %add3A_765 = arith.addf %mul3A_762, %add3A_764 : vector<16xf32>
    %mul3A_766 = arith.mulf %add3A_765, %bitcast_convert_type3A_751 : vector<16xf32>
    %add3A_767 = arith.constant 5.06975651 : f32
    %add3A_768 = vector.broadcast %add3A_767 : f32 to vector<16xf32>
    %add3A_769 = arith.addf %mul3A_766, %add3A_768 : vector<16xf32>
    %mul3A_770 = arith.mulf %add3A_769, %bitcast_convert_type3A_751 : vector<16xf32>
    %add3A_771 = arith.constant -2.79415369 : f32
    %add3A_772 = vector.broadcast %add3A_771 : f32 to vector<16xf32>
    %add3A_773 = arith.addf %mul3A_770, %add3A_772 : vector<16xf32>
    %convert_element_type3A_774 = arith.sitofp %sub3A_744 : vector<16xi32> to vector<16xf32>
    %add3A_775 = arith.addf %convert_element_type3A_774, %add3A_773 : vector<16xf32>
    %mul3A_776 = arith.constant 0.693147182 : f32
    %mul3A_777 = vector.broadcast %mul3A_776 : f32 to vector<16xf32>
    %mul3A_778 = arith.mulf %add3A_775, %mul3A_777 : vector<16xf32>
    %swap3A_779 = arith.constant 288 : index
    %swap3A_780 = tpu.vector_load %arg11[%swap3A_779] {strides = array<i32>} : memref<560xf32, #tpu.memory_space<vmem>>, vector<16xf32>,
    tpu.vector_store %arg11[%swap3A_779], %mul3A_778 {strides = array<i32>} : memref<560xf32, #tpu.memory_space<vmem>>, vector<16xf32>,
    %sub3A_781 = arith.subf %gather3A_720, %gather3A_712 : vector<16xf32>
    %max3A_782 = arith.constant 1.000000e-03 : f32
    %max3A_783 = vector.broadcast %max3A_782 : f32 to vector<16xf32>
    %max3A_784 = arith.maximumf %sub3A_781, %max3A_783 : vector<16xf32>
    %bitcast_convert_type3A_785 = tpu.bitcast %max3A_784 : vector<16xf32> -> vector<16xi32>
    %shift_right_arithmetic3A_786 = arith.constant 23 : i32
    %shift_right_arithmetic3A_787 = vector.broadcast %shift_right_arithmetic3A_786 : i32 to vector<16xi32>
    %shift_right_arithmetic3A_788 = arith.shrsi %bitcast_convert_type3A_785, %shift_right_arithmetic3A_787 : vector<16xi32>
    %and3A_789 = arith.constant 255 : i32
    %and3A_790 = vector.broadcast %and3A_789 : i32 to vector<16xi32>
    %and3A_791 = arith.andi %shift_right_arithmetic3A_788, %and3A_790 : vector<16xi32>
    %sub3A_792 = arith.constant 127 : i32
    %sub3A_793 = vector.broadcast %sub3A_792 : i32 to vector<16xi32>
    %sub3A_794 = arith.subi %and3A_791, %sub3A_793 : vector<16xi32>
    %and3A_795 = arith.constant 8388607 : i32
    %and3A_796 = vector.broadcast %and3A_795 : i32 to vector<16xi32>
    %and3A_797 = arith.andi %bitcast_convert_type3A_785, %and3A_796 : vector<16xi32>
    %or3A_798 = arith.constant 1065353216 : i32
    %or3A_799 = vector.broadcast %or3A_798 : i32 to vector<16xi32>
    %or3A_800 = arith.ori %and3A_797, %or3A_799 : vector<16xi32>
    %bitcast_convert_type3A_801 = tpu.bitcast %or3A_800 : vector<16xi32> -> vector<16xf32>
    %mul3A_802 = arith.constant 0.0439286307 : f32
    %mul3A_803 = vector.broadcast %mul3A_802 : f32 to vector<16xf32>
    %mul3A_804 = arith.mulf %mul3A_803, %bitcast_convert_type3A_801 : vector<16xf32>
    %add3A_805 = arith.constant -0.409475595 : f32
    %add3A_806 = vector.broadcast %add3A_805 : f32 to vector<16xf32>
    %add3A_807 = arith.addf %mul3A_804, %add3A_806 : vector<16xf32>
    %mul3A_808 = arith.mulf %add3A_807, %bitcast_convert_type3A_801 : vector<16xf32>
    %add3A_809 = arith.constant 1.61017752 : f32
    %add3A_810 = vector.broadcast %add3A_809 : f32 to vector<16xf32>
    %add3A_811 = arith.addf %mul3A_808, %add3A_810 : vector<16xf32>
    %mul3A_812 = arith.mulf %add3A_811, %bitcast_convert_type3A_801 : vector<16xf32>
    %add3A_813 = arith.constant -3.52021885 : f32
    %add3A_814 = vector.broadcast %add3A_813 : f32 to vector<16xf32>
    %add3A_815 = arith.addf %mul3A_812, %add3A_814 : vector<16xf32>
    %mul3A_816 = arith.mulf %add3A_815, %bitcast_convert_type3A_801 : vector<16xf32>
    %add3A_817 = arith.constant 5.06975651 : f32
    %add3A_818 = vector.broadcast %add3A_817 : f32 to vector<16xf32>
    %add3A_819 = arith.addf %mul3A_816, %add3A_818 : vector<16xf32>
    %mul3A_820 = arith.mulf %add3A_819, %bitcast_convert_type3A_801 : vector<16xf32>
    %add3A_821 = arith.constant -2.79415369 : f32
    %add3A_822 = vector.broadcast %add3A_821 : f32 to vector<16xf32>
    %add3A_823 = arith.addf %mul3A_820, %add3A_822 : vector<16xf32>
    %convert_element_type3A_824 = arith.sitofp %sub3A_794 : vector<16xi32> to vector<16xf32>
    %add3A_825 = arith.addf %convert_element_type3A_824, %add3A_823 : vector<16xf32>
    %mul3A_826 = arith.constant 0.693147182 : f32
    %mul3A_827 = vector.broadcast %mul3A_826 : f32 to vector<16xf32>
    %mul3A_828 = arith.mulf %add3A_825, %mul3A_827 : vector<16xf32>
    %swap3A_829 = arith.constant 400 : index
    %swap3A_830 = tpu.vector_load %arg11[%swap3A_829] {strides = array<i32>} : memref<560xf32, #tpu.memory_space<vmem>>, vector<16xf32>,
    tpu.vector_store %arg11[%swap3A_829], %mul3A_828 {strides = array<i32>} : memref<560xf32, #tpu.memory_space<vmem>>, vector<16xf32>,
    %swap3A_831 = arith.constant 512 : index
    %swap3A_832 = tpu.vector_load %arg11[%swap3A_831] {strides = array<i32>} : memref<560xf32, #tpu.memory_space<vmem>>, vector<16xf32>,
    tpu.vector_store %arg11[%swap3A_831], %gather3A_724 {strides = array<i32>} : memref<560xf32, #tpu.memory_space<vmem>>, vector<16xf32>,
    %add3A_833 = arith.constant 80 : i32
    %add3A_834 = vector.broadcast %add3A_833 : i32 to vector<16xi32>
    %add3A_835 = arith.addi %add3A_834, %iota3A : vector<16xi32>
    %min3A_836 = arith.constant 99 : i32
    %min3A_837 = vector.broadcast %min3A_836 : i32 to vector<16xi32>
    %min3A_838 = arith.minsi %add3A_835, %min3A_837 : vector<16xi32>
    %mul3A_839 = arith.constant 5 : i32
    %mul3A_840 = vector.broadcast %mul3A_839 : i32 to vector<16xi32>
    %mul3A_841 = arith.muli %min3A_838, %mul3A_840 : vector<16xi32>
    %add3A_842 = vector.broadcast %mul3A_158 : i32 to vector<16xi32>
    %add3A_843 = arith.addi %mul3A_841, %add3A_842 : vector<16xi32>
    %gather3A_844 = tpu.vector_load_idx %arg10[%add3A_843] : memref<4000xf32, #tpu.memory_space<vmem>>[vector<16xi32>], vector<16xf32>,
    %add3A_845 = arith.constant 1 : i32
    %add3A_846 = vector.broadcast %add3A_845 : i32 to vector<16xi32>
    %add3A_847 = arith.addi %add3A_843, %add3A_846 : vector<16xi32>
    %gather3A_848 = tpu.vector_load_idx %arg10[%add3A_847] : memref<4000xf32, #tpu.memory_space<vmem>>[vector<16xi32>], vector<16xf32>,
    %add3A_849 = arith.constant 2 : i32
    %add3A_850 = vector.broadcast %add3A_849 : i32 to vector<16xi32>
    %add3A_851 = arith.addi %add3A_843, %add3A_850 : vector<16xi32>
    %gather3A_852 = tpu.vector_load_idx %arg10[%add3A_851] : memref<4000xf32, #tpu.memory_space<vmem>>[vector<16xi32>], vector<16xf32>,
    %add3A_853 = arith.constant 3 : i32
    %add3A_854 = vector.broadcast %add3A_853 : i32 to vector<16xi32>
    %add3A_855 = arith.addi %add3A_843, %add3A_854 : vector<16xi32>
    %gather3A_856 = tpu.vector_load_idx %arg10[%add3A_855] : memref<4000xf32, #tpu.memory_space<vmem>>[vector<16xi32>], vector<16xf32>,
    %add3A_857 = arith.constant 4 : i32
    %add3A_858 = vector.broadcast %add3A_857 : i32 to vector<16xi32>
    %add3A_859 = arith.addi %add3A_843, %add3A_858 : vector<16xi32>
    %gather3A_860 = tpu.vector_load_idx %arg10[%add3A_859] : memref<4000xf32, #tpu.memory_space<vmem>>[vector<16xi32>], vector<16xf32>,
    %add3A_861 = arith.addf %gather3A_844, %gather3A_852 : vector<16xf32>
    %swap3A_862 = arith.constant 80 : index
    %swap3A_863 = tpu.vector_load %arg11[%swap3A_862] {strides = array<i32>} : memref<560xf32, #tpu.memory_space<vmem>>, vector<16xf32>,
    tpu.vector_store %arg11[%swap3A_862], %add3A_861 {strides = array<i32>} : memref<560xf32, #tpu.memory_space<vmem>>, vector<16xf32>,
    %add3A_864 = arith.addf %gather3A_848, %gather3A_856 : vector<16xf32>
    %swap3A_865 = arith.constant 192 : index
    %swap3A_866 = tpu.vector_load %arg11[%swap3A_865] {strides = array<i32>} : memref<560xf32, #tpu.memory_space<vmem>>, vector<16xf32>,
    tpu.vector_store %arg11[%swap3A_865], %add3A_864 {strides = array<i32>} : memref<560xf32, #tpu.memory_space<vmem>>, vector<16xf32>,
    %sub3A_867 = arith.subf %gather3A_852, %gather3A_844 : vector<16xf32>
    %max3A_868 = arith.constant 1.000000e-03 : f32
    %max3A_869 = vector.broadcast %max3A_868 : f32 to vector<16xf32>
    %max3A_870 = arith.maximumf %sub3A_867, %max3A_869 : vector<16xf32>
    %bitcast_convert_type3A_871 = tpu.bitcast %max3A_870 : vector<16xf32> -> vector<16xi32>
    %shift_right_arithmetic3A_872 = arith.constant 23 : i32
    %shift_right_arithmetic3A_873 = vector.broadcast %shift_right_arithmetic3A_872 : i32 to vector<16xi32>
    %shift_right_arithmetic3A_874 = arith.shrsi %bitcast_convert_type3A_871, %shift_right_arithmetic3A_873 : vector<16xi32>
    %and3A_875 = arith.constant 255 : i32
    %and3A_876 = vector.broadcast %and3A_875 : i32 to vector<16xi32>
    %and3A_877 = arith.andi %shift_right_arithmetic3A_874, %and3A_876 : vector<16xi32>
    %sub3A_878 = arith.constant 127 : i32
    %sub3A_879 = vector.broadcast %sub3A_878 : i32 to vector<16xi32>
    %sub3A_880 = arith.subi %and3A_877, %sub3A_879 : vector<16xi32>
    %and3A_881 = arith.constant 8388607 : i32
    %and3A_882 = vector.broadcast %and3A_881 : i32 to vector<16xi32>
    %and3A_883 = arith.andi %bitcast_convert_type3A_871, %and3A_882 : vector<16xi32>
    %or3A_884 = arith.constant 1065353216 : i32
    %or3A_885 = vector.broadcast %or3A_884 : i32 to vector<16xi32>
    %or3A_886 = arith.ori %and3A_883, %or3A_885 : vector<16xi32>
    %bitcast_convert_type3A_887 = tpu.bitcast %or3A_886 : vector<16xi32> -> vector<16xf32>
    %mul3A_888 = arith.constant 0.0439286307 : f32
    %mul3A_889 = vector.broadcast %mul3A_888 : f32 to vector<16xf32>
    %mul3A_890 = arith.mulf %mul3A_889, %bitcast_convert_type3A_887 : vector<16xf32>
    %add3A_891 = arith.constant -0.409475595 : f32
    %add3A_892 = vector.broadcast %add3A_891 : f32 to vector<16xf32>
    %add3A_893 = arith.addf %mul3A_890, %add3A_892 : vector<16xf32>
    %mul3A_894 = arith.mulf %add3A_893, %bitcast_convert_type3A_887 : vector<16xf32>
    %add3A_895 = arith.constant 1.61017752 : f32
    %add3A_896 = vector.broadcast %add3A_895 : f32 to vector<16xf32>
    %add3A_897 = arith.addf %mul3A_894, %add3A_896 : vector<16xf32>
    %mul3A_898 = arith.mulf %add3A_897, %bitcast_convert_type3A_887 : vector<16xf32>
    %add3A_899 = arith.constant -3.52021885 : f32
    %add3A_900 = vector.broadcast %add3A_899 : f32 to vector<16xf32>
    %add3A_901 = arith.addf %mul3A_898, %add3A_900 : vector<16xf32>
    %mul3A_902 = arith.mulf %add3A_901, %bitcast_convert_type3A_887 : vector<16xf32>
    %add3A_903 = arith.constant 5.06975651 : f32
    %add3A_904 = vector.broadcast %add3A_903 : f32 to vector<16xf32>
    %add3A_905 = arith.addf %mul3A_902, %add3A_904 : vector<16xf32>
    %mul3A_906 = arith.mulf %add3A_905, %bitcast_convert_type3A_887 : vector<16xf32>
    %add3A_907 = arith.constant -2.79415369 : f32
    %add3A_908 = vector.broadcast %add3A_907 : f32 to vector<16xf32>
    %add3A_909 = arith.addf %mul3A_906, %add3A_908 : vector<16xf32>
    %convert_element_type3A_910 = arith.sitofp %sub3A_880 : vector<16xi32> to vector<16xf32>
    %add3A_911 = arith.addf %convert_element_type3A_910, %add3A_909 : vector<16xf32>
    %mul3A_912 = arith.constant 0.693147182 : f32
    %mul3A_913 = vector.broadcast %mul3A_912 : f32 to vector<16xf32>
    %mul3A_914 = arith.mulf %add3A_911, %mul3A_913 : vector<16xf32>
    %swap3A_915 = arith.constant 304 : index
    %swap3A_916 = tpu.vector_load %arg11[%swap3A_915] {strides = array<i32>} : memref<560xf32, #tpu.memory_space<vmem>>, vector<16xf32>,
    tpu.vector_store %arg11[%swap3A_915], %mul3A_914 {strides = array<i32>} : memref<560xf32, #tpu.memory_space<vmem>>, vector<16xf32>,
    %sub3A_917 = arith.subf %gather3A_856, %gather3A_848 : vector<16xf32>
    %max3A_918 = arith.constant 1.000000e-03 : f32
    %max3A_919 = vector.broadcast %max3A_918 : f32 to vector<16xf32>
    %max3A_920 = arith.maximumf %sub3A_917, %max3A_919 : vector<16xf32>
    %bitcast_convert_type3A_921 = tpu.bitcast %max3A_920 : vector<16xf32> -> vector<16xi32>
    %shift_right_arithmetic3A_922 = arith.constant 23 : i32
    %shift_right_arithmetic3A_923 = vector.broadcast %shift_right_arithmetic3A_922 : i32 to vector<16xi32>
    %shift_right_arithmetic3A_924 = arith.shrsi %bitcast_convert_type3A_921, %shift_right_arithmetic3A_923 : vector<16xi32>
    %and3A_925 = arith.constant 255 : i32
    %and3A_926 = vector.broadcast %and3A_925 : i32 to vector<16xi32>
    %and3A_927 = arith.andi %shift_right_arithmetic3A_924, %and3A_926 : vector<16xi32>
    %sub3A_928 = arith.constant 127 : i32
    %sub3A_929 = vector.broadcast %sub3A_928 : i32 to vector<16xi32>
    %sub3A_930 = arith.subi %and3A_927, %sub3A_929 : vector<16xi32>
    %and3A_931 = arith.constant 8388607 : i32
    %and3A_932 = vector.broadcast %and3A_931 : i32 to vector<16xi32>
    %and3A_933 = arith.andi %bitcast_convert_type3A_921, %and3A_932 : vector<16xi32>
    %or3A_934 = arith.constant 1065353216 : i32
    %or3A_935 = vector.broadcast %or3A_934 : i32 to vector<16xi32>
    %or3A_936 = arith.ori %and3A_933, %or3A_935 : vector<16xi32>
    %bitcast_convert_type3A_937 = tpu.bitcast %or3A_936 : vector<16xi32> -> vector<16xf32>
    %mul3A_938 = arith.constant 0.0439286307 : f32
    %mul3A_939 = vector.broadcast %mul3A_938 : f32 to vector<16xf32>
    %mul3A_940 = arith.mulf %mul3A_939, %bitcast_convert_type3A_937 : vector<16xf32>
    %add3A_941 = arith.constant -0.409475595 : f32
    %add3A_942 = vector.broadcast %add3A_941 : f32 to vector<16xf32>
    %add3A_943 = arith.addf %mul3A_940, %add3A_942 : vector<16xf32>
    %mul3A_944 = arith.mulf %add3A_943, %bitcast_convert_type3A_937 : vector<16xf32>
    %add3A_945 = arith.constant 1.61017752 : f32
    %add3A_946 = vector.broadcast %add3A_945 : f32 to vector<16xf32>
    %add3A_947 = arith.addf %mul3A_944, %add3A_946 : vector<16xf32>
    %mul3A_948 = arith.mulf %add3A_947, %bitcast_convert_type3A_937 : vector<16xf32>
    %add3A_949 = arith.constant -3.52021885 : f32
    %add3A_950 = vector.broadcast %add3A_949 : f32 to vector<16xf32>
    %add3A_951 = arith.addf %mul3A_948, %add3A_950 : vector<16xf32>
    %mul3A_952 = arith.mulf %add3A_951, %bitcast_convert_type3A_937 : vector<16xf32>
    %add3A_953 = arith.constant 5.06975651 : f32
    %add3A_954 = vector.broadcast %add3A_953 : f32 to vector<16xf32>
    %add3A_955 = arith.addf %mul3A_952, %add3A_954 : vector<16xf32>
    %mul3A_956 = arith.mulf %add3A_955, %bitcast_convert_type3A_937 : vector<16xf32>
    %add3A_957 = arith.constant -2.79415369 : f32
    %add3A_958 = vector.broadcast %add3A_957 : f32 to vector<16xf32>
    %add3A_959 = arith.addf %mul3A_956, %add3A_958 : vector<16xf32>
    %convert_element_type3A_960 = arith.sitofp %sub3A_930 : vector<16xi32> to vector<16xf32>
    %add3A_961 = arith.addf %convert_element_type3A_960, %add3A_959 : vector<16xf32>
    %mul3A_962 = arith.constant 0.693147182 : f32
    %mul3A_963 = vector.broadcast %mul3A_962 : f32 to vector<16xf32>
    %mul3A_964 = arith.mulf %add3A_961, %mul3A_963 : vector<16xf32>
    %swap3A_965 = arith.constant 416 : index
    %swap3A_966 = tpu.vector_load %arg11[%swap3A_965] {strides = array<i32>} : memref<560xf32, #tpu.memory_space<vmem>>, vector<16xf32>,
    tpu.vector_store %arg11[%swap3A_965], %mul3A_964 {strides = array<i32>} : memref<560xf32, #tpu.memory_space<vmem>>, vector<16xf32>,
    %swap3A_967 = arith.constant 528 : index
    %swap3A_968 = tpu.vector_load %arg11[%swap3A_967] {strides = array<i32>} : memref<560xf32, #tpu.memory_space<vmem>>, vector<16xf32>,
    tpu.vector_store %arg11[%swap3A_967], %gather3A_860 {strides = array<i32>} : memref<560xf32, #tpu.memory_space<vmem>>, vector<16xf32>,
    %add3A_969 = arith.constant 96 : i32
    %add3A_970 = vector.broadcast %add3A_969 : i32 to vector<16xi32>
    %add3A_971 = arith.addi %add3A_970, %iota3A : vector<16xi32>
    %min3A_972 = arith.constant 99 : i32
    %min3A_973 = vector.broadcast %min3A_972 : i32 to vector<16xi32>
    %min3A_974 = arith.minsi %add3A_971, %min3A_973 : vector<16xi32>
    %mul3A_975 = arith.constant 5 : i32
    %mul3A_976 = vector.broadcast %mul3A_975 : i32 to vector<16xi32>
    %mul3A_977 = arith.muli %min3A_974, %mul3A_976 : vector<16xi32>
    %add3A_978 = vector.broadcast %mul3A_158 : i32 to vector<16xi32>
    %add3A_979 = arith.addi %mul3A_977, %add3A_978 : vector<16xi32>
    %gather3A_980 = tpu.vector_load_idx %arg10[%add3A_979] : memref<4000xf32, #tpu.memory_space<vmem>>[vector<16xi32>], vector<16xf32>,
    %add3A_981 = arith.constant 1 : i32
    %add3A_982 = vector.broadcast %add3A_981 : i32 to vector<16xi32>
    %add3A_983 = arith.addi %add3A_979, %add3A_982 : vector<16xi32>
    %gather3A_984 = tpu.vector_load_idx %arg10[%add3A_983] : memref<4000xf32, #tpu.memory_space<vmem>>[vector<16xi32>], vector<16xf32>,
    %add3A_985 = arith.constant 2 : i32
    %add3A_986 = vector.broadcast %add3A_985 : i32 to vector<16xi32>
    %add3A_987 = arith.addi %add3A_979, %add3A_986 : vector<16xi32>
    %gather3A_988 = tpu.vector_load_idx %arg10[%add3A_987] : memref<4000xf32, #tpu.memory_space<vmem>>[vector<16xi32>], vector<16xf32>,
    %add3A_989 = arith.constant 3 : i32
    %add3A_990 = vector.broadcast %add3A_989 : i32 to vector<16xi32>
    %add3A_991 = arith.addi %add3A_979, %add3A_990 : vector<16xi32>
    %gather3A_992 = tpu.vector_load_idx %arg10[%add3A_991] : memref<4000xf32, #tpu.memory_space<vmem>>[vector<16xi32>], vector<16xf32>,
    %add3A_993 = arith.constant 4 : i32
    %add3A_994 = vector.broadcast %add3A_993 : i32 to vector<16xi32>
    %add3A_995 = arith.addi %add3A_979, %add3A_994 : vector<16xi32>
    %gather3A_996 = tpu.vector_load_idx %arg10[%add3A_995] : memref<4000xf32, #tpu.memory_space<vmem>>[vector<16xi32>], vector<16xf32>,
    %add3A_997 = arith.addf %gather3A_980, %gather3A_988 : vector<16xf32>
    %swap3A_998 = arith.constant 96 : index
    %swap3A_999 = tpu.vector_load %arg11[%swap3A_998] {strides = array<i32>} : memref<560xf32, #tpu.memory_space<vmem>>, vector<16xf32>,
    tpu.vector_store %arg11[%swap3A_998], %add3A_997 {strides = array<i32>} : memref<560xf32, #tpu.memory_space<vmem>>, vector<16xf32>,
    %add3A_1000 = arith.addf %gather3A_984, %gather3A_992 : vector<16xf32>
    %swap3A_1001 = arith.constant 208 : index
    %swap3A_1002 = tpu.vector_load %arg11[%swap3A_1001] {strides = array<i32>} : memref<560xf32, #tpu.memory_space<vmem>>, vector<16xf32>,
    tpu.vector_store %arg11[%swap3A_1001], %add3A_1000 {strides = array<i32>} : memref<560xf32, #tpu.memory_space<vmem>>, vector<16xf32>,
    %sub3A_1003 = arith.subf %gather3A_988, %gather3A_980 : vector<16xf32>
    %max3A_1004 = arith.constant 1.000000e-03 : f32
    %max3A_1005 = vector.broadcast %max3A_1004 : f32 to vector<16xf32>
    %max3A_1006 = arith.maximumf %sub3A_1003, %max3A_1005 : vector<16xf32>
    %bitcast_convert_type3A_1007 = tpu.bitcast %max3A_1006 : vector<16xf32> -> vector<16xi32>
    %shift_right_arithmetic3A_1008 = arith.constant 23 : i32
    %shift_right_arithmetic3A_1009 = vector.broadcast %shift_right_arithmetic3A_1008 : i32 to vector<16xi32>
    %shift_right_arithmetic3A_1010 = arith.shrsi %bitcast_convert_type3A_1007, %shift_right_arithmetic3A_1009 : vector<16xi32>
    %and3A_1011 = arith.constant 255 : i32
    %and3A_1012 = vector.broadcast %and3A_1011 : i32 to vector<16xi32>
    %and3A_1013 = arith.andi %shift_right_arithmetic3A_1010, %and3A_1012 : vector<16xi32>
    %sub3A_1014 = arith.constant 127 : i32
    %sub3A_1015 = vector.broadcast %sub3A_1014 : i32 to vector<16xi32>
    %sub3A_1016 = arith.subi %and3A_1013, %sub3A_1015 : vector<16xi32>
    %and3A_1017 = arith.constant 8388607 : i32
    %and3A_1018 = vector.broadcast %and3A_1017 : i32 to vector<16xi32>
    %and3A_1019 = arith.andi %bitcast_convert_type3A_1007, %and3A_1018 : vector<16xi32>
    %or3A_1020 = arith.constant 1065353216 : i32
    %or3A_1021 = vector.broadcast %or3A_1020 : i32 to vector<16xi32>
    %or3A_1022 = arith.ori %and3A_1019, %or3A_1021 : vector<16xi32>
    %bitcast_convert_type3A_1023 = tpu.bitcast %or3A_1022 : vector<16xi32> -> vector<16xf32>
    %mul3A_1024 = arith.constant 0.0439286307 : f32
    %mul3A_1025 = vector.broadcast %mul3A_1024 : f32 to vector<16xf32>
    %mul3A_1026 = arith.mulf %mul3A_1025, %bitcast_convert_type3A_1023 : vector<16xf32>
    %add3A_1027 = arith.constant -0.409475595 : f32
    %add3A_1028 = vector.broadcast %add3A_1027 : f32 to vector<16xf32>
    %add3A_1029 = arith.addf %mul3A_1026, %add3A_1028 : vector<16xf32>
    %mul3A_1030 = arith.mulf %add3A_1029, %bitcast_convert_type3A_1023 : vector<16xf32>
    %add3A_1031 = arith.constant 1.61017752 : f32
    %add3A_1032 = vector.broadcast %add3A_1031 : f32 to vector<16xf32>
    %add3A_1033 = arith.addf %mul3A_1030, %add3A_1032 : vector<16xf32>
    %mul3A_1034 = arith.mulf %add3A_1033, %bitcast_convert_type3A_1023 : vector<16xf32>
    %add3A_1035 = arith.constant -3.52021885 : f32
    %add3A_1036 = vector.broadcast %add3A_1035 : f32 to vector<16xf32>
    %add3A_1037 = arith.addf %mul3A_1034, %add3A_1036 : vector<16xf32>
    %mul3A_1038 = arith.mulf %add3A_1037, %bitcast_convert_type3A_1023 : vector<16xf32>
    %add3A_1039 = arith.constant 5.06975651 : f32
    %add3A_1040 = vector.broadcast %add3A_1039 : f32 to vector<16xf32>
    %add3A_1041 = arith.addf %mul3A_1038, %add3A_1040 : vector<16xf32>
    %mul3A_1042 = arith.mulf %add3A_1041, %bitcast_convert_type3A_1023 : vector<16xf32>
    %add3A_1043 = arith.constant -2.79415369 : f32
    %add3A_1044 = vector.broadcast %add3A_1043 : f32 to vector<16xf32>
    %add3A_1045 = arith.addf %mul3A_1042, %add3A_1044 : vector<16xf32>
    %convert_element_type3A_1046 = arith.sitofp %sub3A_1016 : vector<16xi32> to vector<16xf32>
    %add3A_1047 = arith.addf %convert_element_type3A_1046, %add3A_1045 : vector<16xf32>
    %mul3A_1048 = arith.constant 0.693147182 : f32
    %mul3A_1049 = vector.broadcast %mul3A_1048 : f32 to vector<16xf32>
    %mul3A_1050 = arith.mulf %add3A_1047, %mul3A_1049 : vector<16xf32>
    %swap3A_1051 = arith.constant 320 : index
    %swap3A_1052 = tpu.vector_load %arg11[%swap3A_1051] {strides = array<i32>} : memref<560xf32, #tpu.memory_space<vmem>>, vector<16xf32>,
    tpu.vector_store %arg11[%swap3A_1051], %mul3A_1050 {strides = array<i32>} : memref<560xf32, #tpu.memory_space<vmem>>, vector<16xf32>,
    %sub3A_1053 = arith.subf %gather3A_992, %gather3A_984 : vector<16xf32>
    %max3A_1054 = arith.constant 1.000000e-03 : f32
    %max3A_1055 = vector.broadcast %max3A_1054 : f32 to vector<16xf32>
    %max3A_1056 = arith.maximumf %sub3A_1053, %max3A_1055 : vector<16xf32>
    %bitcast_convert_type3A_1057 = tpu.bitcast %max3A_1056 : vector<16xf32> -> vector<16xi32>
    %shift_right_arithmetic3A_1058 = arith.constant 23 : i32
    %shift_right_arithmetic3A_1059 = vector.broadcast %shift_right_arithmetic3A_1058 : i32 to vector<16xi32>
    %shift_right_arithmetic3A_1060 = arith.shrsi %bitcast_convert_type3A_1057, %shift_right_arithmetic3A_1059 : vector<16xi32>
    %and3A_1061 = arith.constant 255 : i32
    %and3A_1062 = vector.broadcast %and3A_1061 : i32 to vector<16xi32>
    %and3A_1063 = arith.andi %shift_right_arithmetic3A_1060, %and3A_1062 : vector<16xi32>
    %sub3A_1064 = arith.constant 127 : i32
    %sub3A_1065 = vector.broadcast %sub3A_1064 : i32 to vector<16xi32>
    %sub3A_1066 = arith.subi %and3A_1063, %sub3A_1065 : vector<16xi32>
    %and3A_1067 = arith.constant 8388607 : i32
    %and3A_1068 = vector.broadcast %and3A_1067 : i32 to vector<16xi32>
    %and3A_1069 = arith.andi %bitcast_convert_type3A_1057, %and3A_1068 : vector<16xi32>
    %or3A_1070 = arith.constant 1065353216 : i32
    %or3A_1071 = vector.broadcast %or3A_1070 : i32 to vector<16xi32>
    %or3A_1072 = arith.ori %and3A_1069, %or3A_1071 : vector<16xi32>
    %bitcast_convert_type3A_1073 = tpu.bitcast %or3A_1072 : vector<16xi32> -> vector<16xf32>
    %mul3A_1074 = arith.constant 0.0439286307 : f32
    %mul3A_1075 = vector.broadcast %mul3A_1074 : f32 to vector<16xf32>
    %mul3A_1076 = arith.mulf %mul3A_1075, %bitcast_convert_type3A_1073 : vector<16xf32>
    %add3A_1077 = arith.constant -0.409475595 : f32
    %add3A_1078 = vector.broadcast %add3A_1077 : f32 to vector<16xf32>
    %add3A_1079 = arith.addf %mul3A_1076, %add3A_1078 : vector<16xf32>
    %mul3A_1080 = arith.mulf %add3A_1079, %bitcast_convert_type3A_1073 : vector<16xf32>
    %add3A_1081 = arith.constant 1.61017752 : f32
    %add3A_1082 = vector.broadcast %add3A_1081 : f32 to vector<16xf32>
    %add3A_1083 = arith.addf %mul3A_1080, %add3A_1082 : vector<16xf32>
    %mul3A_1084 = arith.mulf %add3A_1083, %bitcast_convert_type3A_1073 : vector<16xf32>
    %add3A_1085 = arith.constant -3.52021885 : f32
    %add3A_1086 = vector.broadcast %add3A_1085 : f32 to vector<16xf32>
    %add3A_1087 = arith.addf %mul3A_1084, %add3A_1086 : vector<16xf32>
    %mul3A_1088 = arith.mulf %add3A_1087, %bitcast_convert_type3A_1073 : vector<16xf32>
    %add3A_1089 = arith.constant 5.06975651 : f32
    %add3A_1090 = vector.broadcast %add3A_1089 : f32 to vector<16xf32>
    %add3A_1091 = arith.addf %mul3A_1088, %add3A_1090 : vector<16xf32>
    %mul3A_1092 = arith.mulf %add3A_1091, %bitcast_convert_type3A_1073 : vector<16xf32>
    %add3A_1093 = arith.constant -2.79415369 : f32
    %add3A_1094 = vector.broadcast %add3A_1093 : f32 to vector<16xf32>
    %add3A_1095 = arith.addf %mul3A_1092, %add3A_1094 : vector<16xf32>
    %convert_element_type3A_1096 = arith.sitofp %sub3A_1066 : vector<16xi32> to vector<16xf32>
    %add3A_1097 = arith.addf %convert_element_type3A_1096, %add3A_1095 : vector<16xf32>
    %mul3A_1098 = arith.constant 0.693147182 : f32
    %mul3A_1099 = vector.broadcast %mul3A_1098 : f32 to vector<16xf32>
    %mul3A_1100 = arith.mulf %add3A_1097, %mul3A_1099 : vector<16xf32>
    %swap3A_1101 = arith.constant 432 : index
    %swap3A_1102 = tpu.vector_load %arg11[%swap3A_1101] {strides = array<i32>} : memref<560xf32, #tpu.memory_space<vmem>>, vector<16xf32>,
    tpu.vector_store %arg11[%swap3A_1101], %mul3A_1100 {strides = array<i32>} : memref<560xf32, #tpu.memory_space<vmem>>, vector<16xf32>,
    %swap3A_1103 = arith.constant 544 : index
    %swap3A_1104 = tpu.vector_load %arg11[%swap3A_1103] {strides = array<i32>} : memref<560xf32, #tpu.memory_space<vmem>>, vector<16xf32>,
    tpu.vector_store %arg11[%swap3A_1103], %gather3A_996 {strides = array<i32>} : memref<560xf32, #tpu.memory_space<vmem>>, vector<16xf32>,
    %add3A_1105 = arith.constant 0 : i32
    %add3A_1106 = arith.addi %add3A_45, %add3A_1105 : i32
    %add3A_1107 = arith.constant 20000 : i32
    %add3A_1108 = arith.addi %add3A_45, %add3A_1107 : i32
    %add3A_1109 = arith.constant 0 : i32
    %add3A_1110 = arith.addi %add3A_1108, %add3A_1109 : i32
    %add3A_1111 = arith.constant 40000 : i32
    %add3A_1112 = arith.addi %add3A_45, %add3A_1111 : i32
    %add3A_1113 = arith.constant 0 : i32
    %add3A_1114 = arith.addi %add3A_1112, %add3A_1113 : i32
    %add3A_1115 = arith.constant 60000 : i32
    %add3A_1116 = arith.addi %add3A_45, %add3A_1115 : i32
    %add3A_1117 = arith.constant 0 : i32
    %add3A_1118 = arith.addi %add3A_1116, %add3A_1117 : i32
    %add3A_1119 = arith.constant 0 : i32
    %add3A_1120 = arith.addi %add3A_48, %add3A_1119 : i32
    %add3A_1121 = arith.constant 0 : i32
    %add3A_1122 = arith.addi %add3A_48, %add3A_1121 : i32
    %dma_wait3A = arith.constant 0 : i32
    %dma_wait3A_1123 = tpu.memref_slice %arg12[%dma_wait3A] : memref<5008xf32, #tpu.memory_space<vmem>> -> memref<2496xf32, #tpu.memory_space<vmem>>
    %dma_wait3A_1124 = tpu.memref_slice %arg2[%add3A_1106] : memref<640000xf32, #tpu.memory_space<hbm>> -> memref<2496xf32, #tpu.memory_space<hbm>>
    %dma_wait3A_1125 = arith.constant 0 : i32
    %dma_wait3A_1126 = tpu.memref_slice %arg12[%dma_wait3A_1125] : memref<5008xf32, #tpu.memory_space<vmem>> -> memref<2496xf32, #tpu.memory_space<vmem>>
    %dma_wait3A_1127 = tpu.memref_slice %arg2[%add3A_1106] : memref<640000xf32, #tpu.memory_space<hbm>> -> memref<2496xf32, #tpu.memory_space<hbm>>
    tpu.wait_dma2 semaphore(%arg26 : memref<!tpu.dma_semaphore, #tpu.memory_space<semaphore_mem>>) src(%dma_wait3A_1127 : memref<2496xf32, #tpu.memory_space<hbm>>) dst(%dma_wait3A_1126 : memref<2496xf32, #tpu.memory_space<vmem>>)
    %dma_wait3A_1128 = arith.constant 0 : i32
    %dma_wait3A_1129 = tpu.memref_slice %arg13[%dma_wait3A_1128] : memref<5008xf32, #tpu.memory_space<vmem>> -> memref<2496xf32, #tpu.memory_space<vmem>>
    %dma_wait3A_1130 = tpu.memref_slice %arg2[%add3A_1110] : memref<640000xf32, #tpu.memory_space<hbm>> -> memref<2496xf32, #tpu.memory_space<hbm>>
    %dma_wait3A_1131 = arith.constant 0 : i32
    %dma_wait3A_1132 = tpu.memref_slice %arg13[%dma_wait3A_1131] : memref<5008xf32, #tpu.memory_space<vmem>> -> memref<2496xf32, #tpu.memory_space<vmem>>
    %dma_wait3A_1133 = tpu.memref_slice %arg2[%add3A_1110] : memref<640000xf32, #tpu.memory_space<hbm>> -> memref<2496xf32, #tpu.memory_space<hbm>>
    tpu.wait_dma2 semaphore(%arg26 : memref<!tpu.dma_semaphore, #tpu.memory_space<semaphore_mem>>) src(%dma_wait3A_1133 : memref<2496xf32, #tpu.memory_space<hbm>>) dst(%dma_wait3A_1132 : memref<2496xf32, #tpu.memory_space<vmem>>)
    %dma_wait3A_1134 = arith.constant 0 : i32
    %dma_wait3A_1135 = tpu.memref_slice %arg14[%dma_wait3A_1134] : memref<5008xf32, #tpu.memory_space<vmem>> -> memref<2496xf32, #tpu.memory_space<vmem>>
    %dma_wait3A_1136 = tpu.memref_slice %arg2[%add3A_1114] : memref<640000xf32, #tpu.memory_space<hbm>> -> memref<2496xf32, #tpu.memory_space<hbm>>
    %dma_wait3A_1137 = arith.constant 0 : i32
    %dma_wait3A_1138 = tpu.memref_slice %arg14[%dma_wait3A_1137] : memref<5008xf32, #tpu.memory_space<vmem>> -> memref<2496xf32, #tpu.memory_space<vmem>>
    %dma_wait3A_1139 = tpu.memref_slice %arg2[%add3A_1114] : memref<640000xf32, #tpu.memory_space<hbm>> -> memref<2496xf32, #tpu.memory_space<hbm>>
    tpu.wait_dma2 semaphore(%arg26 : memref<!tpu.dma_semaphore, #tpu.memory_space<semaphore_mem>>) src(%dma_wait3A_1139 : memref<2496xf32, #tpu.memory_space<hbm>>) dst(%dma_wait3A_1138 : memref<2496xf32, #tpu.memory_space<vmem>>)
    %dma_wait3A_1140 = arith.constant 0 : i32
    %dma_wait3A_1141 = tpu.memref_slice %arg15[%dma_wait3A_1140] : memref<5008xf32, #tpu.memory_space<vmem>> -> memref<2496xf32, #tpu.memory_space<vmem>>
    %dma_wait3A_1142 = tpu.memref_slice %arg2[%add3A_1118] : memref<640000xf32, #tpu.memory_space<hbm>> -> memref<2496xf32, #tpu.memory_space<hbm>>
    %dma_wait3A_1143 = arith.constant 0 : i32
    %dma_wait3A_1144 = tpu.memref_slice %arg15[%dma_wait3A_1143] : memref<5008xf32, #tpu.memory_space<vmem>> -> memref<2496xf32, #tpu.memory_space<vmem>>
    %dma_wait3A_1145 = tpu.memref_slice %arg2[%add3A_1118] : memref<640000xf32, #tpu.memory_space<hbm>> -> memref<2496xf32, #tpu.memory_space<hbm>>
    tpu.wait_dma2 semaphore(%arg26 : memref<!tpu.dma_semaphore, #tpu.memory_space<semaphore_mem>>) src(%dma_wait3A_1145 : memref<2496xf32, #tpu.memory_space<hbm>>) dst(%dma_wait3A_1144 : memref<2496xf32, #tpu.memory_space<vmem>>)
    %dma_wait3A_1146 = arith.constant 0 : i32
    %dma_wait3A_1147 = tpu.memref_slice %arg16[%dma_wait3A_1146] : memref<5008xi32, #tpu.memory_space<vmem>> -> memref<2496xi32, #tpu.memory_space<vmem>>
    %dma_wait3A_1148 = tpu.memref_slice %arg4[%add3A_1120] : memref<160000xi32, #tpu.memory_space<hbm>> -> memref<2496xi32, #tpu.memory_space<hbm>>
    %dma_wait3A_1149 = arith.constant 0 : i32
    %dma_wait3A_1150 = tpu.memref_slice %arg16[%dma_wait3A_1149] : memref<5008xi32, #tpu.memory_space<vmem>> -> memref<2496xi32, #tpu.memory_space<vmem>>
    %dma_wait3A_1151 = tpu.memref_slice %arg4[%add3A_1120] : memref<160000xi32, #tpu.memory_space<hbm>> -> memref<2496xi32, #tpu.memory_space<hbm>>
    tpu.wait_dma2 semaphore(%arg26 : memref<!tpu.dma_semaphore, #tpu.memory_space<semaphore_mem>>) src(%dma_wait3A_1151 : memref<2496xi32, #tpu.memory_space<hbm>>) dst(%dma_wait3A_1150 : memref<2496xi32, #tpu.memory_space<vmem>>)
    %dma_wait3A_1152 = arith.constant 0 : i32
    %dma_wait3A_1153 = tpu.memref_slice %arg17[%dma_wait3A_1152] : memref<5008xi32, #tpu.memory_space<vmem>> -> memref<2496xi32, #tpu.memory_space<vmem>>
    %dma_wait3A_1154 = tpu.memref_slice %arg5[%add3A_1122] : memref<160000xi32, #tpu.memory_space<hbm>> -> memref<2496xi32, #tpu.memory_space<hbm>>
    %dma_wait3A_1155 = arith.constant 0 : i32
    %dma_wait3A_1156 = tpu.memref_slice %arg17[%dma_wait3A_1155] : memref<5008xi32, #tpu.memory_space<vmem>> -> memref<2496xi32, #tpu.memory_space<vmem>>
    %dma_wait3A_1157 = tpu.memref_slice %arg5[%add3A_1122] : memref<160000xi32, #tpu.memory_space<hbm>> -> memref<2496xi32, #tpu.memory_space<hbm>>
    tpu.wait_dma2 semaphore(%arg26 : memref<!tpu.dma_semaphore, #tpu.memory_space<semaphore_mem>>) src(%dma_wait3A_1157 : memref<2496xi32, #tpu.memory_space<hbm>>) dst(%dma_wait3A_1156 : memref<2496xi32, #tpu.memory_space<vmem>>)
    %scan3A = arith.constant 0 : i32
    %scan3A_1158 = arith.constant 0 : i32
    %scan3A_1159 = arith.constant 156 : i32
    %scan3A_1160 = arith.addi %scan3A_1158, %scan3A_1159 : i32
    %scan3A_1161 = arith.constant 1 : i32
    scf.for %scan3A_1477 = %scan3A_1158 to %scan3A_1160 step %scan3A_1161  : i32 {
      %mul3A_1478 = arith.constant 16 : i32
      %mul3A_1479 = arith.muli %scan3A_1477, %mul3A_1478 : i32
      %get3A = arith.index_cast %mul3A_1479 : i32 to index
      %get3A_1480 = tpu.vector_load %arg17[%get3A] {strides = array<i32>} : memref<5008xi32, #tpu.memory_space<vmem>>, vector<16xi32>,
      %gather3A_1481 = tpu.vector_load_idx %arg11[%get3A_1480] : memref<560xf32, #tpu.memory_space<vmem>>[vector<16xi32>], vector<16xf32>,
      %add3A_1482 = arith.constant 112 : i32
      %add3A_1483 = vector.broadcast %add3A_1482 : i32 to vector<16xi32>
      %add3A_1484 = arith.addi %get3A_1480, %add3A_1483 : vector<16xi32>
      %gather3A_1485 = tpu.vector_load_idx %arg11[%add3A_1484] : memref<560xf32, #tpu.memory_space<vmem>>[vector<16xi32>], vector<16xf32>,
      %add3A_1486 = arith.constant 224 : i32
      %add3A_1487 = vector.broadcast %add3A_1486 : i32 to vector<16xi32>
      %add3A_1488 = arith.addi %get3A_1480, %add3A_1487 : vector<16xi32>
      %gather3A_1489 = tpu.vector_load_idx %arg11[%add3A_1488] : memref<560xf32, #tpu.memory_space<vmem>>[vector<16xi32>], vector<16xf32>,
      %add3A_1490 = arith.constant 336 : i32
      %add3A_1491 = vector.broadcast %add3A_1490 : i32 to vector<16xi32>
      %add3A_1492 = arith.addi %get3A_1480, %add3A_1491 : vector<16xi32>
      %gather3A_1493 = tpu.vector_load_idx %arg11[%add3A_1492] : memref<560xf32, #tpu.memory_space<vmem>>[vector<16xi32>], vector<16xf32>,
      %add3A_1494 = arith.constant 448 : i32
      %add3A_1495 = vector.broadcast %add3A_1494 : i32 to vector<16xi32>
      %add3A_1496 = arith.addi %get3A_1480, %add3A_1495 : vector<16xi32>
      %gather3A_1497 = tpu.vector_load_idx %arg11[%add3A_1496] : memref<560xf32, #tpu.memory_space<vmem>>[vector<16xi32>], vector<16xf32>,
      %get3A_1498 = arith.index_cast %mul3A_1479 : i32 to index
      %get3A_1499 = tpu.vector_load %arg12[%get3A_1498] {strides = array<i32>} : memref<5008xf32, #tpu.memory_space<vmem>>, vector<16xf32>,
      %get3A_1500 = arith.index_cast %mul3A_1479 : i32 to index
      %get3A_1501 = tpu.vector_load %arg13[%get3A_1500] {strides = array<i32>} : memref<5008xf32, #tpu.memory_space<vmem>>, vector<16xf32>,
      %get3A_1502 = arith.index_cast %mul3A_1479 : i32 to index
      %get3A_1503 = tpu.vector_load %arg14[%get3A_1502] {strides = array<i32>} : memref<5008xf32, #tpu.memory_space<vmem>>, vector<16xf32>,
      %get3A_1504 = arith.index_cast %mul3A_1479 : i32 to index
      %get3A_1505 = tpu.vector_load %arg15[%get3A_1504] {strides = array<i32>} : memref<5008xf32, #tpu.memory_space<vmem>>, vector<16xf32>,
      %sub3A_1506 = arith.subf %get3A_1503, %get3A_1499 : vector<16xf32>
      %max3A_1507 = arith.constant 1.000000e-03 : f32
      %max3A_1508 = vector.broadcast %max3A_1507 : f32 to vector<16xf32>
      %max3A_1509 = arith.maximumf %sub3A_1506, %max3A_1508 : vector<16xf32>
      %sub3A_1510 = arith.subf %get3A_1505, %get3A_1501 : vector<16xf32>
      %max3A_1511 = arith.constant 1.000000e-03 : f32
      %max3A_1512 = vector.broadcast %max3A_1511 : f32 to vector<16xf32>
      %max3A_1513 = arith.maximumf %sub3A_1510, %max3A_1512 : vector<16xf32>
      %add3A_1514 = arith.addf %get3A_1499, %get3A_1503 : vector<16xf32>
      %sub3A_1515 = arith.subf %gather3A_1481, %add3A_1514 : vector<16xf32>
      %mul3A_1516 = arith.constant 5.000000e-01 : f32
      %mul3A_1517 = vector.broadcast %mul3A_1516 : f32 to vector<16xf32>
      %mul3A_1518 = arith.mulf %sub3A_1515, %mul3A_1517 : vector<16xf32>
      %div3A_1519 = arith.divf %mul3A_1518, %max3A_1509 : vector<16xf32>
      %swap3A_1520 = arith.index_cast %mul3A_1479 : i32 to index
      %swap3A_1521 = tpu.vector_load %arg20[%swap3A_1520] {strides = array<i32>} : memref<5008xf32, #tpu.memory_space<vmem>>, vector<16xf32>,
      tpu.vector_store %arg20[%swap3A_1520], %div3A_1519 {strides = array<i32>} : memref<5008xf32, #tpu.memory_space<vmem>>, vector<16xf32>,
      %add3A_1522 = arith.addf %get3A_1501, %get3A_1505 : vector<16xf32>
      %sub3A_1523 = arith.subf %gather3A_1485, %add3A_1522 : vector<16xf32>
      %mul3A_1524 = arith.constant 5.000000e-01 : f32
      %mul3A_1525 = vector.broadcast %mul3A_1524 : f32 to vector<16xf32>
      %mul3A_1526 = arith.mulf %sub3A_1523, %mul3A_1525 : vector<16xf32>
      %div3A_1527 = arith.divf %mul3A_1526, %max3A_1513 : vector<16xf32>
      %swap3A_1528 = arith.index_cast %mul3A_1479 : i32 to index
      %swap3A_1529 = tpu.vector_load %arg21[%swap3A_1528] {strides = array<i32>} : memref<5008xf32, #tpu.memory_space<vmem>>, vector<16xf32>,
      tpu.vector_store %arg21[%swap3A_1528], %div3A_1527 {strides = array<i32>} : memref<5008xf32, #tpu.memory_space<vmem>>, vector<16xf32>,
      %bitcast_convert_type3A_1530 = tpu.bitcast %max3A_1509 : vector<16xf32> -> vector<16xi32>
      %shift_right_arithmetic3A_1531 = arith.constant 23 : i32
      %shift_right_arithmetic3A_1532 = vector.broadcast %shift_right_arithmetic3A_1531 : i32 to vector<16xi32>
      %shift_right_arithmetic3A_1533 = arith.shrsi %bitcast_convert_type3A_1530, %shift_right_arithmetic3A_1532 : vector<16xi32>
      %and3A_1534 = arith.constant 255 : i32
      %and3A_1535 = vector.broadcast %and3A_1534 : i32 to vector<16xi32>
      %and3A_1536 = arith.andi %shift_right_arithmetic3A_1533, %and3A_1535 : vector<16xi32>
      %sub3A_1537 = arith.constant 127 : i32
      %sub3A_1538 = vector.broadcast %sub3A_1537 : i32 to vector<16xi32>
      %sub3A_1539 = arith.subi %and3A_1536, %sub3A_1538 : vector<16xi32>
      %and3A_1540 = arith.constant 8388607 : i32
      %and3A_1541 = vector.broadcast %and3A_1540 : i32 to vector<16xi32>
      %and3A_1542 = arith.andi %bitcast_convert_type3A_1530, %and3A_1541 : vector<16xi32>
      %or3A_1543 = arith.constant 1065353216 : i32
      %or3A_1544 = vector.broadcast %or3A_1543 : i32 to vector<16xi32>
      %or3A_1545 = arith.ori %and3A_1542, %or3A_1544 : vector<16xi32>
      %bitcast_convert_type3A_1546 = tpu.bitcast %or3A_1545 : vector<16xi32> -> vector<16xf32>
      %mul3A_1547 = arith.constant 0.0439286307 : f32
      %mul3A_1548 = vector.broadcast %mul3A_1547 : f32 to vector<16xf32>
      %mul3A_1549 = arith.mulf %mul3A_1548, %bitcast_convert_type3A_1546 : vector<16xf32>
      %add3A_1550 = arith.constant -0.409475595 : f32
      %add3A_1551 = vector.broadcast %add3A_1550 : f32 to vector<16xf32>
      %add3A_1552 = arith.addf %mul3A_1549, %add3A_1551 : vector<16xf32>
      %mul3A_1553 = arith.mulf %add3A_1552, %bitcast_convert_type3A_1546 : vector<16xf32>
      %add3A_1554 = arith.constant 1.61017752 : f32
      %add3A_1555 = vector.broadcast %add3A_1554 : f32 to vector<16xf32>
      %add3A_1556 = arith.addf %mul3A_1553, %add3A_1555 : vector<16xf32>
      %mul3A_1557 = arith.mulf %add3A_1556, %bitcast_convert_type3A_1546 : vector<16xf32>
      %add3A_1558 = arith.constant -3.52021885 : f32
      %add3A_1559 = vector.broadcast %add3A_1558 : f32 to vector<16xf32>
      %add3A_1560 = arith.addf %mul3A_1557, %add3A_1559 : vector<16xf32>
      %mul3A_1561 = arith.mulf %add3A_1560, %bitcast_convert_type3A_1546 : vector<16xf32>
      %add3A_1562 = arith.constant 5.06975651 : f32
      %add3A_1563 = vector.broadcast %add3A_1562 : f32 to vector<16xf32>
      %add3A_1564 = arith.addf %mul3A_1561, %add3A_1563 : vector<16xf32>
      %mul3A_1565 = arith.mulf %add3A_1564, %bitcast_convert_type3A_1546 : vector<16xf32>
      %add3A_1566 = arith.constant -2.79415369 : f32
      %add3A_1567 = vector.broadcast %add3A_1566 : f32 to vector<16xf32>
      %add3A_1568 = arith.addf %mul3A_1565, %add3A_1567 : vector<16xf32>
      %convert_element_type3A_1569 = arith.sitofp %sub3A_1539 : vector<16xi32> to vector<16xf32>
      %add3A_1570 = arith.addf %convert_element_type3A_1569, %add3A_1568 : vector<16xf32>
      %mul3A_1571 = arith.constant 0.693147182 : f32
      %mul3A_1572 = vector.broadcast %mul3A_1571 : f32 to vector<16xf32>
      %mul3A_1573 = arith.mulf %add3A_1570, %mul3A_1572 : vector<16xf32>
      %sub3A_1574 = arith.subf %gather3A_1489, %mul3A_1573 : vector<16xf32>
      %swap3A_1575 = arith.index_cast %mul3A_1479 : i32 to index
      %swap3A_1576 = tpu.vector_load %arg22[%swap3A_1575] {strides = array<i32>} : memref<5008xf32, #tpu.memory_space<vmem>>, vector<16xf32>,
      tpu.vector_store %arg22[%swap3A_1575], %sub3A_1574 {strides = array<i32>} : memref<5008xf32, #tpu.memory_space<vmem>>, vector<16xf32>,
      %bitcast_convert_type3A_1577 = tpu.bitcast %max3A_1513 : vector<16xf32> -> vector<16xi32>
      %shift_right_arithmetic3A_1578 = arith.constant 23 : i32
      %shift_right_arithmetic3A_1579 = vector.broadcast %shift_right_arithmetic3A_1578 : i32 to vector<16xi32>
      %shift_right_arithmetic3A_1580 = arith.shrsi %bitcast_convert_type3A_1577, %shift_right_arithmetic3A_1579 : vector<16xi32>
      %and3A_1581 = arith.constant 255 : i32
      %and3A_1582 = vector.broadcast %and3A_1581 : i32 to vector<16xi32>
      %and3A_1583 = arith.andi %shift_right_arithmetic3A_1580, %and3A_1582 : vector<16xi32>
      %sub3A_1584 = arith.constant 127 : i32
      %sub3A_1585 = vector.broadcast %sub3A_1584 : i32 to vector<16xi32>
      %sub3A_1586 = arith.subi %and3A_1583, %sub3A_1585 : vector<16xi32>
      %and3A_1587 = arith.constant 8388607 : i32
      %and3A_1588 = vector.broadcast %and3A_1587 : i32 to vector<16xi32>
      %and3A_1589 = arith.andi %bitcast_convert_type3A_1577, %and3A_1588 : vector<16xi32>
      %or3A_1590 = arith.constant 1065353216 : i32
      %or3A_1591 = vector.broadcast %or3A_1590 : i32 to vector<16xi32>
      %or3A_1592 = arith.ori %and3A_1589, %or3A_1591 : vector<16xi32>
      %bitcast_convert_type3A_1593 = tpu.bitcast %or3A_1592 : vector<16xi32> -> vector<16xf32>
      %mul3A_1594 = arith.constant 0.0439286307 : f32
      %mul3A_1595 = vector.broadcast %mul3A_1594 : f32 to vector<16xf32>
      %mul3A_1596 = arith.mulf %mul3A_1595, %bitcast_convert_type3A_1593 : vector<16xf32>
      %add3A_1597 = arith.constant -0.409475595 : f32
      %add3A_1598 = vector.broadcast %add3A_1597 : f32 to vector<16xf32>
      %add3A_1599 = arith.addf %mul3A_1596, %add3A_1598 : vector<16xf32>
      %mul3A_1600 = arith.mulf %add3A_1599, %bitcast_convert_type3A_1593 : vector<16xf32>
      %add3A_1601 = arith.constant 1.61017752 : f32
      %add3A_1602 = vector.broadcast %add3A_1601 : f32 to vector<16xf32>
      %add3A_1603 = arith.addf %mul3A_1600, %add3A_1602 : vector<16xf32>
      %mul3A_1604 = arith.mulf %add3A_1603, %bitcast_convert_type3A_1593 : vector<16xf32>
      %add3A_1605 = arith.constant -3.52021885 : f32
      %add3A_1606 = vector.broadcast %add3A_1605 : f32 to vector<16xf32>
      %add3A_1607 = arith.addf %mul3A_1604, %add3A_1606 : vector<16xf32>
      %mul3A_1608 = arith.mulf %add3A_1607, %bitcast_convert_type3A_1593 : vector<16xf32>
      %add3A_1609 = arith.constant 5.06975651 : f32
      %add3A_1610 = vector.broadcast %add3A_1609 : f32 to vector<16xf32>
      %add3A_1611 = arith.addf %mul3A_1608, %add3A_1610 : vector<16xf32>
      %mul3A_1612 = arith.mulf %add3A_1611, %bitcast_convert_type3A_1593 : vector<16xf32>
      %add3A_1613 = arith.constant -2.79415369 : f32
      %add3A_1614 = vector.broadcast %add3A_1613 : f32 to vector<16xf32>
      %add3A_1615 = arith.addf %mul3A_1612, %add3A_1614 : vector<16xf32>
      %convert_element_type3A_1616 = arith.sitofp %sub3A_1586 : vector<16xi32> to vector<16xf32>
      %add3A_1617 = arith.addf %convert_element_type3A_1616, %add3A_1615 : vector<16xf32>
      %mul3A_1618 = arith.constant 0.693147182 : f32
      %mul3A_1619 = vector.broadcast %mul3A_1618 : f32 to vector<16xf32>
      %mul3A_1620 = arith.mulf %add3A_1617, %mul3A_1619 : vector<16xf32>
      %sub3A_1621 = arith.subf %gather3A_1493, %mul3A_1620 : vector<16xf32>
      %swap3A_1622 = arith.index_cast %mul3A_1479 : i32 to index
      %swap3A_1623 = tpu.vector_load %arg23[%swap3A_1622] {strides = array<i32>} : memref<5008xf32, #tpu.memory_space<vmem>>, vector<16xf32>,
      tpu.vector_store %arg23[%swap3A_1622], %sub3A_1621 {strides = array<i32>} : memref<5008xf32, #tpu.memory_space<vmem>>, vector<16xf32>,
      %get3A_1624 = arith.index_cast %mul3A_1479 : i32 to index
      %get3A_1625 = tpu.vector_load %arg16[%get3A_1624] {strides = array<i32>} : memref<5008xi32, #tpu.memory_space<vmem>>, vector<16xi32>,
      %eq3A_1626 = arith.constant 0 : i32
      %eq3A_1627 = vector.broadcast %eq3A_1626 : i32 to vector<16xi32>
      %eq3A_1628 = arith.cmpi eq, %get3A_1625, %eq3A_1627 : vector<16xi32>
      %jit3A_1629 = arith.constant 0.000000e+00 : f32
      %broadcast_in_dim3A = vector.broadcast %jit3A_1629 : f32 to vector<16xf32>
      %select_n3A_1630 = arith.select %eq3A_1628, %broadcast_in_dim3A, %gather3A_1497 : vector<16xi1>, vector<16xf32>
      %gt3A = arith.constant 0 : i32
      %gt3A_1631 = vector.broadcast %gt3A : i32 to vector<16xi32>
      %gt3A_1632 = arith.cmpi sgt, %get3A_1625, %gt3A_1631 : vector<16xi32>
      %gt3A_1633 = arith.constant 0.000000e+00 : f32
      %gt3A_1634 = vector.broadcast %gt3A_1633 : f32 to vector<16xf32>
      %gt3A_1635 = arith.cmpf ogt, %select_n3A_1630, %gt3A_1634 : vector<16xf32>
      %and3A_1636 = arith.andi %gt3A_1632, %gt3A_1635 : vector<16xi1>
      %jit3A_1637 = arith.constant 1 : i32
      %jit3A_1638 = arith.constant 0 : i32
      %broadcast_in_dim3A_1639 = vector.broadcast %jit3A_1637 : i32 to vector<16xi32>
      %broadcast_in_dim3A_1640 = vector.broadcast %jit3A_1638 : i32 to vector<16xi32>
      %select_n3A_1641 = arith.select %and3A_1636, %broadcast_in_dim3A_1639, %broadcast_in_dim3A_1640 : vector<16xi1>, vector<16xi32>
      %swap3A_1642 = arith.index_cast %mul3A_1479 : i32 to index
      %swap3A_1643 = tpu.vector_load %arg24[%swap3A_1642] {strides = array<i32>} : memref<5008xi32, #tpu.memory_space<vmem>>, vector<16xi32>,
      tpu.vector_store %arg24[%swap3A_1642], %select_n3A_1641 {strides = array<i32>} : memref<5008xi32, #tpu.memory_space<vmem>>, vector<16xi32>,
      %lt3A_1644 = arith.constant 0 : i32
      %lt3A_1645 = vector.broadcast %lt3A_1644 : i32 to vector<16xi32>
      %lt3A_1646 = arith.cmpi slt, %get3A_1625, %lt3A_1645 : vector<16xi32>
      %abs3A = math.absf %select_n3A_1630 : vector<16xf32>
      %neg3A = arith.constant 0.000000e+00 : f32
      %neg3A_1647 = vector.broadcast %neg3A : f32 to vector<16xf32>
      %neg3A_1648 = arith.subf %neg3A_1647, %abs3A : vector<16xf32>
      %select_n3A_1649 = arith.select %lt3A_1646, %neg3A_1648, %select_n3A_1630 : vector<16xi1>, vector<16xf32>
      %swap3A_1650 = arith.index_cast %mul3A_1479 : i32 to index
      %swap3A_1651 = tpu.vector_load %arg18[%swap3A_1650] {strides = array<i32>} : memref<5008xf32, #tpu.memory_space<vmem>>, vector<16xf32>,
      tpu.vector_store %arg18[%swap3A_1650], %select_n3A_1649 {strides = array<i32>} : memref<5008xf32, #tpu.memory_space<vmem>>, vector<16xf32>,
      %ge3A = arith.constant 0.000000e+00 : f32
      %ge3A_1652 = vector.broadcast %ge3A : f32 to vector<16xf32>
      %ge3A_1653 = arith.cmpf oge, %select_n3A_1649, %ge3A_1652 : vector<16xf32>
      %jit3A_1654 = arith.constant 1 : i32
      %jit3A_1655 = arith.constant 0 : i32
      %broadcast_in_dim3A_1656 = vector.broadcast %jit3A_1654 : i32 to vector<16xi32>
      %broadcast_in_dim3A_1657 = vector.broadcast %jit3A_1655 : i32 to vector<16xi32>
      %select_n3A_1658 = arith.select %ge3A_1653, %broadcast_in_dim3A_1656, %broadcast_in_dim3A_1657 : vector<16xi1>, vector<16xi32>
      %swap3A_1659 = arith.index_cast %mul3A_1479 : i32 to index
      %swap3A_1660 = tpu.vector_load %arg19[%swap3A_1659] {strides = array<i32>} : memref<5008xi32, #tpu.memory_space<vmem>>, vector<16xi32>,
      tpu.vector_store %arg19[%swap3A_1659], %select_n3A_1658 {strides = array<i32>} : memref<5008xi32, #tpu.memory_space<vmem>>, vector<16xi32>,
    }
    %scan3A_1162 = arith.constant 156 : i32
    %add3A_1163 = arith.constant 0 : i32
    %add3A_1164 = arith.addi %add3A_45, %add3A_1163 : i32
    %add3A_1165 = arith.constant 20000 : i32
    %add3A_1166 = arith.addi %add3A_45, %add3A_1165 : i32
    %add3A_1167 = arith.constant 0 : i32
    %add3A_1168 = arith.addi %add3A_1166, %add3A_1167 : i32
    %add3A_1169 = arith.constant 40000 : i32
    %add3A_1170 = arith.addi %add3A_45, %add3A_1169 : i32
    %add3A_1171 = arith.constant 0 : i32
    %add3A_1172 = arith.addi %add3A_1170, %add3A_1171 : i32
    %add3A_1173 = arith.constant 60000 : i32
    %add3A_1174 = arith.addi %add3A_45, %add3A_1173 : i32
    %add3A_1175 = arith.constant 0 : i32
    %add3A_1176 = arith.addi %add3A_1174, %add3A_1175 : i32
    %add3A_1177 = arith.constant 0 : i32
    %add3A_1178 = arith.addi %add3A_48, %add3A_1177 : i32
    %add3A_1179 = arith.constant 0 : i32
    %add3A_1180 = arith.addi %add3A_48, %add3A_1179 : i32
    %add3A_1181 = arith.constant 0 : i32
    %add3A_1182 = arith.addi %add3A_48, %add3A_1181 : i32
    %dma_start3A_1183 = arith.constant 0 : i32
    %dma_start3A_1184 = tpu.memref_slice %arg20[%dma_start3A_1183] : memref<5008xf32, #tpu.memory_space<vmem>> -> memref<2496xf32, #tpu.memory_space<vmem>>
    %dma_start3A_1185 = tpu.memref_slice %arg8[%add3A_1164] : memref<640000xf32, #tpu.memory_space<hbm>> -> memref<2496xf32, #tpu.memory_space<hbm>>
    %dma_start3A_1186 = tpu.memref_slice %arg8[%add3A_1164] : memref<640000xf32, #tpu.memory_space<hbm>> -> memref<2496xf32, #tpu.memory_space<hbm>>
    %dma_start3A_1187 = arith.constant 0 : i32
    %dma_start3A_1188 = tpu.memref_slice %arg20[%dma_start3A_1187] : memref<5008xf32, #tpu.memory_space<vmem>> -> memref<2496xf32, #tpu.memory_space<vmem>>
    tpu.enqueue_dma source(%dma_start3A_1188 : memref<2496xf32, #tpu.memory_space<vmem>>) target(%dma_start3A_1186 : memref<2496xf32, #tpu.memory_space<hbm>>) target_semaphore(%arg29 : memref<!tpu.dma_semaphore, #tpu.memory_space<semaphore_mem>>)
    %dma_start3A_1189 = arith.constant 0 : i32
    %dma_start3A_1190 = tpu.memref_slice %arg21[%dma_start3A_1189] : memref<5008xf32, #tpu.memory_space<vmem>> -> memref<2496xf32, #tpu.memory_space<vmem>>
    %dma_start3A_1191 = tpu.memref_slice %arg8[%add3A_1168] : memref<640000xf32, #tpu.memory_space<hbm>> -> memref<2496xf32, #tpu.memory_space<hbm>>
    %dma_start3A_1192 = tpu.memref_slice %arg8[%add3A_1168] : memref<640000xf32, #tpu.memory_space<hbm>> -> memref<2496xf32, #tpu.memory_space<hbm>>
    %dma_start3A_1193 = arith.constant 0 : i32
    %dma_start3A_1194 = tpu.memref_slice %arg21[%dma_start3A_1193] : memref<5008xf32, #tpu.memory_space<vmem>> -> memref<2496xf32, #tpu.memory_space<vmem>>
    tpu.enqueue_dma source(%dma_start3A_1194 : memref<2496xf32, #tpu.memory_space<vmem>>) target(%dma_start3A_1192 : memref<2496xf32, #tpu.memory_space<hbm>>) target_semaphore(%arg29 : memref<!tpu.dma_semaphore, #tpu.memory_space<semaphore_mem>>)
    %dma_start3A_1195 = arith.constant 0 : i32
    %dma_start3A_1196 = tpu.memref_slice %arg22[%dma_start3A_1195] : memref<5008xf32, #tpu.memory_space<vmem>> -> memref<2496xf32, #tpu.memory_space<vmem>>
    %dma_start3A_1197 = tpu.memref_slice %arg8[%add3A_1172] : memref<640000xf32, #tpu.memory_space<hbm>> -> memref<2496xf32, #tpu.memory_space<hbm>>
    %dma_start3A_1198 = tpu.memref_slice %arg8[%add3A_1172] : memref<640000xf32, #tpu.memory_space<hbm>> -> memref<2496xf32, #tpu.memory_space<hbm>>
    %dma_start3A_1199 = arith.constant 0 : i32
    %dma_start3A_1200 = tpu.memref_slice %arg22[%dma_start3A_1199] : memref<5008xf32, #tpu.memory_space<vmem>> -> memref<2496xf32, #tpu.memory_space<vmem>>
    tpu.enqueue_dma source(%dma_start3A_1200 : memref<2496xf32, #tpu.memory_space<vmem>>) target(%dma_start3A_1198 : memref<2496xf32, #tpu.memory_space<hbm>>) target_semaphore(%arg29 : memref<!tpu.dma_semaphore, #tpu.memory_space<semaphore_mem>>)
    %dma_start3A_1201 = arith.constant 0 : i32
    %dma_start3A_1202 = tpu.memref_slice %arg23[%dma_start3A_1201] : memref<5008xf32, #tpu.memory_space<vmem>> -> memref<2496xf32, #tpu.memory_space<vmem>>
    %dma_start3A_1203 = tpu.memref_slice %arg8[%add3A_1176] : memref<640000xf32, #tpu.memory_space<hbm>> -> memref<2496xf32, #tpu.memory_space<hbm>>
    %dma_start3A_1204 = tpu.memref_slice %arg8[%add3A_1176] : memref<640000xf32, #tpu.memory_space<hbm>> -> memref<2496xf32, #tpu.memory_space<hbm>>
    %dma_start3A_1205 = arith.constant 0 : i32
    %dma_start3A_1206 = tpu.memref_slice %arg23[%dma_start3A_1205] : memref<5008xf32, #tpu.memory_space<vmem>> -> memref<2496xf32, #tpu.memory_space<vmem>>
    tpu.enqueue_dma source(%dma_start3A_1206 : memref<2496xf32, #tpu.memory_space<vmem>>) target(%dma_start3A_1204 : memref<2496xf32, #tpu.memory_space<hbm>>) target_semaphore(%arg29 : memref<!tpu.dma_semaphore, #tpu.memory_space<semaphore_mem>>)
    %dma_start3A_1207 = arith.constant 0 : i32
    %dma_start3A_1208 = tpu.memref_slice %arg18[%dma_start3A_1207] : memref<5008xf32, #tpu.memory_space<vmem>> -> memref<2496xf32, #tpu.memory_space<vmem>>
    %dma_start3A_1209 = tpu.memref_slice %arg6[%add3A_1178] : memref<160000xf32, #tpu.memory_space<hbm>> -> memref<2496xf32, #tpu.memory_space<hbm>>
    %dma_start3A_1210 = tpu.memref_slice %arg6[%add3A_1178] : memref<160000xf32, #tpu.memory_space<hbm>> -> memref<2496xf32, #tpu.memory_space<hbm>>
    %dma_start3A_1211 = arith.constant 0 : i32
    %dma_start3A_1212 = tpu.memref_slice %arg18[%dma_start3A_1211] : memref<5008xf32, #tpu.memory_space<vmem>> -> memref<2496xf32, #tpu.memory_space<vmem>>
    tpu.enqueue_dma source(%dma_start3A_1212 : memref<2496xf32, #tpu.memory_space<vmem>>) target(%dma_start3A_1210 : memref<2496xf32, #tpu.memory_space<hbm>>) target_semaphore(%arg29 : memref<!tpu.dma_semaphore, #tpu.memory_space<semaphore_mem>>)
    %dma_start3A_1213 = arith.constant 0 : i32
    %dma_start3A_1214 = tpu.memref_slice %arg19[%dma_start3A_1213] : memref<5008xi32, #tpu.memory_space<vmem>> -> memref<2496xi32, #tpu.memory_space<vmem>>
    %dma_start3A_1215 = tpu.memref_slice %arg7[%add3A_1180] : memref<160000xi32, #tpu.memory_space<hbm>> -> memref<2496xi32, #tpu.memory_space<hbm>>
    %dma_start3A_1216 = tpu.memref_slice %arg7[%add3A_1180] : memref<160000xi32, #tpu.memory_space<hbm>> -> memref<2496xi32, #tpu.memory_space<hbm>>
    %dma_start3A_1217 = arith.constant 0 : i32
    %dma_start3A_1218 = tpu.memref_slice %arg19[%dma_start3A_1217] : memref<5008xi32, #tpu.memory_space<vmem>> -> memref<2496xi32, #tpu.memory_space<vmem>>
    tpu.enqueue_dma source(%dma_start3A_1218 : memref<2496xi32, #tpu.memory_space<vmem>>) target(%dma_start3A_1216 : memref<2496xi32, #tpu.memory_space<hbm>>) target_semaphore(%arg29 : memref<!tpu.dma_semaphore, #tpu.memory_space<semaphore_mem>>)
    %dma_start3A_1219 = arith.constant 0 : i32
    %dma_start3A_1220 = tpu.memref_slice %arg24[%dma_start3A_1219] : memref<5008xi32, #tpu.memory_space<vmem>> -> memref<2496xi32, #tpu.memory_space<vmem>>
    %dma_start3A_1221 = tpu.memref_slice %arg9[%add3A_1182] : memref<160000xi32, #tpu.memory_space<hbm>> -> memref<2496xi32, #tpu.memory_space<hbm>>
    %dma_start3A_1222 = tpu.memref_slice %arg9[%add3A_1182] : memref<160000xi32, #tpu.memory_space<hbm>> -> memref<2496xi32, #tpu.memory_space<hbm>>
    %dma_start3A_1223 = arith.constant 0 : i32
    %dma_start3A_1224 = tpu.memref_slice %arg24[%dma_start3A_1223] : memref<5008xi32, #tpu.memory_space<vmem>> -> memref<2496xi32, #tpu.memory_space<vmem>>
    tpu.enqueue_dma source(%dma_start3A_1224 : memref<2496xi32, #tpu.memory_space<vmem>>) target(%dma_start3A_1222 : memref<2496xi32, #tpu.memory_space<hbm>>) target_semaphore(%arg29 : memref<!tpu.dma_semaphore, #tpu.memory_space<semaphore_mem>>)
    %add3A_1225 = arith.constant 2496 : i32
    %add3A_1226 = arith.addi %add3A_45, %add3A_1225 : i32
    %add3A_1227 = arith.constant 20000 : i32
    %add3A_1228 = arith.addi %add3A_45, %add3A_1227 : i32
    %add3A_1229 = arith.constant 2496 : i32
    %add3A_1230 = arith.addi %add3A_1228, %add3A_1229 : i32
    %add3A_1231 = arith.constant 40000 : i32
    %add3A_1232 = arith.addi %add3A_45, %add3A_1231 : i32
    %add3A_1233 = arith.constant 2496 : i32
    %add3A_1234 = arith.addi %add3A_1232, %add3A_1233 : i32
    %add3A_1235 = arith.constant 60000 : i32
    %add3A_1236 = arith.addi %add3A_45, %add3A_1235 : i32
    %add3A_1237 = arith.constant 2496 : i32
    %add3A_1238 = arith.addi %add3A_1236, %add3A_1237 : i32
    %add3A_1239 = arith.constant 2496 : i32
    %add3A_1240 = arith.addi %add3A_48, %add3A_1239 : i32
    %add3A_1241 = arith.constant 2496 : i32
    %add3A_1242 = arith.addi %add3A_48, %add3A_1241 : i32
    %dma_wait3A_1243 = arith.constant 2496 : i32
    %dma_wait3A_1244 = tpu.memref_slice %arg12[%dma_wait3A_1243] : memref<5008xf32, #tpu.memory_space<vmem>> -> memref<2496xf32, #tpu.memory_space<vmem>>
    %dma_wait3A_1245 = tpu.memref_slice %arg2[%add3A_1226] : memref<640000xf32, #tpu.memory_space<hbm>> -> memref<2496xf32, #tpu.memory_space<hbm>>
    %dma_wait3A_1246 = arith.constant 2496 : i32
    %dma_wait3A_1247 = tpu.memref_slice %arg12[%dma_wait3A_1246] : memref<5008xf32, #tpu.memory_space<vmem>> -> memref<2496xf32, #tpu.memory_space<vmem>>
    %dma_wait3A_1248 = tpu.memref_slice %arg2[%add3A_1226] : memref<640000xf32, #tpu.memory_space<hbm>> -> memref<2496xf32, #tpu.memory_space<hbm>>
    tpu.wait_dma2 semaphore(%arg27 : memref<!tpu.dma_semaphore, #tpu.memory_space<semaphore_mem>>) src(%dma_wait3A_1248 : memref<2496xf32, #tpu.memory_space<hbm>>) dst(%dma_wait3A_1247 : memref<2496xf32, #tpu.memory_space<vmem>>)
    %dma_wait3A_1249 = arith.constant 2496 : i32
    %dma_wait3A_1250 = tpu.memref_slice %arg13[%dma_wait3A_1249] : memref<5008xf32, #tpu.memory_space<vmem>> -> memref<2496xf32, #tpu.memory_space<vmem>>
    %dma_wait3A_1251 = tpu.memref_slice %arg2[%add3A_1230] : memref<640000xf32, #tpu.memory_space<hbm>> -> memref<2496xf32, #tpu.memory_space<hbm>>
    %dma_wait3A_1252 = arith.constant 2496 : i32
    %dma_wait3A_1253 = tpu.memref_slice %arg13[%dma_wait3A_1252] : memref<5008xf32, #tpu.memory_space<vmem>> -> memref<2496xf32, #tpu.memory_space<vmem>>
    %dma_wait3A_1254 = tpu.memref_slice %arg2[%add3A_1230] : memref<640000xf32, #tpu.memory_space<hbm>> -> memref<2496xf32, #tpu.memory_space<hbm>>
    tpu.wait_dma2 semaphore(%arg27 : memref<!tpu.dma_semaphore, #tpu.memory_space<semaphore_mem>>) src(%dma_wait3A_1254 : memref<2496xf32, #tpu.memory_space<hbm>>) dst(%dma_wait3A_1253 : memref<2496xf32, #tpu.memory_space<vmem>>)
    %dma_wait3A_1255 = arith.constant 2496 : i32
    %dma_wait3A_1256 = tpu.memref_slice %arg14[%dma_wait3A_1255] : memref<5008xf32, #tpu.memory_space<vmem>> -> memref<2496xf32, #tpu.memory_space<vmem>>
    %dma_wait3A_1257 = tpu.memref_slice %arg2[%add3A_1234] : memref<640000xf32, #tpu.memory_space<hbm>> -> memref<2496xf32, #tpu.memory_space<hbm>>
    %dma_wait3A_1258 = arith.constant 2496 : i32
    %dma_wait3A_1259 = tpu.memref_slice %arg14[%dma_wait3A_1258] : memref<5008xf32, #tpu.memory_space<vmem>> -> memref<2496xf32, #tpu.memory_space<vmem>>
    %dma_wait3A_1260 = tpu.memref_slice %arg2[%add3A_1234] : memref<640000xf32, #tpu.memory_space<hbm>> -> memref<2496xf32, #tpu.memory_space<hbm>>
    tpu.wait_dma2 semaphore(%arg27 : memref<!tpu.dma_semaphore, #tpu.memory_space<semaphore_mem>>) src(%dma_wait3A_1260 : memref<2496xf32, #tpu.memory_space<hbm>>) dst(%dma_wait3A_1259 : memref<2496xf32, #tpu.memory_space<vmem>>)
    %dma_wait3A_1261 = arith.constant 2496 : i32
    %dma_wait3A_1262 = tpu.memref_slice %arg15[%dma_wait3A_1261] : memref<5008xf32, #tpu.memory_space<vmem>> -> memref<2496xf32, #tpu.memory_space<vmem>>
    %dma_wait3A_1263 = tpu.memref_slice %arg2[%add3A_1238] : memref<640000xf32, #tpu.memory_space<hbm>> -> memref<2496xf32, #tpu.memory_space<hbm>>
    %dma_wait3A_1264 = arith.constant 2496 : i32
    %dma_wait3A_1265 = tpu.memref_slice %arg15[%dma_wait3A_1264] : memref<5008xf32, #tpu.memory_space<vmem>> -> memref<2496xf32, #tpu.memory_space<vmem>>
    %dma_wait3A_1266 = tpu.memref_slice %arg2[%add3A_1238] : memref<640000xf32, #tpu.memory_space<hbm>> -> memref<2496xf32, #tpu.memory_space<hbm>>
    tpu.wait_dma2 semaphore(%arg27 : memref<!tpu.dma_semaphore, #tpu.memory_space<semaphore_mem>>) src(%dma_wait3A_1266 : memref<2496xf32, #tpu.memory_space<hbm>>) dst(%dma_wait3A_1265 : memref<2496xf32, #tpu.memory_space<vmem>>)
    %dma_wait3A_1267 = arith.constant 2496 : i32
    %dma_wait3A_1268 = tpu.memref_slice %arg16[%dma_wait3A_1267] : memref<5008xi32, #tpu.memory_space<vmem>> -> memref<2496xi32, #tpu.memory_space<vmem>>
    %dma_wait3A_1269 = tpu.memref_slice %arg4[%add3A_1240] : memref<160000xi32, #tpu.memory_space<hbm>> -> memref<2496xi32, #tpu.memory_space<hbm>>
    %dma_wait3A_1270 = arith.constant 2496 : i32
    %dma_wait3A_1271 = tpu.memref_slice %arg16[%dma_wait3A_1270] : memref<5008xi32, #tpu.memory_space<vmem>> -> memref<2496xi32, #tpu.memory_space<vmem>>
    %dma_wait3A_1272 = tpu.memref_slice %arg4[%add3A_1240] : memref<160000xi32, #tpu.memory_space<hbm>> -> memref<2496xi32, #tpu.memory_space<hbm>>
    tpu.wait_dma2 semaphore(%arg27 : memref<!tpu.dma_semaphore, #tpu.memory_space<semaphore_mem>>) src(%dma_wait3A_1272 : memref<2496xi32, #tpu.memory_space<hbm>>) dst(%dma_wait3A_1271 : memref<2496xi32, #tpu.memory_space<vmem>>)
    %dma_wait3A_1273 = arith.constant 2496 : i32
    %dma_wait3A_1274 = tpu.memref_slice %arg17[%dma_wait3A_1273] : memref<5008xi32, #tpu.memory_space<vmem>> -> memref<2496xi32, #tpu.memory_space<vmem>>
    %dma_wait3A_1275 = tpu.memref_slice %arg5[%add3A_1242] : memref<160000xi32, #tpu.memory_space<hbm>> -> memref<2496xi32, #tpu.memory_space<hbm>>
    %dma_wait3A_1276 = arith.constant 2496 : i32
    %dma_wait3A_1277 = tpu.memref_slice %arg17[%dma_wait3A_1276] : memref<5008xi32, #tpu.memory_space<vmem>> -> memref<2496xi32, #tpu.memory_space<vmem>>
    %dma_wait3A_1278 = tpu.memref_slice %arg5[%add3A_1242] : memref<160000xi32, #tpu.memory_space<hbm>> -> memref<2496xi32, #tpu.memory_space<hbm>>
    tpu.wait_dma2 semaphore(%arg27 : memref<!tpu.dma_semaphore, #tpu.memory_space<semaphore_mem>>) src(%dma_wait3A_1278 : memref<2496xi32, #tpu.memory_space<hbm>>) dst(%dma_wait3A_1277 : memref<2496xi32, #tpu.memory_space<vmem>>)
    %scan3A_1279 = arith.constant 0 : i32
    %scan3A_1280 = arith.constant 156 : i32
    %scan3A_1281 = arith.constant 156 : i32
    %scan3A_1282 = arith.addi %scan3A_1280, %scan3A_1281 : i32
    %scan3A_1283 = arith.constant 1 : i32
    scf.for %scan3A_1477 = %scan3A_1280 to %scan3A_1282 step %scan3A_1283  : i32 {
      %mul3A_1478 = arith.constant 16 : i32
      %mul3A_1479 = arith.muli %scan3A_1477, %mul3A_1478 : i32
      %get3A = arith.index_cast %mul3A_1479 : i32 to index
      %get3A_1480 = tpu.vector_load %arg17[%get3A] {strides = array<i32>} : memref<5008xi32, #tpu.memory_space<vmem>>, vector<16xi32>,
      %gather3A_1481 = tpu.vector_load_idx %arg11[%get3A_1480] : memref<560xf32, #tpu.memory_space<vmem>>[vector<16xi32>], vector<16xf32>,
      %add3A_1482 = arith.constant 112 : i32
      %add3A_1483 = vector.broadcast %add3A_1482 : i32 to vector<16xi32>
      %add3A_1484 = arith.addi %get3A_1480, %add3A_1483 : vector<16xi32>
      %gather3A_1485 = tpu.vector_load_idx %arg11[%add3A_1484] : memref<560xf32, #tpu.memory_space<vmem>>[vector<16xi32>], vector<16xf32>,
      %add3A_1486 = arith.constant 224 : i32
      %add3A_1487 = vector.broadcast %add3A_1486 : i32 to vector<16xi32>
      %add3A_1488 = arith.addi %get3A_1480, %add3A_1487 : vector<16xi32>
      %gather3A_1489 = tpu.vector_load_idx %arg11[%add3A_1488] : memref<560xf32, #tpu.memory_space<vmem>>[vector<16xi32>], vector<16xf32>,
      %add3A_1490 = arith.constant 336 : i32
      %add3A_1491 = vector.broadcast %add3A_1490 : i32 to vector<16xi32>
      %add3A_1492 = arith.addi %get3A_1480, %add3A_1491 : vector<16xi32>
      %gather3A_1493 = tpu.vector_load_idx %arg11[%add3A_1492] : memref<560xf32, #tpu.memory_space<vmem>>[vector<16xi32>], vector<16xf32>,
      %add3A_1494 = arith.constant 448 : i32
      %add3A_1495 = vector.broadcast %add3A_1494 : i32 to vector<16xi32>
      %add3A_1496 = arith.addi %get3A_1480, %add3A_1495 : vector<16xi32>
      %gather3A_1497 = tpu.vector_load_idx %arg11[%add3A_1496] : memref<560xf32, #tpu.memory_space<vmem>>[vector<16xi32>], vector<16xf32>,
      %get3A_1498 = arith.index_cast %mul3A_1479 : i32 to index
      %get3A_1499 = tpu.vector_load %arg12[%get3A_1498] {strides = array<i32>} : memref<5008xf32, #tpu.memory_space<vmem>>, vector<16xf32>,
      %get3A_1500 = arith.index_cast %mul3A_1479 : i32 to index
      %get3A_1501 = tpu.vector_load %arg13[%get3A_1500] {strides = array<i32>} : memref<5008xf32, #tpu.memory_space<vmem>>, vector<16xf32>,
      %get3A_1502 = arith.index_cast %mul3A_1479 : i32 to index
      %get3A_1503 = tpu.vector_load %arg14[%get3A_1502] {strides = array<i32>} : memref<5008xf32, #tpu.memory_space<vmem>>, vector<16xf32>,
      %get3A_1504 = arith.index_cast %mul3A_1479 : i32 to index
      %get3A_1505 = tpu.vector_load %arg15[%get3A_1504] {strides = array<i32>} : memref<5008xf32, #tpu.memory_space<vmem>>, vector<16xf32>,
      %sub3A_1506 = arith.subf %get3A_1503, %get3A_1499 : vector<16xf32>
      %max3A_1507 = arith.constant 1.000000e-03 : f32
      %max3A_1508 = vector.broadcast %max3A_1507 : f32 to vector<16xf32>
      %max3A_1509 = arith.maximumf %sub3A_1506, %max3A_1508 : vector<16xf32>
      %sub3A_1510 = arith.subf %get3A_1505, %get3A_1501 : vector<16xf32>
      %max3A_1511 = arith.constant 1.000000e-03 : f32
      %max3A_1512 = vector.broadcast %max3A_1511 : f32 to vector<16xf32>
      %max3A_1513 = arith.maximumf %sub3A_1510, %max3A_1512 : vector<16xf32>
      %add3A_1514 = arith.addf %get3A_1499, %get3A_1503 : vector<16xf32>
      %sub3A_1515 = arith.subf %gather3A_1481, %add3A_1514 : vector<16xf32>
      %mul3A_1516 = arith.constant 5.000000e-01 : f32
      %mul3A_1517 = vector.broadcast %mul3A_1516 : f32 to vector<16xf32>
      %mul3A_1518 = arith.mulf %sub3A_1515, %mul3A_1517 : vector<16xf32>
      %div3A_1519 = arith.divf %mul3A_1518, %max3A_1509 : vector<16xf32>
      %swap3A_1520 = arith.index_cast %mul3A_1479 : i32 to index
      %swap3A_1521 = tpu.vector_load %arg20[%swap3A_1520] {strides = array<i32>} : memref<5008xf32, #tpu.memory_space<vmem>>, vector<16xf32>,
      tpu.vector_store %arg20[%swap3A_1520], %div3A_1519 {strides = array<i32>} : memref<5008xf32, #tpu.memory_space<vmem>>, vector<16xf32>,
      %add3A_1522 = arith.addf %get3A_1501, %get3A_1505 : vector<16xf32>
      %sub3A_1523 = arith.subf %gather3A_1485, %add3A_1522 : vector<16xf32>
      %mul3A_1524 = arith.constant 5.000000e-01 : f32
      %mul3A_1525 = vector.broadcast %mul3A_1524 : f32 to vector<16xf32>
      %mul3A_1526 = arith.mulf %sub3A_1523, %mul3A_1525 : vector<16xf32>
      %div3A_1527 = arith.divf %mul3A_1526, %max3A_1513 : vector<16xf32>
      %swap3A_1528 = arith.index_cast %mul3A_1479 : i32 to index
      %swap3A_1529 = tpu.vector_load %arg21[%swap3A_1528] {strides = array<i32>} : memref<5008xf32, #tpu.memory_space<vmem>>, vector<16xf32>,
      tpu.vector_store %arg21[%swap3A_1528], %div3A_1527 {strides = array<i32>} : memref<5008xf32, #tpu.memory_space<vmem>>, vector<16xf32>,
      %bitcast_convert_type3A_1530 = tpu.bitcast %max3A_1509 : vector<16xf32> -> vector<16xi32>
      %shift_right_arithmetic3A_1531 = arith.constant 23 : i32
      %shift_right_arithmetic3A_1532 = vector.broadcast %shift_right_arithmetic3A_1531 : i32 to vector<16xi32>
      %shift_right_arithmetic3A_1533 = arith.shrsi %bitcast_convert_type3A_1530, %shift_right_arithmetic3A_1532 : vector<16xi32>
      %and3A_1534 = arith.constant 255 : i32
      %and3A_1535 = vector.broadcast %and3A_1534 : i32 to vector<16xi32>
      %and3A_1536 = arith.andi %shift_right_arithmetic3A_1533, %and3A_1535 : vector<16xi32>
      %sub3A_1537 = arith.constant 127 : i32
      %sub3A_1538 = vector.broadcast %sub3A_1537 : i32 to vector<16xi32>
      %sub3A_1539 = arith.subi %and3A_1536, %sub3A_1538 : vector<16xi32>
      %and3A_1540 = arith.constant 8388607 : i32
      %and3A_1541 = vector.broadcast %and3A_1540 : i32 to vector<16xi32>
      %and3A_1542 = arith.andi %bitcast_convert_type3A_1530, %and3A_1541 : vector<16xi32>
      %or3A_1543 = arith.constant 1065353216 : i32
      %or3A_1544 = vector.broadcast %or3A_1543 : i32 to vector<16xi32>
      %or3A_1545 = arith.ori %and3A_1542, %or3A_1544 : vector<16xi32>
      %bitcast_convert_type3A_1546 = tpu.bitcast %or3A_1545 : vector<16xi32> -> vector<16xf32>
      %mul3A_1547 = arith.constant 0.0439286307 : f32
      %mul3A_1548 = vector.broadcast %mul3A_1547 : f32 to vector<16xf32>
      %mul3A_1549 = arith.mulf %mul3A_1548, %bitcast_convert_type3A_1546 : vector<16xf32>
      %add3A_1550 = arith.constant -0.409475595 : f32
      %add3A_1551 = vector.broadcast %add3A_1550 : f32 to vector<16xf32>
      %add3A_1552 = arith.addf %mul3A_1549, %add3A_1551 : vector<16xf32>
      %mul3A_1553 = arith.mulf %add3A_1552, %bitcast_convert_type3A_1546 : vector<16xf32>
      %add3A_1554 = arith.constant 1.61017752 : f32
      %add3A_1555 = vector.broadcast %add3A_1554 : f32 to vector<16xf32>
      %add3A_1556 = arith.addf %mul3A_1553, %add3A_1555 : vector<16xf32>
      %mul3A_1557 = arith.mulf %add3A_1556, %bitcast_convert_type3A_1546 : vector<16xf32>
      %add3A_1558 = arith.constant -3.52021885 : f32
      %add3A_1559 = vector.broadcast %add3A_1558 : f32 to vector<16xf32>
      %add3A_1560 = arith.addf %mul3A_1557, %add3A_1559 : vector<16xf32>
      %mul3A_1561 = arith.mulf %add3A_1560, %bitcast_convert_type3A_1546 : vector<16xf32>
      %add3A_1562 = arith.constant 5.06975651 : f32
      %add3A_1563 = vector.broadcast %add3A_1562 : f32 to vector<16xf32>
      %add3A_1564 = arith.addf %mul3A_1561, %add3A_1563 : vector<16xf32>
      %mul3A_1565 = arith.mulf %add3A_1564, %bitcast_convert_type3A_1546 : vector<16xf32>
      %add3A_1566 = arith.constant -2.79415369 : f32
      %add3A_1567 = vector.broadcast %add3A_1566 : f32 to vector<16xf32>
      %add3A_1568 = arith.addf %mul3A_1565, %add3A_1567 : vector<16xf32>
      %convert_element_type3A_1569 = arith.sitofp %sub3A_1539 : vector<16xi32> to vector<16xf32>
      %add3A_1570 = arith.addf %convert_element_type3A_1569, %add3A_1568 : vector<16xf32>
      %mul3A_1571 = arith.constant 0.693147182 : f32
      %mul3A_1572 = vector.broadcast %mul3A_1571 : f32 to vector<16xf32>
      %mul3A_1573 = arith.mulf %add3A_1570, %mul3A_1572 : vector<16xf32>
      %sub3A_1574 = arith.subf %gather3A_1489, %mul3A_1573 : vector<16xf32>
      %swap3A_1575 = arith.index_cast %mul3A_1479 : i32 to index
      %swap3A_1576 = tpu.vector_load %arg22[%swap3A_1575] {strides = array<i32>} : memref<5008xf32, #tpu.memory_space<vmem>>, vector<16xf32>,
      tpu.vector_store %arg22[%swap3A_1575], %sub3A_1574 {strides = array<i32>} : memref<5008xf32, #tpu.memory_space<vmem>>, vector<16xf32>,
      %bitcast_convert_type3A_1577 = tpu.bitcast %max3A_1513 : vector<16xf32> -> vector<16xi32>
      %shift_right_arithmetic3A_1578 = arith.constant 23 : i32
      %shift_right_arithmetic3A_1579 = vector.broadcast %shift_right_arithmetic3A_1578 : i32 to vector<16xi32>
      %shift_right_arithmetic3A_1580 = arith.shrsi %bitcast_convert_type3A_1577, %shift_right_arithmetic3A_1579 : vector<16xi32>
      %and3A_1581 = arith.constant 255 : i32
      %and3A_1582 = vector.broadcast %and3A_1581 : i32 to vector<16xi32>
      %and3A_1583 = arith.andi %shift_right_arithmetic3A_1580, %and3A_1582 : vector<16xi32>
      %sub3A_1584 = arith.constant 127 : i32
      %sub3A_1585 = vector.broadcast %sub3A_1584 : i32 to vector<16xi32>
      %sub3A_1586 = arith.subi %and3A_1583, %sub3A_1585 : vector<16xi32>
      %and3A_1587 = arith.constant 8388607 : i32
      %and3A_1588 = vector.broadcast %and3A_1587 : i32 to vector<16xi32>
      %and3A_1589 = arith.andi %bitcast_convert_type3A_1577, %and3A_1588 : vector<16xi32>
      %or3A_1590 = arith.constant 1065353216 : i32
      %or3A_1591 = vector.broadcast %or3A_1590 : i32 to vector<16xi32>
      %or3A_1592 = arith.ori %and3A_1589, %or3A_1591 : vector<16xi32>
      %bitcast_convert_type3A_1593 = tpu.bitcast %or3A_1592 : vector<16xi32> -> vector<16xf32>
      %mul3A_1594 = arith.constant 0.0439286307 : f32
      %mul3A_1595 = vector.broadcast %mul3A_1594 : f32 to vector<16xf32>
      %mul3A_1596 = arith.mulf %mul3A_1595, %bitcast_convert_type3A_1593 : vector<16xf32>
      %add3A_1597 = arith.constant -0.409475595 : f32
      %add3A_1598 = vector.broadcast %add3A_1597 : f32 to vector<16xf32>
      %add3A_1599 = arith.addf %mul3A_1596, %add3A_1598 : vector<16xf32>
      %mul3A_1600 = arith.mulf %add3A_1599, %bitcast_convert_type3A_1593 : vector<16xf32>
      %add3A_1601 = arith.constant 1.61017752 : f32
      %add3A_1602 = vector.broadcast %add3A_1601 : f32 to vector<16xf32>
      %add3A_1603 = arith.addf %mul3A_1600, %add3A_1602 : vector<16xf32>
      %mul3A_1604 = arith.mulf %add3A_1603, %bitcast_convert_type3A_1593 : vector<16xf32>
      %add3A_1605 = arith.constant -3.52021885 : f32
      %add3A_1606 = vector.broadcast %add3A_1605 : f32 to vector<16xf32>
      %add3A_1607 = arith.addf %mul3A_1604, %add3A_1606 : vector<16xf32>
      %mul3A_1608 = arith.mulf %add3A_1607, %bitcast_convert_type3A_1593 : vector<16xf32>
      %add3A_1609 = arith.constant 5.06975651 : f32
      %add3A_1610 = vector.broadcast %add3A_1609 : f32 to vector<16xf32>
      %add3A_1611 = arith.addf %mul3A_1608, %add3A_1610 : vector<16xf32>
      %mul3A_1612 = arith.mulf %add3A_1611, %bitcast_convert_type3A_1593 : vector<16xf32>
      %add3A_1613 = arith.constant -2.79415369 : f32
      %add3A_1614 = vector.broadcast %add3A_1613 : f32 to vector<16xf32>
      %add3A_1615 = arith.addf %mul3A_1612, %add3A_1614 : vector<16xf32>
      %convert_element_type3A_1616 = arith.sitofp %sub3A_1586 : vector<16xi32> to vector<16xf32>
      %add3A_1617 = arith.addf %convert_element_type3A_1616, %add3A_1615 : vector<16xf32>
      %mul3A_1618 = arith.constant 0.693147182 : f32
      %mul3A_1619 = vector.broadcast %mul3A_1618 : f32 to vector<16xf32>
      %mul3A_1620 = arith.mulf %add3A_1617, %mul3A_1619 : vector<16xf32>
      %sub3A_1621 = arith.subf %gather3A_1493, %mul3A_1620 : vector<16xf32>
      %swap3A_1622 = arith.index_cast %mul3A_1479 : i32 to index
      %swap3A_1623 = tpu.vector_load %arg23[%swap3A_1622] {strides = array<i32>} : memref<5008xf32, #tpu.memory_space<vmem>>, vector<16xf32>,
      tpu.vector_store %arg23[%swap3A_1622], %sub3A_1621 {strides = array<i32>} : memref<5008xf32, #tpu.memory_space<vmem>>, vector<16xf32>,
      %get3A_1624 = arith.index_cast %mul3A_1479 : i32 to index
      %get3A_1625 = tpu.vector_load %arg16[%get3A_1624] {strides = array<i32>} : memref<5008xi32, #tpu.memory_space<vmem>>, vector<16xi32>,
      %eq3A_1626 = arith.constant 0 : i32
      %eq3A_1627 = vector.broadcast %eq3A_1626 : i32 to vector<16xi32>
      %eq3A_1628 = arith.cmpi eq, %get3A_1625, %eq3A_1627 : vector<16xi32>
      %jit3A_1629 = arith.constant 0.000000e+00 : f32
      %broadcast_in_dim3A = vector.broadcast %jit3A_1629 : f32 to vector<16xf32>
      %select_n3A_1630 = arith.select %eq3A_1628, %broadcast_in_dim3A, %gather3A_1497 : vector<16xi1>, vector<16xf32>
      %gt3A = arith.constant 0 : i32
      %gt3A_1631 = vector.broadcast %gt3A : i32 to vector<16xi32>
      %gt3A_1632 = arith.cmpi sgt, %get3A_1625, %gt3A_1631 : vector<16xi32>
      %gt3A_1633 = arith.constant 0.000000e+00 : f32
      %gt3A_1634 = vector.broadcast %gt3A_1633 : f32 to vector<16xf32>
      %gt3A_1635 = arith.cmpf ogt, %select_n3A_1630, %gt3A_1634 : vector<16xf32>
      %and3A_1636 = arith.andi %gt3A_1632, %gt3A_1635 : vector<16xi1>
      %jit3A_1637 = arith.constant 1 : i32
      %jit3A_1638 = arith.constant 0 : i32
      %broadcast_in_dim3A_1639 = vector.broadcast %jit3A_1637 : i32 to vector<16xi32>
      %broadcast_in_dim3A_1640 = vector.broadcast %jit3A_1638 : i32 to vector<16xi32>
      %select_n3A_1641 = arith.select %and3A_1636, %broadcast_in_dim3A_1639, %broadcast_in_dim3A_1640 : vector<16xi1>, vector<16xi32>
      %swap3A_1642 = arith.index_cast %mul3A_1479 : i32 to index
      %swap3A_1643 = tpu.vector_load %arg24[%swap3A_1642] {strides = array<i32>} : memref<5008xi32, #tpu.memory_space<vmem>>, vector<16xi32>,
      tpu.vector_store %arg24[%swap3A_1642], %select_n3A_1641 {strides = array<i32>} : memref<5008xi32, #tpu.memory_space<vmem>>, vector<16xi32>,
      %lt3A_1644 = arith.constant 0 : i32
      %lt3A_1645 = vector.broadcast %lt3A_1644 : i32 to vector<16xi32>
      %lt3A_1646 = arith.cmpi slt, %get3A_1625, %lt3A_1645 : vector<16xi32>
      %abs3A = math.absf %select_n3A_1630 : vector<16xf32>
      %neg3A = arith.constant 0.000000e+00 : f32
      %neg3A_1647 = vector.broadcast %neg3A : f32 to vector<16xf32>
      %neg3A_1648 = arith.subf %neg3A_1647, %abs3A : vector<16xf32>
      %select_n3A_1649 = arith.select %lt3A_1646, %neg3A_1648, %select_n3A_1630 : vector<16xi1>, vector<16xf32>
      %swap3A_1650 = arith.index_cast %mul3A_1479 : i32 to index
      %swap3A_1651 = tpu.vector_load %arg18[%swap3A_1650] {strides = array<i32>} : memref<5008xf32, #tpu.memory_space<vmem>>, vector<16xf32>,
      tpu.vector_store %arg18[%swap3A_1650], %select_n3A_1649 {strides = array<i32>} : memref<5008xf32, #tpu.memory_space<vmem>>, vector<16xf32>,
      %ge3A = arith.constant 0.000000e+00 : f32
      %ge3A_1652 = vector.broadcast %ge3A : f32 to vector<16xf32>
      %ge3A_1653 = arith.cmpf oge, %select_n3A_1649, %ge3A_1652 : vector<16xf32>
      %jit3A_1654 = arith.constant 1 : i32
      %jit3A_1655 = arith.constant 0 : i32
      %broadcast_in_dim3A_1656 = vector.broadcast %jit3A_1654 : i32 to vector<16xi32>
      %broadcast_in_dim3A_1657 = vector.broadcast %jit3A_1655 : i32 to vector<16xi32>
      %select_n3A_1658 = arith.select %ge3A_1653, %broadcast_in_dim3A_1656, %broadcast_in_dim3A_1657 : vector<16xi1>, vector<16xi32>
      %swap3A_1659 = arith.index_cast %mul3A_1479 : i32 to index
      %swap3A_1660 = tpu.vector_load %arg19[%swap3A_1659] {strides = array<i32>} : memref<5008xi32, #tpu.memory_space<vmem>>, vector<16xi32>,
      tpu.vector_store %arg19[%swap3A_1659], %select_n3A_1658 {strides = array<i32>} : memref<5008xi32, #tpu.memory_space<vmem>>, vector<16xi32>,
    }
    %scan3A_1284 = arith.constant 156 : i32
    %add3A_1285 = arith.constant 2496 : i32
    %add3A_1286 = arith.addi %add3A_45, %add3A_1285 : i32
    %add3A_1287 = arith.constant 20000 : i32
    %add3A_1288 = arith.addi %add3A_45, %add3A_1287 : i32
    %add3A_1289 = arith.constant 2496 : i32
    %add3A_1290 = arith.addi %add3A_1288, %add3A_1289 : i32
    %add3A_1291 = arith.constant 40000 : i32
    %add3A_1292 = arith.addi %add3A_45, %add3A_1291 : i32
    %add3A_1293 = arith.constant 2496 : i32
    %add3A_1294 = arith.addi %add3A_1292, %add3A_1293 : i32
    %add3A_1295 = arith.constant 60000 : i32
    %add3A_1296 = arith.addi %add3A_45, %add3A_1295 : i32
    %add3A_1297 = arith.constant 2496 : i32
    %add3A_1298 = arith.addi %add3A_1296, %add3A_1297 : i32
    %add3A_1299 = arith.constant 2496 : i32
    %add3A_1300 = arith.addi %add3A_48, %add3A_1299 : i32
    %add3A_1301 = arith.constant 2496 : i32
    %add3A_1302 = arith.addi %add3A_48, %add3A_1301 : i32
    %add3A_1303 = arith.constant 2496 : i32
    %add3A_1304 = arith.addi %add3A_48, %add3A_1303 : i32
    %dma_start3A_1305 = arith.constant 2496 : i32
    %dma_start3A_1306 = tpu.memref_slice %arg20[%dma_start3A_1305] : memref<5008xf32, #tpu.memory_space<vmem>> -> memref<2496xf32, #tpu.memory_space<vmem>>
    %dma_start3A_1307 = tpu.memref_slice %arg8[%add3A_1286] : memref<640000xf32, #tpu.memory_space<hbm>> -> memref<2496xf32, #tpu.memory_space<hbm>>
    %dma_start3A_1308 = tpu.memref_slice %arg8[%add3A_1286] : memref<640000xf32, #tpu.memory_space<hbm>> -> memref<2496xf32, #tpu.memory_space<hbm>>
    %dma_start3A_1309 = arith.constant 2496 : i32
    %dma_start3A_1310 = tpu.memref_slice %arg20[%dma_start3A_1309] : memref<5008xf32, #tpu.memory_space<vmem>> -> memref<2496xf32, #tpu.memory_space<vmem>>
    tpu.enqueue_dma source(%dma_start3A_1310 : memref<2496xf32, #tpu.memory_space<vmem>>) target(%dma_start3A_1308 : memref<2496xf32, #tpu.memory_space<hbm>>) target_semaphore(%arg29 : memref<!tpu.dma_semaphore, #tpu.memory_space<semaphore_mem>>)
    %dma_start3A_1311 = arith.constant 2496 : i32
    %dma_start3A_1312 = tpu.memref_slice %arg21[%dma_start3A_1311] : memref<5008xf32, #tpu.memory_space<vmem>> -> memref<2496xf32, #tpu.memory_space<vmem>>
    %dma_start3A_1313 = tpu.memref_slice %arg8[%add3A_1290] : memref<640000xf32, #tpu.memory_space<hbm>> -> memref<2496xf32, #tpu.memory_space<hbm>>
    %dma_start3A_1314 = tpu.memref_slice %arg8[%add3A_1290] : memref<640000xf32, #tpu.memory_space<hbm>> -> memref<2496xf32, #tpu.memory_space<hbm>>
    %dma_start3A_1315 = arith.constant 2496 : i32
    %dma_start3A_1316 = tpu.memref_slice %arg21[%dma_start3A_1315] : memref<5008xf32, #tpu.memory_space<vmem>> -> memref<2496xf32, #tpu.memory_space<vmem>>
    tpu.enqueue_dma source(%dma_start3A_1316 : memref<2496xf32, #tpu.memory_space<vmem>>) target(%dma_start3A_1314 : memref<2496xf32, #tpu.memory_space<hbm>>) target_semaphore(%arg29 : memref<!tpu.dma_semaphore, #tpu.memory_space<semaphore_mem>>)
    %dma_start3A_1317 = arith.constant 2496 : i32
    %dma_start3A_1318 = tpu.memref_slice %arg22[%dma_start3A_1317] : memref<5008xf32, #tpu.memory_space<vmem>> -> memref<2496xf32, #tpu.memory_space<vmem>>
    %dma_start3A_1319 = tpu.memref_slice %arg8[%add3A_1294] : memref<640000xf32, #tpu.memory_space<hbm>> -> memref<2496xf32, #tpu.memory_space<hbm>>
    %dma_start3A_1320 = tpu.memref_slice %arg8[%add3A_1294] : memref<640000xf32, #tpu.memory_space<hbm>> -> memref<2496xf32, #tpu.memory_space<hbm>>
    %dma_start3A_1321 = arith.constant 2496 : i32
    %dma_start3A_1322 = tpu.memref_slice %arg22[%dma_start3A_1321] : memref<5008xf32, #tpu.memory_space<vmem>> -> memref<2496xf32, #tpu.memory_space<vmem>>
    tpu.enqueue_dma source(%dma_start3A_1322 : memref<2496xf32, #tpu.memory_space<vmem>>) target(%dma_start3A_1320 : memref<2496xf32, #tpu.memory_space<hbm>>) target_semaphore(%arg29 : memref<!tpu.dma_semaphore, #tpu.memory_space<semaphore_mem>>)
    %dma_start3A_1323 = arith.constant 2496 : i32
    %dma_start3A_1324 = tpu.memref_slice %arg23[%dma_start3A_1323] : memref<5008xf32, #tpu.memory_space<vmem>> -> memref<2496xf32, #tpu.memory_space<vmem>>
    %dma_start3A_1325 = tpu.memref_slice %arg8[%add3A_1298] : memref<640000xf32, #tpu.memory_space<hbm>> -> memref<2496xf32, #tpu.memory_space<hbm>>
    %dma_start3A_1326 = tpu.memref_slice %arg8[%add3A_1298] : memref<640000xf32, #tpu.memory_space<hbm>> -> memref<2496xf32, #tpu.memory_space<hbm>>
    %dma_start3A_1327 = arith.constant 2496 : i32
    %dma_start3A_1328 = tpu.memref_slice %arg23[%dma_start3A_1327] : memref<5008xf32, #tpu.memory_space<vmem>> -> memref<2496xf32, #tpu.memory_space<vmem>>
    tpu.enqueue_dma source(%dma_start3A_1328 : memref<2496xf32, #tpu.memory_space<vmem>>) target(%dma_start3A_1326 : memref<2496xf32, #tpu.memory_space<hbm>>) target_semaphore(%arg29 : memref<!tpu.dma_semaphore, #tpu.memory_space<semaphore_mem>>)
    %dma_start3A_1329 = arith.constant 2496 : i32
    %dma_start3A_1330 = tpu.memref_slice %arg18[%dma_start3A_1329] : memref<5008xf32, #tpu.memory_space<vmem>> -> memref<2496xf32, #tpu.memory_space<vmem>>
    %dma_start3A_1331 = tpu.memref_slice %arg6[%add3A_1300] : memref<160000xf32, #tpu.memory_space<hbm>> -> memref<2496xf32, #tpu.memory_space<hbm>>
    %dma_start3A_1332 = tpu.memref_slice %arg6[%add3A_1300] : memref<160000xf32, #tpu.memory_space<hbm>> -> memref<2496xf32, #tpu.memory_space<hbm>>
    %dma_start3A_1333 = arith.constant 2496 : i32
    %dma_start3A_1334 = tpu.memref_slice %arg18[%dma_start3A_1333] : memref<5008xf32, #tpu.memory_space<vmem>> -> memref<2496xf32, #tpu.memory_space<vmem>>
    tpu.enqueue_dma source(%dma_start3A_1334 : memref<2496xf32, #tpu.memory_space<vmem>>) target(%dma_start3A_1332 : memref<2496xf32, #tpu.memory_space<hbm>>) target_semaphore(%arg29 : memref<!tpu.dma_semaphore, #tpu.memory_space<semaphore_mem>>)
    %dma_start3A_1335 = arith.constant 2496 : i32
    %dma_start3A_1336 = tpu.memref_slice %arg19[%dma_start3A_1335] : memref<5008xi32, #tpu.memory_space<vmem>> -> memref<2496xi32, #tpu.memory_space<vmem>>
    %dma_start3A_1337 = tpu.memref_slice %arg7[%add3A_1302] : memref<160000xi32, #tpu.memory_space<hbm>> -> memref<2496xi32, #tpu.memory_space<hbm>>
    %dma_start3A_1338 = tpu.memref_slice %arg7[%add3A_1302] : memref<160000xi32, #tpu.memory_space<hbm>> -> memref<2496xi32, #tpu.memory_space<hbm>>
    %dma_start3A_1339 = arith.constant 2496 : i32
    %dma_start3A_1340 = tpu.memref_slice %arg19[%dma_start3A_1339] : memref<5008xi32, #tpu.memory_space<vmem>> -> memref<2496xi32, #tpu.memory_space<vmem>>
    tpu.enqueue_dma source(%dma_start3A_1340 : memref<2496xi32, #tpu.memory_space<vmem>>) target(%dma_start3A_1338 : memref<2496xi32, #tpu.memory_space<hbm>>) target_semaphore(%arg29 : memref<!tpu.dma_semaphore, #tpu.memory_space<semaphore_mem>>)
    %dma_start3A_1341 = arith.constant 2496 : i32
    %dma_start3A_1342 = tpu.memref_slice %arg24[%dma_start3A_1341] : memref<5008xi32, #tpu.memory_space<vmem>> -> memref<2496xi32, #tpu.memory_space<vmem>>
    %dma_start3A_1343 = tpu.memref_slice %arg9[%add3A_1304] : memref<160000xi32, #tpu.memory_space<hbm>> -> memref<2496xi32, #tpu.memory_space<hbm>>
    %dma_start3A_1344 = tpu.memref_slice %arg9[%add3A_1304] : memref<160000xi32, #tpu.memory_space<hbm>> -> memref<2496xi32, #tpu.memory_space<hbm>>
    %dma_start3A_1345 = arith.constant 2496 : i32
    %dma_start3A_1346 = tpu.memref_slice %arg24[%dma_start3A_1345] : memref<5008xi32, #tpu.memory_space<vmem>> -> memref<2496xi32, #tpu.memory_space<vmem>>
    tpu.enqueue_dma source(%dma_start3A_1346 : memref<2496xi32, #tpu.memory_space<vmem>>) target(%dma_start3A_1344 : memref<2496xi32, #tpu.memory_space<hbm>>) target_semaphore(%arg29 : memref<!tpu.dma_semaphore, #tpu.memory_space<semaphore_mem>>)
    %convert_element_type3A_1347 = arith.extui %lt3A_32 : i1 to i32
    %cond3A_1348 = arith.constant 0 : i32
    %cond3A_1349 = arith.cmpi ne, %convert_element_type3A_1347, %cond3A_1348 : i32
    scf.if %cond3A_1349 {
      %add3A_1477 = arith.constant 4992 : i32
      %add3A_1478 = arith.addi %add3A_45, %add3A_1477 : i32
      %add3A_1479 = arith.constant 20000 : i32
      %add3A_1480 = arith.addi %add3A_45, %add3A_1479 : i32
      %add3A_1481 = arith.constant 4992 : i32
      %add3A_1482 = arith.addi %add3A_1480, %add3A_1481 : i32
      %add3A_1483 = arith.constant 40000 : i32
      %add3A_1484 = arith.addi %add3A_45, %add3A_1483 : i32
      %add3A_1485 = arith.constant 4992 : i32
      %add3A_1486 = arith.addi %add3A_1484, %add3A_1485 : i32
      %add3A_1487 = arith.constant 60000 : i32
      %add3A_1488 = arith.addi %add3A_45, %add3A_1487 : i32
      %add3A_1489 = arith.constant 4992 : i32
      %add3A_1490 = arith.addi %add3A_1488, %add3A_1489 : i32
      %add3A_1491 = arith.constant 4992 : i32
      %add3A_1492 = arith.addi %add3A_48, %add3A_1491 : i32
      %add3A_1493 = arith.constant 4992 : i32
      %add3A_1494 = arith.addi %add3A_48, %add3A_1493 : i32
      %dma_wait3A_1495 = arith.constant 4992 : i32
      %dma_wait3A_1496 = tpu.memref_slice %arg12[%dma_wait3A_1495] : memref<5008xf32, #tpu.memory_space<vmem>> -> memref<16xf32, #tpu.memory_space<vmem>>
      %dma_wait3A_1497 = tpu.memref_slice %arg2[%add3A_1478] : memref<640000xf32, #tpu.memory_space<hbm>> -> memref<16xf32, #tpu.memory_space<hbm>>
      %dma_wait3A_1498 = arith.constant 4992 : i32
      %dma_wait3A_1499 = tpu.memref_slice %arg12[%dma_wait3A_1498] : memref<5008xf32, #tpu.memory_space<vmem>> -> memref<16xf32, #tpu.memory_space<vmem>>
      %dma_wait3A_1500 = tpu.memref_slice %arg2[%add3A_1478] : memref<640000xf32, #tpu.memory_space<hbm>> -> memref<16xf32, #tpu.memory_space<hbm>>
      tpu.wait_dma2 semaphore(%arg28 : memref<!tpu.dma_semaphore, #tpu.memory_space<semaphore_mem>>) src(%dma_wait3A_1500 : memref<16xf32, #tpu.memory_space<hbm>>) dst(%dma_wait3A_1499 : memref<16xf32, #tpu.memory_space<vmem>>)
      %dma_wait3A_1501 = arith.constant 4992 : i32
      %dma_wait3A_1502 = tpu.memref_slice %arg13[%dma_wait3A_1501] : memref<5008xf32, #tpu.memory_space<vmem>> -> memref<16xf32, #tpu.memory_space<vmem>>
      %dma_wait3A_1503 = tpu.memref_slice %arg2[%add3A_1482] : memref<640000xf32, #tpu.memory_space<hbm>> -> memref<16xf32, #tpu.memory_space<hbm>>
      %dma_wait3A_1504 = arith.constant 4992 : i32
      %dma_wait3A_1505 = tpu.memref_slice %arg13[%dma_wait3A_1504] : memref<5008xf32, #tpu.memory_space<vmem>> -> memref<16xf32, #tpu.memory_space<vmem>>
      %dma_wait3A_1506 = tpu.memref_slice %arg2[%add3A_1482] : memref<640000xf32, #tpu.memory_space<hbm>> -> memref<16xf32, #tpu.memory_space<hbm>>
      tpu.wait_dma2 semaphore(%arg28 : memref<!tpu.dma_semaphore, #tpu.memory_space<semaphore_mem>>) src(%dma_wait3A_1506 : memref<16xf32, #tpu.memory_space<hbm>>) dst(%dma_wait3A_1505 : memref<16xf32, #tpu.memory_space<vmem>>)
      %dma_wait3A_1507 = arith.constant 4992 : i32
      %dma_wait3A_1508 = tpu.memref_slice %arg14[%dma_wait3A_1507] : memref<5008xf32, #tpu.memory_space<vmem>> -> memref<16xf32, #tpu.memory_space<vmem>>
      %dma_wait3A_1509 = tpu.memref_slice %arg2[%add3A_1486] : memref<640000xf32, #tpu.memory_space<hbm>> -> memref<16xf32, #tpu.memory_space<hbm>>
      %dma_wait3A_1510 = arith.constant 4992 : i32
      %dma_wait3A_1511 = tpu.memref_slice %arg14[%dma_wait3A_1510] : memref<5008xf32, #tpu.memory_space<vmem>> -> memref<16xf32, #tpu.memory_space<vmem>>
      %dma_wait3A_1512 = tpu.memref_slice %arg2[%add3A_1486] : memref<640000xf32, #tpu.memory_space<hbm>> -> memref<16xf32, #tpu.memory_space<hbm>>
      tpu.wait_dma2 semaphore(%arg28 : memref<!tpu.dma_semaphore, #tpu.memory_space<semaphore_mem>>) src(%dma_wait3A_1512 : memref<16xf32, #tpu.memory_space<hbm>>) dst(%dma_wait3A_1511 : memref<16xf32, #tpu.memory_space<vmem>>)
      %dma_wait3A_1513 = arith.constant 4992 : i32
      %dma_wait3A_1514 = tpu.memref_slice %arg15[%dma_wait3A_1513] : memref<5008xf32, #tpu.memory_space<vmem>> -> memref<16xf32, #tpu.memory_space<vmem>>
      %dma_wait3A_1515 = tpu.memref_slice %arg2[%add3A_1490] : memref<640000xf32, #tpu.memory_space<hbm>> -> memref<16xf32, #tpu.memory_space<hbm>>
      %dma_wait3A_1516 = arith.constant 4992 : i32
      %dma_wait3A_1517 = tpu.memref_slice %arg15[%dma_wait3A_1516] : memref<5008xf32, #tpu.memory_space<vmem>> -> memref<16xf32, #tpu.memory_space<vmem>>
      %dma_wait3A_1518 = tpu.memref_slice %arg2[%add3A_1490] : memref<640000xf32, #tpu.memory_space<hbm>> -> memref<16xf32, #tpu.memory_space<hbm>>
      tpu.wait_dma2 semaphore(%arg28 : memref<!tpu.dma_semaphore, #tpu.memory_space<semaphore_mem>>) src(%dma_wait3A_1518 : memref<16xf32, #tpu.memory_space<hbm>>) dst(%dma_wait3A_1517 : memref<16xf32, #tpu.memory_space<vmem>>)
      %dma_wait3A_1519 = arith.constant 4992 : i32
      %dma_wait3A_1520 = tpu.memref_slice %arg16[%dma_wait3A_1519] : memref<5008xi32, #tpu.memory_space<vmem>> -> memref<16xi32, #tpu.memory_space<vmem>>
      %dma_wait3A_1521 = tpu.memref_slice %arg4[%add3A_1492] : memref<160000xi32, #tpu.memory_space<hbm>> -> memref<16xi32, #tpu.memory_space<hbm>>
      %dma_wait3A_1522 = arith.constant 4992 : i32
      %dma_wait3A_1523 = tpu.memref_slice %arg16[%dma_wait3A_1522] : memref<5008xi32, #tpu.memory_space<vmem>> -> memref<16xi32, #tpu.memory_space<vmem>>
      %dma_wait3A_1524 = tpu.memref_slice %arg4[%add3A_1492] : memref<160000xi32, #tpu.memory_space<hbm>> -> memref<16xi32, #tpu.memory_space<hbm>>
      tpu.wait_dma2 semaphore(%arg28 : memref<!tpu.dma_semaphore, #tpu.memory_space<semaphore_mem>>) src(%dma_wait3A_1524 : memref<16xi32, #tpu.memory_space<hbm>>) dst(%dma_wait3A_1523 : memref<16xi32, #tpu.memory_space<vmem>>)
      %dma_wait3A_1525 = arith.constant 4992 : i32
      %dma_wait3A_1526 = tpu.memref_slice %arg17[%dma_wait3A_1525] : memref<5008xi32, #tpu.memory_space<vmem>> -> memref<16xi32, #tpu.memory_space<vmem>>
      %dma_wait3A_1527 = tpu.memref_slice %arg5[%add3A_1494] : memref<160000xi32, #tpu.memory_space<hbm>> -> memref<16xi32, #tpu.memory_space<hbm>>
      %dma_wait3A_1528 = arith.constant 4992 : i32
      %dma_wait3A_1529 = tpu.memref_slice %arg17[%dma_wait3A_1528] : memref<5008xi32, #tpu.memory_space<vmem>> -> memref<16xi32, #tpu.memory_space<vmem>>
      %dma_wait3A_1530 = tpu.memref_slice %arg5[%add3A_1494] : memref<160000xi32, #tpu.memory_space<hbm>> -> memref<16xi32, #tpu.memory_space<hbm>>
      tpu.wait_dma2 semaphore(%arg28 : memref<!tpu.dma_semaphore, #tpu.memory_space<semaphore_mem>>) src(%dma_wait3A_1530 : memref<16xi32, #tpu.memory_space<hbm>>) dst(%dma_wait3A_1529 : memref<16xi32, #tpu.memory_space<vmem>>)
      %mul3A_1531 = arith.constant 312 : i32
      %mul3A_1532 = arith.constant 16 : i32
      %mul3A_1533 = arith.muli %mul3A_1531, %mul3A_1532 : i32
      %get3A = arith.index_cast %mul3A_1533 : i32 to index
      %get3A_1534 = tpu.vector_load %arg17[%get3A] {strides = array<i32>} : memref<5008xi32, #tpu.memory_space<vmem>>, vector<16xi32>,
      %gather3A_1535 = tpu.vector_load_idx %arg11[%get3A_1534] : memref<560xf32, #tpu.memory_space<vmem>>[vector<16xi32>], vector<16xf32>,
      %add3A_1536 = arith.constant 112 : i32
      %add3A_1537 = vector.broadcast %add3A_1536 : i32 to vector<16xi32>
      %add3A_1538 = arith.addi %get3A_1534, %add3A_1537 : vector<16xi32>
      %gather3A_1539 = tpu.vector_load_idx %arg11[%add3A_1538] : memref<560xf32, #tpu.memory_space<vmem>>[vector<16xi32>], vector<16xf32>,
      %add3A_1540 = arith.constant 224 : i32
      %add3A_1541 = vector.broadcast %add3A_1540 : i32 to vector<16xi32>
      %add3A_1542 = arith.addi %get3A_1534, %add3A_1541 : vector<16xi32>
      %gather3A_1543 = tpu.vector_load_idx %arg11[%add3A_1542] : memref<560xf32, #tpu.memory_space<vmem>>[vector<16xi32>], vector<16xf32>,
      %add3A_1544 = arith.constant 336 : i32
      %add3A_1545 = vector.broadcast %add3A_1544 : i32 to vector<16xi32>
      %add3A_1546 = arith.addi %get3A_1534, %add3A_1545 : vector<16xi32>
      %gather3A_1547 = tpu.vector_load_idx %arg11[%add3A_1546] : memref<560xf32, #tpu.memory_space<vmem>>[vector<16xi32>], vector<16xf32>,
      %add3A_1548 = arith.constant 448 : i32
      %add3A_1549 = vector.broadcast %add3A_1548 : i32 to vector<16xi32>
      %add3A_1550 = arith.addi %get3A_1534, %add3A_1549 : vector<16xi32>
      %gather3A_1551 = tpu.vector_load_idx %arg11[%add3A_1550] : memref<560xf32, #tpu.memory_space<vmem>>[vector<16xi32>], vector<16xf32>,
      %get3A_1552 = arith.index_cast %mul3A_1533 : i32 to index
      %get3A_1553 = tpu.vector_load %arg12[%get3A_1552] {strides = array<i32>} : memref<5008xf32, #tpu.memory_space<vmem>>, vector<16xf32>,
      %get3A_1554 = arith.index_cast %mul3A_1533 : i32 to index
      %get3A_1555 = tpu.vector_load %arg13[%get3A_1554] {strides = array<i32>} : memref<5008xf32, #tpu.memory_space<vmem>>, vector<16xf32>,
      %get3A_1556 = arith.index_cast %mul3A_1533 : i32 to index
      %get3A_1557 = tpu.vector_load %arg14[%get3A_1556] {strides = array<i32>} : memref<5008xf32, #tpu.memory_space<vmem>>, vector<16xf32>,
      %get3A_1558 = arith.index_cast %mul3A_1533 : i32 to index
      %get3A_1559 = tpu.vector_load %arg15[%get3A_1558] {strides = array<i32>} : memref<5008xf32, #tpu.memory_space<vmem>>, vector<16xf32>,
      %sub3A_1560 = arith.subf %get3A_1557, %get3A_1553 : vector<16xf32>
      %max3A_1561 = arith.constant 1.000000e-03 : f32
      %max3A_1562 = vector.broadcast %max3A_1561 : f32 to vector<16xf32>
      %max3A_1563 = arith.maximumf %sub3A_1560, %max3A_1562 : vector<16xf32>
      %sub3A_1564 = arith.subf %get3A_1559, %get3A_1555 : vector<16xf32>
      %max3A_1565 = arith.constant 1.000000e-03 : f32
      %max3A_1566 = vector.broadcast %max3A_1565 : f32 to vector<16xf32>
      %max3A_1567 = arith.maximumf %sub3A_1564, %max3A_1566 : vector<16xf32>
      %add3A_1568 = arith.addf %get3A_1553, %get3A_1557 : vector<16xf32>
      %sub3A_1569 = arith.subf %gather3A_1535, %add3A_1568 : vector<16xf32>
      %mul3A_1570 = arith.constant 5.000000e-01 : f32
      %mul3A_1571 = vector.broadcast %mul3A_1570 : f32 to vector<16xf32>
      %mul3A_1572 = arith.mulf %sub3A_1569, %mul3A_1571 : vector<16xf32>
      %div3A_1573 = arith.divf %mul3A_1572, %max3A_1563 : vector<16xf32>
      %swap3A_1574 = arith.index_cast %mul3A_1533 : i32 to index
      %swap3A_1575 = tpu.vector_load %arg20[%swap3A_1574] {strides = array<i32>} : memref<5008xf32, #tpu.memory_space<vmem>>, vector<16xf32>,
      tpu.vector_store %arg20[%swap3A_1574], %div3A_1573 {strides = array<i32>} : memref<5008xf32, #tpu.memory_space<vmem>>, vector<16xf32>,
      %add3A_1576 = arith.addf %get3A_1555, %get3A_1559 : vector<16xf32>
      %sub3A_1577 = arith.subf %gather3A_1539, %add3A_1576 : vector<16xf32>
      %mul3A_1578 = arith.constant 5.000000e-01 : f32
      %mul3A_1579 = vector.broadcast %mul3A_1578 : f32 to vector<16xf32>
      %mul3A_1580 = arith.mulf %sub3A_1577, %mul3A_1579 : vector<16xf32>
      %div3A_1581 = arith.divf %mul3A_1580, %max3A_1567 : vector<16xf32>
      %swap3A_1582 = arith.index_cast %mul3A_1533 : i32 to index
      %swap3A_1583 = tpu.vector_load %arg21[%swap3A_1582] {strides = array<i32>} : memref<5008xf32, #tpu.memory_space<vmem>>, vector<16xf32>,
      tpu.vector_store %arg21[%swap3A_1582], %div3A_1581 {strides = array<i32>} : memref<5008xf32, #tpu.memory_space<vmem>>, vector<16xf32>,
      %bitcast_convert_type3A_1584 = tpu.bitcast %max3A_1563 : vector<16xf32> -> vector<16xi32>
      %shift_right_arithmetic3A_1585 = arith.constant 23 : i32
      %shift_right_arithmetic3A_1586 = vector.broadcast %shift_right_arithmetic3A_1585 : i32 to vector<16xi32>
      %shift_right_arithmetic3A_1587 = arith.shrsi %bitcast_convert_type3A_1584, %shift_right_arithmetic3A_1586 : vector<16xi32>
      %and3A_1588 = arith.constant 255 : i32
      %and3A_1589 = vector.broadcast %and3A_1588 : i32 to vector<16xi32>
      %and3A_1590 = arith.andi %shift_right_arithmetic3A_1587, %and3A_1589 : vector<16xi32>
      %sub3A_1591 = arith.constant 127 : i32
      %sub3A_1592 = vector.broadcast %sub3A_1591 : i32 to vector<16xi32>
      %sub3A_1593 = arith.subi %and3A_1590, %sub3A_1592 : vector<16xi32>
      %and3A_1594 = arith.constant 8388607 : i32
      %and3A_1595 = vector.broadcast %and3A_1594 : i32 to vector<16xi32>
      %and3A_1596 = arith.andi %bitcast_convert_type3A_1584, %and3A_1595 : vector<16xi32>
      %or3A_1597 = arith.constant 1065353216 : i32
      %or3A_1598 = vector.broadcast %or3A_1597 : i32 to vector<16xi32>
      %or3A_1599 = arith.ori %and3A_1596, %or3A_1598 : vector<16xi32>
      %bitcast_convert_type3A_1600 = tpu.bitcast %or3A_1599 : vector<16xi32> -> vector<16xf32>
      %mul3A_1601 = arith.constant 0.0439286307 : f32
      %mul3A_1602 = vector.broadcast %mul3A_1601 : f32 to vector<16xf32>
      %mul3A_1603 = arith.mulf %mul3A_1602, %bitcast_convert_type3A_1600 : vector<16xf32>
      %add3A_1604 = arith.constant -0.409475595 : f32
      %add3A_1605 = vector.broadcast %add3A_1604 : f32 to vector<16xf32>
      %add3A_1606 = arith.addf %mul3A_1603, %add3A_1605 : vector<16xf32>
      %mul3A_1607 = arith.mulf %add3A_1606, %bitcast_convert_type3A_1600 : vector<16xf32>
      %add3A_1608 = arith.constant 1.61017752 : f32
      %add3A_1609 = vector.broadcast %add3A_1608 : f32 to vector<16xf32>
      %add3A_1610 = arith.addf %mul3A_1607, %add3A_1609 : vector<16xf32>
      %mul3A_1611 = arith.mulf %add3A_1610, %bitcast_convert_type3A_1600 : vector<16xf32>
      %add3A_1612 = arith.constant -3.52021885 : f32
      %add3A_1613 = vector.broadcast %add3A_1612 : f32 to vector<16xf32>
      %add3A_1614 = arith.addf %mul3A_1611, %add3A_1613 : vector<16xf32>
      %mul3A_1615 = arith.mulf %add3A_1614, %bitcast_convert_type3A_1600 : vector<16xf32>
      %add3A_1616 = arith.constant 5.06975651 : f32
      %add3A_1617 = vector.broadcast %add3A_1616 : f32 to vector<16xf32>
      %add3A_1618 = arith.addf %mul3A_1615, %add3A_1617 : vector<16xf32>
      %mul3A_1619 = arith.mulf %add3A_1618, %bitcast_convert_type3A_1600 : vector<16xf32>
      %add3A_1620 = arith.constant -2.79415369 : f32
      %add3A_1621 = vector.broadcast %add3A_1620 : f32 to vector<16xf32>
      %add3A_1622 = arith.addf %mul3A_1619, %add3A_1621 : vector<16xf32>
      %convert_element_type3A_1623 = arith.sitofp %sub3A_1593 : vector<16xi32> to vector<16xf32>
      %add3A_1624 = arith.addf %convert_element_type3A_1623, %add3A_1622 : vector<16xf32>
      %mul3A_1625 = arith.constant 0.693147182 : f32
      %mul3A_1626 = vector.broadcast %mul3A_1625 : f32 to vector<16xf32>
      %mul3A_1627 = arith.mulf %add3A_1624, %mul3A_1626 : vector<16xf32>
      %sub3A_1628 = arith.subf %gather3A_1543, %mul3A_1627 : vector<16xf32>
      %swap3A_1629 = arith.index_cast %mul3A_1533 : i32 to index
      %swap3A_1630 = tpu.vector_load %arg22[%swap3A_1629] {strides = array<i32>} : memref<5008xf32, #tpu.memory_space<vmem>>, vector<16xf32>,
      tpu.vector_store %arg22[%swap3A_1629], %sub3A_1628 {strides = array<i32>} : memref<5008xf32, #tpu.memory_space<vmem>>, vector<16xf32>,
      %bitcast_convert_type3A_1631 = tpu.bitcast %max3A_1567 : vector<16xf32> -> vector<16xi32>
      %shift_right_arithmetic3A_1632 = arith.constant 23 : i32
      %shift_right_arithmetic3A_1633 = vector.broadcast %shift_right_arithmetic3A_1632 : i32 to vector<16xi32>
      %shift_right_arithmetic3A_1634 = arith.shrsi %bitcast_convert_type3A_1631, %shift_right_arithmetic3A_1633 : vector<16xi32>
      %and3A_1635 = arith.constant 255 : i32
      %and3A_1636 = vector.broadcast %and3A_1635 : i32 to vector<16xi32>
      %and3A_1637 = arith.andi %shift_right_arithmetic3A_1634, %and3A_1636 : vector<16xi32>
      %sub3A_1638 = arith.constant 127 : i32
      %sub3A_1639 = vector.broadcast %sub3A_1638 : i32 to vector<16xi32>
      %sub3A_1640 = arith.subi %and3A_1637, %sub3A_1639 : vector<16xi32>
      %and3A_1641 = arith.constant 8388607 : i32
      %and3A_1642 = vector.broadcast %and3A_1641 : i32 to vector<16xi32>
      %and3A_1643 = arith.andi %bitcast_convert_type3A_1631, %and3A_1642 : vector<16xi32>
      %or3A_1644 = arith.constant 1065353216 : i32
      %or3A_1645 = vector.broadcast %or3A_1644 : i32 to vector<16xi32>
      %or3A_1646 = arith.ori %and3A_1643, %or3A_1645 : vector<16xi32>
      %bitcast_convert_type3A_1647 = tpu.bitcast %or3A_1646 : vector<16xi32> -> vector<16xf32>
      %mul3A_1648 = arith.constant 0.0439286307 : f32
      %mul3A_1649 = vector.broadcast %mul3A_1648 : f32 to vector<16xf32>
      %mul3A_1650 = arith.mulf %mul3A_1649, %bitcast_convert_type3A_1647 : vector<16xf32>
      %add3A_1651 = arith.constant -0.409475595 : f32
      %add3A_1652 = vector.broadcast %add3A_1651 : f32 to vector<16xf32>
      %add3A_1653 = arith.addf %mul3A_1650, %add3A_1652 : vector<16xf32>
      %mul3A_1654 = arith.mulf %add3A_1653, %bitcast_convert_type3A_1647 : vector<16xf32>
      %add3A_1655 = arith.constant 1.61017752 : f32
      %add3A_1656 = vector.broadcast %add3A_1655 : f32 to vector<16xf32>
      %add3A_1657 = arith.addf %mul3A_1654, %add3A_1656 : vector<16xf32>
      %mul3A_1658 = arith.mulf %add3A_1657, %bitcast_convert_type3A_1647 : vector<16xf32>
      %add3A_1659 = arith.constant -3.52021885 : f32
      %add3A_1660 = vector.broadcast %add3A_1659 : f32 to vector<16xf32>
      %add3A_1661 = arith.addf %mul3A_1658, %add3A_1660 : vector<16xf32>
      %mul3A_1662 = arith.mulf %add3A_1661, %bitcast_convert_type3A_1647 : vector<16xf32>
      %add3A_1663 = arith.constant 5.06975651 : f32
      %add3A_1664 = vector.broadcast %add3A_1663 : f32 to vector<16xf32>
      %add3A_1665 = arith.addf %mul3A_1662, %add3A_1664 : vector<16xf32>
      %mul3A_1666 = arith.mulf %add3A_1665, %bitcast_convert_type3A_1647 : vector<16xf32>
      %add3A_1667 = arith.constant -2.79415369 : f32
      %add3A_1668 = vector.broadcast %add3A_1667 : f32 to vector<16xf32>
      %add3A_1669 = arith.addf %mul3A_1666, %add3A_1668 : vector<16xf32>
      %convert_element_type3A_1670 = arith.sitofp %sub3A_1640 : vector<16xi32> to vector<16xf32>
      %add3A_1671 = arith.addf %convert_element_type3A_1670, %add3A_1669 : vector<16xf32>
      %mul3A_1672 = arith.constant 0.693147182 : f32
      %mul3A_1673 = vector.broadcast %mul3A_1672 : f32 to vector<16xf32>
      %mul3A_1674 = arith.mulf %add3A_1671, %mul3A_1673 : vector<16xf32>
      %sub3A_1675 = arith.subf %gather3A_1547, %mul3A_1674 : vector<16xf32>
      %swap3A_1676 = arith.index_cast %mul3A_1533 : i32 to index
      %swap3A_1677 = tpu.vector_load %arg23[%swap3A_1676] {strides = array<i32>} : memref<5008xf32, #tpu.memory_space<vmem>>, vector<16xf32>,
      tpu.vector_store %arg23[%swap3A_1676], %sub3A_1675 {strides = array<i32>} : memref<5008xf32, #tpu.memory_space<vmem>>, vector<16xf32>,
      %get3A_1678 = arith.index_cast %mul3A_1533 : i32 to index
      %get3A_1679 = tpu.vector_load %arg16[%get3A_1678] {strides = array<i32>} : memref<5008xi32, #tpu.memory_space<vmem>>, vector<16xi32>,
      %eq3A_1680 = arith.constant 0 : i32
      %eq3A_1681 = vector.broadcast %eq3A_1680 : i32 to vector<16xi32>
      %eq3A_1682 = arith.cmpi eq, %get3A_1679, %eq3A_1681 : vector<16xi32>
      %jit3A_1683 = arith.constant 0.000000e+00 : f32
      %broadcast_in_dim3A = vector.broadcast %jit3A_1683 : f32 to vector<16xf32>
      %select_n3A_1684 = arith.select %eq3A_1682, %broadcast_in_dim3A, %gather3A_1551 : vector<16xi1>, vector<16xf32>
      %gt3A = arith.constant 0 : i32
      %gt3A_1685 = vector.broadcast %gt3A : i32 to vector<16xi32>
      %gt3A_1686 = arith.cmpi sgt, %get3A_1679, %gt3A_1685 : vector<16xi32>
      %gt3A_1687 = arith.constant 0.000000e+00 : f32
      %gt3A_1688 = vector.broadcast %gt3A_1687 : f32 to vector<16xf32>
      %gt3A_1689 = arith.cmpf ogt, %select_n3A_1684, %gt3A_1688 : vector<16xf32>
      %and3A_1690 = arith.andi %gt3A_1686, %gt3A_1689 : vector<16xi1>
      %jit3A_1691 = arith.constant 1 : i32
      %jit3A_1692 = arith.constant 0 : i32
      %broadcast_in_dim3A_1693 = vector.broadcast %jit3A_1691 : i32 to vector<16xi32>
      %broadcast_in_dim3A_1694 = vector.broadcast %jit3A_1692 : i32 to vector<16xi32>
      %select_n3A_1695 = arith.select %and3A_1690, %broadcast_in_dim3A_1693, %broadcast_in_dim3A_1694 : vector<16xi1>, vector<16xi32>
      %swap3A_1696 = arith.index_cast %mul3A_1533 : i32 to index
      %swap3A_1697 = tpu.vector_load %arg24[%swap3A_1696] {strides = array<i32>} : memref<5008xi32, #tpu.memory_space<vmem>>, vector<16xi32>,
      tpu.vector_store %arg24[%swap3A_1696], %select_n3A_1695 {strides = array<i32>} : memref<5008xi32, #tpu.memory_space<vmem>>, vector<16xi32>,
      %lt3A_1698 = arith.constant 0 : i32
      %lt3A_1699 = vector.broadcast %lt3A_1698 : i32 to vector<16xi32>
      %lt3A_1700 = arith.cmpi slt, %get3A_1679, %lt3A_1699 : vector<16xi32>
      %abs3A = math.absf %select_n3A_1684 : vector<16xf32>
      %neg3A = arith.constant 0.000000e+00 : f32
      %neg3A_1701 = vector.broadcast %neg3A : f32 to vector<16xf32>
      %neg3A_1702 = arith.subf %neg3A_1701, %abs3A : vector<16xf32>
      %select_n3A_1703 = arith.select %lt3A_1700, %neg3A_1702, %select_n3A_1684 : vector<16xi1>, vector<16xf32>
      %swap3A_1704 = arith.index_cast %mul3A_1533 : i32 to index
      %swap3A_1705 = tpu.vector_load %arg18[%swap3A_1704] {strides = array<i32>} : memref<5008xf32, #tpu.memory_space<vmem>>, vector<16xf32>,
      tpu.vector_store %arg18[%swap3A_1704], %select_n3A_1703 {strides = array<i32>} : memref<5008xf32, #tpu.memory_space<vmem>>, vector<16xf32>,
      %ge3A = arith.constant 0.000000e+00 : f32
      %ge3A_1706 = vector.broadcast %ge3A : f32 to vector<16xf32>
      %ge3A_1707 = arith.cmpf oge, %select_n3A_1703, %ge3A_1706 : vector<16xf32>
      %jit3A_1708 = arith.constant 1 : i32
      %jit3A_1709 = arith.constant 0 : i32
      %broadcast_in_dim3A_1710 = vector.broadcast %jit3A_1708 : i32 to vector<16xi32>
      %broadcast_in_dim3A_1711 = vector.broadcast %jit3A_1709 : i32 to vector<16xi32>
      %select_n3A_1712 = arith.select %ge3A_1707, %broadcast_in_dim3A_1710, %broadcast_in_dim3A_1711 : vector<16xi1>, vector<16xi32>
      %swap3A_1713 = arith.index_cast %mul3A_1533 : i32 to index
      %swap3A_1714 = tpu.vector_load %arg19[%swap3A_1713] {strides = array<i32>} : memref<5008xi32, #tpu.memory_space<vmem>>, vector<16xi32>,
      tpu.vector_store %arg19[%swap3A_1713], %select_n3A_1712 {strides = array<i32>} : memref<5008xi32, #tpu.memory_space<vmem>>, vector<16xi32>,
      %add3A_1715 = arith.constant 4992 : i32
      %add3A_1716 = arith.addi %add3A_45, %add3A_1715 : i32
      %add3A_1717 = arith.constant 20000 : i32
      %add3A_1718 = arith.addi %add3A_45, %add3A_1717 : i32
      %add3A_1719 = arith.constant 4992 : i32
      %add3A_1720 = arith.addi %add3A_1718, %add3A_1719 : i32
      %add3A_1721 = arith.constant 40000 : i32
      %add3A_1722 = arith.addi %add3A_45, %add3A_1721 : i32
      %add3A_1723 = arith.constant 4992 : i32
      %add3A_1724 = arith.addi %add3A_1722, %add3A_1723 : i32
      %add3A_1725 = arith.constant 60000 : i32
      %add3A_1726 = arith.addi %add3A_45, %add3A_1725 : i32
      %add3A_1727 = arith.constant 4992 : i32
      %add3A_1728 = arith.addi %add3A_1726, %add3A_1727 : i32
      %add3A_1729 = arith.constant 4992 : i32
      %add3A_1730 = arith.addi %add3A_48, %add3A_1729 : i32
      %add3A_1731 = arith.constant 4992 : i32
      %add3A_1732 = arith.addi %add3A_48, %add3A_1731 : i32
      %add3A_1733 = arith.constant 4992 : i32
      %add3A_1734 = arith.addi %add3A_48, %add3A_1733 : i32
      %dma_start3A_1735 = arith.constant 4992 : i32
      %dma_start3A_1736 = tpu.memref_slice %arg20[%dma_start3A_1735] : memref<5008xf32, #tpu.memory_space<vmem>> -> memref<16xf32, #tpu.memory_space<vmem>>
      %dma_start3A_1737 = tpu.memref_slice %arg8[%add3A_1716] : memref<640000xf32, #tpu.memory_space<hbm>> -> memref<16xf32, #tpu.memory_space<hbm>>
      %dma_start3A_1738 = tpu.memref_slice %arg8[%add3A_1716] : memref<640000xf32, #tpu.memory_space<hbm>> -> memref<16xf32, #tpu.memory_space<hbm>>
      %dma_start3A_1739 = arith.constant 4992 : i32
      %dma_start3A_1740 = tpu.memref_slice %arg20[%dma_start3A_1739] : memref<5008xf32, #tpu.memory_space<vmem>> -> memref<16xf32, #tpu.memory_space<vmem>>
      tpu.enqueue_dma source(%dma_start3A_1740 : memref<16xf32, #tpu.memory_space<vmem>>) target(%dma_start3A_1738 : memref<16xf32, #tpu.memory_space<hbm>>) target_semaphore(%arg29 : memref<!tpu.dma_semaphore, #tpu.memory_space<semaphore_mem>>)
      %dma_start3A_1741 = arith.constant 4992 : i32
      %dma_start3A_1742 = tpu.memref_slice %arg21[%dma_start3A_1741] : memref<5008xf32, #tpu.memory_space<vmem>> -> memref<16xf32, #tpu.memory_space<vmem>>
      %dma_start3A_1743 = tpu.memref_slice %arg8[%add3A_1720] : memref<640000xf32, #tpu.memory_space<hbm>> -> memref<16xf32, #tpu.memory_space<hbm>>
      %dma_start3A_1744 = tpu.memref_slice %arg8[%add3A_1720] : memref<640000xf32, #tpu.memory_space<hbm>> -> memref<16xf32, #tpu.memory_space<hbm>>
      %dma_start3A_1745 = arith.constant 4992 : i32
      %dma_start3A_1746 = tpu.memref_slice %arg21[%dma_start3A_1745] : memref<5008xf32, #tpu.memory_space<vmem>> -> memref<16xf32, #tpu.memory_space<vmem>>
      tpu.enqueue_dma source(%dma_start3A_1746 : memref<16xf32, #tpu.memory_space<vmem>>) target(%dma_start3A_1744 : memref<16xf32, #tpu.memory_space<hbm>>) target_semaphore(%arg29 : memref<!tpu.dma_semaphore, #tpu.memory_space<semaphore_mem>>)
      %dma_start3A_1747 = arith.constant 4992 : i32
      %dma_start3A_1748 = tpu.memref_slice %arg22[%dma_start3A_1747] : memref<5008xf32, #tpu.memory_space<vmem>> -> memref<16xf32, #tpu.memory_space<vmem>>
      %dma_start3A_1749 = tpu.memref_slice %arg8[%add3A_1724] : memref<640000xf32, #tpu.memory_space<hbm>> -> memref<16xf32, #tpu.memory_space<hbm>>
      %dma_start3A_1750 = tpu.memref_slice %arg8[%add3A_1724] : memref<640000xf32, #tpu.memory_space<hbm>> -> memref<16xf32, #tpu.memory_space<hbm>>
      %dma_start3A_1751 = arith.constant 4992 : i32
      %dma_start3A_1752 = tpu.memref_slice %arg22[%dma_start3A_1751] : memref<5008xf32, #tpu.memory_space<vmem>> -> memref<16xf32, #tpu.memory_space<vmem>>
      tpu.enqueue_dma source(%dma_start3A_1752 : memref<16xf32, #tpu.memory_space<vmem>>) target(%dma_start3A_1750 : memref<16xf32, #tpu.memory_space<hbm>>) target_semaphore(%arg29 : memref<!tpu.dma_semaphore, #tpu.memory_space<semaphore_mem>>)
      %dma_start3A_1753 = arith.constant 4992 : i32
      %dma_start3A_1754 = tpu.memref_slice %arg23[%dma_start3A_1753] : memref<5008xf32, #tpu.memory_space<vmem>> -> memref<16xf32, #tpu.memory_space<vmem>>
      %dma_start3A_1755 = tpu.memref_slice %arg8[%add3A_1728] : memref<640000xf32, #tpu.memory_space<hbm>> -> memref<16xf32, #tpu.memory_space<hbm>>
      %dma_start3A_1756 = tpu.memref_slice %arg8[%add3A_1728] : memref<640000xf32, #tpu.memory_space<hbm>> -> memref<16xf32, #tpu.memory_space<hbm>>
      %dma_start3A_1757 = arith.constant 4992 : i32
      %dma_start3A_1758 = tpu.memref_slice %arg23[%dma_start3A_1757] : memref<5008xf32, #tpu.memory_space<vmem>> -> memref<16xf32, #tpu.memory_space<vmem>>
      tpu.enqueue_dma source(%dma_start3A_1758 : memref<16xf32, #tpu.memory_space<vmem>>) target(%dma_start3A_1756 : memref<16xf32, #tpu.memory_space<hbm>>) target_semaphore(%arg29 : memref<!tpu.dma_semaphore, #tpu.memory_space<semaphore_mem>>)
      %dma_start3A_1759 = arith.constant 4992 : i32
      %dma_start3A_1760 = tpu.memref_slice %arg18[%dma_start3A_1759] : memref<5008xf32, #tpu.memory_space<vmem>> -> memref<16xf32, #tpu.memory_space<vmem>>
      %dma_start3A_1761 = tpu.memref_slice %arg6[%add3A_1730] : memref<160000xf32, #tpu.memory_space<hbm>> -> memref<16xf32, #tpu.memory_space<hbm>>
      %dma_start3A_1762 = tpu.memref_slice %arg6[%add3A_1730] : memref<160000xf32, #tpu.memory_space<hbm>> -> memref<16xf32, #tpu.memory_space<hbm>>
      %dma_start3A_1763 = arith.constant 4992 : i32
      %dma_start3A_1764 = tpu.memref_slice %arg18[%dma_start3A_1763] : memref<5008xf32, #tpu.memory_space<vmem>> -> memref<16xf32, #tpu.memory_space<vmem>>
      tpu.enqueue_dma source(%dma_start3A_1764 : memref<16xf32, #tpu.memory_space<vmem>>) target(%dma_start3A_1762 : memref<16xf32, #tpu.memory_space<hbm>>) target_semaphore(%arg29 : memref<!tpu.dma_semaphore, #tpu.memory_space<semaphore_mem>>)
      %dma_start3A_1765 = arith.constant 4992 : i32
      %dma_start3A_1766 = tpu.memref_slice %arg19[%dma_start3A_1765] : memref<5008xi32, #tpu.memory_space<vmem>> -> memref<16xi32, #tpu.memory_space<vmem>>
      %dma_start3A_1767 = tpu.memref_slice %arg7[%add3A_1732] : memref<160000xi32, #tpu.memory_space<hbm>> -> memref<16xi32, #tpu.memory_space<hbm>>
      %dma_start3A_1768 = tpu.memref_slice %arg7[%add3A_1732] : memref<160000xi32, #tpu.memory_space<hbm>> -> memref<16xi32, #tpu.memory_space<hbm>>
      %dma_start3A_1769 = arith.constant 4992 : i32
      %dma_start3A_1770 = tpu.memref_slice %arg19[%dma_start3A_1769] : memref<5008xi32, #tpu.memory_space<vmem>> -> memref<16xi32, #tpu.memory_space<vmem>>
      tpu.enqueue_dma source(%dma_start3A_1770 : memref<16xi32, #tpu.memory_space<vmem>>) target(%dma_start3A_1768 : memref<16xi32, #tpu.memory_space<hbm>>) target_semaphore(%arg29 : memref<!tpu.dma_semaphore, #tpu.memory_space<semaphore_mem>>)
      %dma_start3A_1771 = arith.constant 4992 : i32
      %dma_start3A_1772 = tpu.memref_slice %arg24[%dma_start3A_1771] : memref<5008xi32, #tpu.memory_space<vmem>> -> memref<16xi32, #tpu.memory_space<vmem>>
      %dma_start3A_1773 = tpu.memref_slice %arg9[%add3A_1734] : memref<160000xi32, #tpu.memory_space<hbm>> -> memref<16xi32, #tpu.memory_space<hbm>>
      %dma_start3A_1774 = tpu.memref_slice %arg9[%add3A_1734] : memref<160000xi32, #tpu.memory_space<hbm>> -> memref<16xi32, #tpu.memory_space<hbm>>
      %dma_start3A_1775 = arith.constant 4992 : i32
      %dma_start3A_1776 = tpu.memref_slice %arg24[%dma_start3A_1775] : memref<5008xi32, #tpu.memory_space<vmem>> -> memref<16xi32, #tpu.memory_space<vmem>>
      tpu.enqueue_dma source(%dma_start3A_1776 : memref<16xi32, #tpu.memory_space<vmem>>) target(%dma_start3A_1774 : memref<16xi32, #tpu.memory_space<hbm>>) target_semaphore(%arg29 : memref<!tpu.dma_semaphore, #tpu.memory_space<semaphore_mem>>)
    } else {
    }
    %add3A_1350 = arith.constant 0 : i32
    %add3A_1351 = arith.addi %add3A_45, %add3A_1350 : i32
    %add3A_1352 = arith.constant 20000 : i32
    %add3A_1353 = arith.addi %add3A_45, %add3A_1352 : i32
    %add3A_1354 = arith.constant 0 : i32
    %add3A_1355 = arith.addi %add3A_1353, %add3A_1354 : i32
    %add3A_1356 = arith.constant 40000 : i32
    %add3A_1357 = arith.addi %add3A_45, %add3A_1356 : i32
    %add3A_1358 = arith.constant 0 : i32
    %add3A_1359 = arith.addi %add3A_1357, %add3A_1358 : i32
    %add3A_1360 = arith.constant 60000 : i32
    %add3A_1361 = arith.addi %add3A_45, %add3A_1360 : i32
    %add3A_1362 = arith.constant 0 : i32
    %add3A_1363 = arith.addi %add3A_1361, %add3A_1362 : i32
    %add3A_1364 = arith.constant 0 : i32
    %add3A_1365 = arith.addi %add3A_48, %add3A_1364 : i32
    %add3A_1366 = arith.constant 0 : i32
    %add3A_1367 = arith.addi %add3A_48, %add3A_1366 : i32
    %add3A_1368 = arith.constant 0 : i32
    %add3A_1369 = arith.addi %add3A_48, %add3A_1368 : i32
    %dma_wait3A_1370 = arith.constant 0 : i32
    %dma_wait3A_1371 = tpu.memref_slice %arg20[%dma_wait3A_1370] : memref<5008xf32, #tpu.memory_space<vmem>> -> memref<2496xf32, #tpu.memory_space<vmem>>
    %dma_wait3A_1372 = tpu.memref_slice %arg8[%add3A_1351] : memref<640000xf32, #tpu.memory_space<hbm>> -> memref<2496xf32, #tpu.memory_space<hbm>>
    %dma_wait3A_1373 = tpu.memref_slice %arg8[%add3A_1351] : memref<640000xf32, #tpu.memory_space<hbm>> -> memref<2496xf32, #tpu.memory_space<hbm>>
    %dma_wait3A_1374 = arith.constant 0 : i32
    %dma_wait3A_1375 = tpu.memref_slice %arg20[%dma_wait3A_1374] : memref<5008xf32, #tpu.memory_space<vmem>> -> memref<2496xf32, #tpu.memory_space<vmem>>
    tpu.wait_dma2 semaphore(%arg29 : memref<!tpu.dma_semaphore, #tpu.memory_space<semaphore_mem>>) src(%dma_wait3A_1375 : memref<2496xf32, #tpu.memory_space<vmem>>) dst(%dma_wait3A_1373 : memref<2496xf32, #tpu.memory_space<hbm>>)
    %dma_wait3A_1376 = arith.constant 0 : i32
    %dma_wait3A_1377 = tpu.memref_slice %arg21[%dma_wait3A_1376] : memref<5008xf32, #tpu.memory_space<vmem>> -> memref<2496xf32, #tpu.memory_space<vmem>>
    %dma_wait3A_1378 = tpu.memref_slice %arg8[%add3A_1355] : memref<640000xf32, #tpu.memory_space<hbm>> -> memref<2496xf32, #tpu.memory_space<hbm>>
    %dma_wait3A_1379 = tpu.memref_slice %arg8[%add3A_1355] : memref<640000xf32, #tpu.memory_space<hbm>> -> memref<2496xf32, #tpu.memory_space<hbm>>
    %dma_wait3A_1380 = arith.constant 0 : i32
    %dma_wait3A_1381 = tpu.memref_slice %arg21[%dma_wait3A_1380] : memref<5008xf32, #tpu.memory_space<vmem>> -> memref<2496xf32, #tpu.memory_space<vmem>>
    tpu.wait_dma2 semaphore(%arg29 : memref<!tpu.dma_semaphore, #tpu.memory_space<semaphore_mem>>) src(%dma_wait3A_1381 : memref<2496xf32, #tpu.memory_space<vmem>>) dst(%dma_wait3A_1379 : memref<2496xf32, #tpu.memory_space<hbm>>)
    %dma_wait3A_1382 = arith.constant 0 : i32
    %dma_wait3A_1383 = tpu.memref_slice %arg22[%dma_wait3A_1382] : memref<5008xf32, #tpu.memory_space<vmem>> -> memref<2496xf32, #tpu.memory_space<vmem>>
    %dma_wait3A_1384 = tpu.memref_slice %arg8[%add3A_1359] : memref<640000xf32, #tpu.memory_space<hbm>> -> memref<2496xf32, #tpu.memory_space<hbm>>
    %dma_wait3A_1385 = tpu.memref_slice %arg8[%add3A_1359] : memref<640000xf32, #tpu.memory_space<hbm>> -> memref<2496xf32, #tpu.memory_space<hbm>>
    %dma_wait3A_1386 = arith.constant 0 : i32
    %dma_wait3A_1387 = tpu.memref_slice %arg22[%dma_wait3A_1386] : memref<5008xf32, #tpu.memory_space<vmem>> -> memref<2496xf32, #tpu.memory_space<vmem>>
    tpu.wait_dma2 semaphore(%arg29 : memref<!tpu.dma_semaphore, #tpu.memory_space<semaphore_mem>>) src(%dma_wait3A_1387 : memref<2496xf32, #tpu.memory_space<vmem>>) dst(%dma_wait3A_1385 : memref<2496xf32, #tpu.memory_space<hbm>>)
    %dma_wait3A_1388 = arith.constant 0 : i32
    %dma_wait3A_1389 = tpu.memref_slice %arg23[%dma_wait3A_1388] : memref<5008xf32, #tpu.memory_space<vmem>> -> memref<2496xf32, #tpu.memory_space<vmem>>
    %dma_wait3A_1390 = tpu.memref_slice %arg8[%add3A_1363] : memref<640000xf32, #tpu.memory_space<hbm>> -> memref<2496xf32, #tpu.memory_space<hbm>>
    %dma_wait3A_1391 = tpu.memref_slice %arg8[%add3A_1363] : memref<640000xf32, #tpu.memory_space<hbm>> -> memref<2496xf32, #tpu.memory_space<hbm>>
    %dma_wait3A_1392 = arith.constant 0 : i32
    %dma_wait3A_1393 = tpu.memref_slice %arg23[%dma_wait3A_1392] : memref<5008xf32, #tpu.memory_space<vmem>> -> memref<2496xf32, #tpu.memory_space<vmem>>
    tpu.wait_dma2 semaphore(%arg29 : memref<!tpu.dma_semaphore, #tpu.memory_space<semaphore_mem>>) src(%dma_wait3A_1393 : memref<2496xf32, #tpu.memory_space<vmem>>) dst(%dma_wait3A_1391 : memref<2496xf32, #tpu.memory_space<hbm>>)
    %dma_wait3A_1394 = arith.constant 0 : i32
    %dma_wait3A_1395 = tpu.memref_slice %arg18[%dma_wait3A_1394] : memref<5008xf32, #tpu.memory_space<vmem>> -> memref<2496xf32, #tpu.memory_space<vmem>>
    %dma_wait3A_1396 = tpu.memref_slice %arg6[%add3A_1365] : memref<160000xf32, #tpu.memory_space<hbm>> -> memref<2496xf32, #tpu.memory_space<hbm>>
    %dma_wait3A_1397 = tpu.memref_slice %arg6[%add3A_1365] : memref<160000xf32, #tpu.memory_space<hbm>> -> memref<2496xf32, #tpu.memory_space<hbm>>
    %dma_wait3A_1398 = arith.constant 0 : i32
    %dma_wait3A_1399 = tpu.memref_slice %arg18[%dma_wait3A_1398] : memref<5008xf32, #tpu.memory_space<vmem>> -> memref<2496xf32, #tpu.memory_space<vmem>>
    tpu.wait_dma2 semaphore(%arg29 : memref<!tpu.dma_semaphore, #tpu.memory_space<semaphore_mem>>) src(%dma_wait3A_1399 : memref<2496xf32, #tpu.memory_space<vmem>>) dst(%dma_wait3A_1397 : memref<2496xf32, #tpu.memory_space<hbm>>)
    %dma_wait3A_1400 = arith.constant 0 : i32
    %dma_wait3A_1401 = tpu.memref_slice %arg19[%dma_wait3A_1400] : memref<5008xi32, #tpu.memory_space<vmem>> -> memref<2496xi32, #tpu.memory_space<vmem>>
    %dma_wait3A_1402 = tpu.memref_slice %arg7[%add3A_1367] : memref<160000xi32, #tpu.memory_space<hbm>> -> memref<2496xi32, #tpu.memory_space<hbm>>
    %dma_wait3A_1403 = tpu.memref_slice %arg7[%add3A_1367] : memref<160000xi32, #tpu.memory_space<hbm>> -> memref<2496xi32, #tpu.memory_space<hbm>>
    %dma_wait3A_1404 = arith.constant 0 : i32
    %dma_wait3A_1405 = tpu.memref_slice %arg19[%dma_wait3A_1404] : memref<5008xi32, #tpu.memory_space<vmem>> -> memref<2496xi32, #tpu.memory_space<vmem>>
    tpu.wait_dma2 semaphore(%arg29 : memref<!tpu.dma_semaphore, #tpu.memory_space<semaphore_mem>>) src(%dma_wait3A_1405 : memref<2496xi32, #tpu.memory_space<vmem>>) dst(%dma_wait3A_1403 : memref<2496xi32, #tpu.memory_space<hbm>>)
    %dma_wait3A_1406 = arith.constant 0 : i32
    %dma_wait3A_1407 = tpu.memref_slice %arg24[%dma_wait3A_1406] : memref<5008xi32, #tpu.memory_space<vmem>> -> memref<2496xi32, #tpu.memory_space<vmem>>
    %dma_wait3A_1408 = tpu.memref_slice %arg9[%add3A_1369] : memref<160000xi32, #tpu.memory_space<hbm>> -> memref<2496xi32, #tpu.memory_space<hbm>>
    %dma_wait3A_1409 = tpu.memref_slice %arg9[%add3A_1369] : memref<160000xi32, #tpu.memory_space<hbm>> -> memref<2496xi32, #tpu.memory_space<hbm>>
    %dma_wait3A_1410 = arith.constant 0 : i32
    %dma_wait3A_1411 = tpu.memref_slice %arg24[%dma_wait3A_1410] : memref<5008xi32, #tpu.memory_space<vmem>> -> memref<2496xi32, #tpu.memory_space<vmem>>
    tpu.wait_dma2 semaphore(%arg29 : memref<!tpu.dma_semaphore, #tpu.memory_space<semaphore_mem>>) src(%dma_wait3A_1411 : memref<2496xi32, #tpu.memory_space<vmem>>) dst(%dma_wait3A_1409 : memref<2496xi32, #tpu.memory_space<hbm>>)
    %add3A_1412 = arith.constant 2496 : i32
    %add3A_1413 = arith.addi %add3A_45, %add3A_1412 : i32
    %add3A_1414 = arith.constant 20000 : i32
    %add3A_1415 = arith.addi %add3A_45, %add3A_1414 : i32
    %add3A_1416 = arith.constant 2496 : i32
    %add3A_1417 = arith.addi %add3A_1415, %add3A_1416 : i32
    %add3A_1418 = arith.constant 40000 : i32
    %add3A_1419 = arith.addi %add3A_45, %add3A_1418 : i32
    %add3A_1420 = arith.constant 2496 : i32
    %add3A_1421 = arith.addi %add3A_1419, %add3A_1420 : i32
    %add3A_1422 = arith.constant 60000 : i32
    %add3A_1423 = arith.addi %add3A_45, %add3A_1422 : i32
    %add3A_1424 = arith.constant 2496 : i32
    %add3A_1425 = arith.addi %add3A_1423, %add3A_1424 : i32
    %add3A_1426 = arith.constant 2496 : i32
    %add3A_1427 = arith.addi %add3A_48, %add3A_1426 : i32
    %add3A_1428 = arith.constant 2496 : i32
    %add3A_1429 = arith.addi %add3A_48, %add3A_1428 : i32
    %add3A_1430 = arith.constant 2496 : i32
    %add3A_1431 = arith.addi %add3A_48, %add3A_1430 : i32
    %dma_wait3A_1432 = arith.constant 2496 : i32
    %dma_wait3A_1433 = tpu.memref_slice %arg20[%dma_wait3A_1432] : memref<5008xf32, #tpu.memory_space<vmem>> -> memref<2496xf32, #tpu.memory_space<vmem>>
    %dma_wait3A_1434 = tpu.memref_slice %arg8[%add3A_1413] : memref<640000xf32, #tpu.memory_space<hbm>> -> memref<2496xf32, #tpu.memory_space<hbm>>
    %dma_wait3A_1435 = tpu.memref_slice %arg8[%add3A_1413] : memref<640000xf32, #tpu.memory_space<hbm>> -> memref<2496xf32, #tpu.memory_space<hbm>>
    %dma_wait3A_1436 = arith.constant 2496 : i32
    %dma_wait3A_1437 = tpu.memref_slice %arg20[%dma_wait3A_1436] : memref<5008xf32, #tpu.memory_space<vmem>> -> memref<2496xf32, #tpu.memory_space<vmem>>
    tpu.wait_dma2 semaphore(%arg29 : memref<!tpu.dma_semaphore, #tpu.memory_space<semaphore_mem>>) src(%dma_wait3A_1437 : memref<2496xf32, #tpu.memory_space<vmem>>) dst(%dma_wait3A_1435 : memref<2496xf32, #tpu.memory_space<hbm>>)
    %dma_wait3A_1438 = arith.constant 2496 : i32
    %dma_wait3A_1439 = tpu.memref_slice %arg21[%dma_wait3A_1438] : memref<5008xf32, #tpu.memory_space<vmem>> -> memref<2496xf32, #tpu.memory_space<vmem>>
    %dma_wait3A_1440 = tpu.memref_slice %arg8[%add3A_1417] : memref<640000xf32, #tpu.memory_space<hbm>> -> memref<2496xf32, #tpu.memory_space<hbm>>
    %dma_wait3A_1441 = tpu.memref_slice %arg8[%add3A_1417] : memref<640000xf32, #tpu.memory_space<hbm>> -> memref<2496xf32, #tpu.memory_space<hbm>>
    %dma_wait3A_1442 = arith.constant 2496 : i32
    %dma_wait3A_1443 = tpu.memref_slice %arg21[%dma_wait3A_1442] : memref<5008xf32, #tpu.memory_space<vmem>> -> memref<2496xf32, #tpu.memory_space<vmem>>
    tpu.wait_dma2 semaphore(%arg29 : memref<!tpu.dma_semaphore, #tpu.memory_space<semaphore_mem>>) src(%dma_wait3A_1443 : memref<2496xf32, #tpu.memory_space<vmem>>) dst(%dma_wait3A_1441 : memref<2496xf32, #tpu.memory_space<hbm>>)
    %dma_wait3A_1444 = arith.constant 2496 : i32
    %dma_wait3A_1445 = tpu.memref_slice %arg22[%dma_wait3A_1444] : memref<5008xf32, #tpu.memory_space<vmem>> -> memref<2496xf32, #tpu.memory_space<vmem>>
    %dma_wait3A_1446 = tpu.memref_slice %arg8[%add3A_1421] : memref<640000xf32, #tpu.memory_space<hbm>> -> memref<2496xf32, #tpu.memory_space<hbm>>
    %dma_wait3A_1447 = tpu.memref_slice %arg8[%add3A_1421] : memref<640000xf32, #tpu.memory_space<hbm>> -> memref<2496xf32, #tpu.memory_space<hbm>>
    %dma_wait3A_1448 = arith.constant 2496 : i32
    %dma_wait3A_1449 = tpu.memref_slice %arg22[%dma_wait3A_1448] : memref<5008xf32, #tpu.memory_space<vmem>> -> memref<2496xf32, #tpu.memory_space<vmem>>
    tpu.wait_dma2 semaphore(%arg29 : memref<!tpu.dma_semaphore, #tpu.memory_space<semaphore_mem>>) src(%dma_wait3A_1449 : memref<2496xf32, #tpu.memory_space<vmem>>) dst(%dma_wait3A_1447 : memref<2496xf32, #tpu.memory_space<hbm>>)
    %dma_wait3A_1450 = arith.constant 2496 : i32
    %dma_wait3A_1451 = tpu.memref_slice %arg23[%dma_wait3A_1450] : memref<5008xf32, #tpu.memory_space<vmem>> -> memref<2496xf32, #tpu.memory_space<vmem>>
    %dma_wait3A_1452 = tpu.memref_slice %arg8[%add3A_1425] : memref<640000xf32, #tpu.memory_space<hbm>> -> memref<2496xf32, #tpu.memory_space<hbm>>
    %dma_wait3A_1453 = tpu.memref_slice %arg8[%add3A_1425] : memref<640000xf32, #tpu.memory_space<hbm>> -> memref<2496xf32, #tpu.memory_space<hbm>>
    %dma_wait3A_1454 = arith.constant 2496 : i32
    %dma_wait3A_1455 = tpu.memref_slice %arg23[%dma_wait3A_1454] : memref<5008xf32, #tpu.memory_space<vmem>> -> memref<2496xf32, #tpu.memory_space<vmem>>
    tpu.wait_dma2 semaphore(%arg29 : memref<!tpu.dma_semaphore, #tpu.memory_space<semaphore_mem>>) src(%dma_wait3A_1455 : memref<2496xf32, #tpu.memory_space<vmem>>) dst(%dma_wait3A_1453 : memref<2496xf32, #tpu.memory_space<hbm>>)
    %dma_wait3A_1456 = arith.constant 2496 : i32
    %dma_wait3A_1457 = tpu.memref_slice %arg18[%dma_wait3A_1456] : memref<5008xf32, #tpu.memory_space<vmem>> -> memref<2496xf32, #tpu.memory_space<vmem>>
    %dma_wait3A_1458 = tpu.memref_slice %arg6[%add3A_1427] : memref<160000xf32, #tpu.memory_space<hbm>> -> memref<2496xf32, #tpu.memory_space<hbm>>
    %dma_wait3A_1459 = tpu.memref_slice %arg6[%add3A_1427] : memref<160000xf32, #tpu.memory_space<hbm>> -> memref<2496xf32, #tpu.memory_space<hbm>>
    %dma_wait3A_1460 = arith.constant 2496 : i32
    %dma_wait3A_1461 = tpu.memref_slice %arg18[%dma_wait3A_1460] : memref<5008xf32, #tpu.memory_space<vmem>> -> memref<2496xf32, #tpu.memory_space<vmem>>
    tpu.wait_dma2 semaphore(%arg29 : memref<!tpu.dma_semaphore, #tpu.memory_space<semaphore_mem>>) src(%dma_wait3A_1461 : memref<2496xf32, #tpu.memory_space<vmem>>) dst(%dma_wait3A_1459 : memref<2496xf32, #tpu.memory_space<hbm>>)
    %dma_wait3A_1462 = arith.constant 2496 : i32
    %dma_wait3A_1463 = tpu.memref_slice %arg19[%dma_wait3A_1462] : memref<5008xi32, #tpu.memory_space<vmem>> -> memref<2496xi32, #tpu.memory_space<vmem>>
    %dma_wait3A_1464 = tpu.memref_slice %arg7[%add3A_1429] : memref<160000xi32, #tpu.memory_space<hbm>> -> memref<2496xi32, #tpu.memory_space<hbm>>
    %dma_wait3A_1465 = tpu.memref_slice %arg7[%add3A_1429] : memref<160000xi32, #tpu.memory_space<hbm>> -> memref<2496xi32, #tpu.memory_space<hbm>>
    %dma_wait3A_1466 = arith.constant 2496 : i32
    %dma_wait3A_1467 = tpu.memref_slice %arg19[%dma_wait3A_1466] : memref<5008xi32, #tpu.memory_space<vmem>> -> memref<2496xi32, #tpu.memory_space<vmem>>
    tpu.wait_dma2 semaphore(%arg29 : memref<!tpu.dma_semaphore, #tpu.memory_space<semaphore_mem>>) src(%dma_wait3A_1467 : memref<2496xi32, #tpu.memory_space<vmem>>) dst(%dma_wait3A_1465 : memref<2496xi32, #tpu.memory_space<hbm>>)
    %dma_wait3A_1468 = arith.constant 2496 : i32
    %dma_wait3A_1469 = tpu.memref_slice %arg24[%dma_wait3A_1468] : memref<5008xi32, #tpu.memory_space<vmem>> -> memref<2496xi32, #tpu.memory_space<vmem>>
    %dma_wait3A_1470 = tpu.memref_slice %arg9[%add3A_1431] : memref<160000xi32, #tpu.memory_space<hbm>> -> memref<2496xi32, #tpu.memory_space<hbm>>
    %dma_wait3A_1471 = tpu.memref_slice %arg9[%add3A_1431] : memref<160000xi32, #tpu.memory_space<hbm>> -> memref<2496xi32, #tpu.memory_space<hbm>>
    %dma_wait3A_1472 = arith.constant 2496 : i32
    %dma_wait3A_1473 = tpu.memref_slice %arg24[%dma_wait3A_1472] : memref<5008xi32, #tpu.memory_space<vmem>> -> memref<2496xi32, #tpu.memory_space<vmem>>
    tpu.wait_dma2 semaphore(%arg29 : memref<!tpu.dma_semaphore, #tpu.memory_space<semaphore_mem>>) src(%dma_wait3A_1473 : memref<2496xi32, #tpu.memory_space<vmem>>) dst(%dma_wait3A_1471 : memref<2496xi32, #tpu.memory_space<hbm>>)
    %convert_element_type3A_1474 = arith.extui %lt3A_32 : i1 to i32
    %cond3A_1475 = arith.constant 0 : i32
    %cond3A_1476 = arith.cmpi ne, %convert_element_type3A_1474, %cond3A_1475 : i32
    scf.if %cond3A_1476 {
      %add3A_1477 = arith.constant 4992 : i32
      %add3A_1478 = arith.addi %add3A_45, %add3A_1477 : i32
      %add3A_1479 = arith.constant 20000 : i32
      %add3A_1480 = arith.addi %add3A_45, %add3A_1479 : i32
      %add3A_1481 = arith.constant 4992 : i32
      %add3A_1482 = arith.addi %add3A_1480, %add3A_1481 : i32
      %add3A_1483 = arith.constant 40000 : i32
      %add3A_1484 = arith.addi %add3A_45, %add3A_1483 : i32
      %add3A_1485 = arith.constant 4992 : i32
      %add3A_1486 = arith.addi %add3A_1484, %add3A_1485 : i32
      %add3A_1487 = arith.constant 60000 : i32
      %add3A_1488 = arith.addi %add3A_45, %add3A_1487 : i32
      %add3A_1489 = arith.constant 4992 : i32
      %add3A_1490 = arith.addi %add3A_1488, %add3A_1489 : i32
      %add3A_1491 = arith.constant 4992 : i32
      %add3A_1492 = arith.addi %add3A_48, %add3A_1491 : i32
      %add3A_1493 = arith.constant 4992 : i32
      %add3A_1494 = arith.addi %add3A_48, %add3A_1493 : i32
      %add3A_1495 = arith.constant 4992 : i32
      %add3A_1496 = arith.addi %add3A_48, %add3A_1495 : i32
      %dma_wait3A_1497 = arith.constant 4992 : i32
      %dma_wait3A_1498 = tpu.memref_slice %arg20[%dma_wait3A_1497] : memref<5008xf32, #tpu.memory_space<vmem>> -> memref<16xf32, #tpu.memory_space<vmem>>
      %dma_wait3A_1499 = tpu.memref_slice %arg8[%add3A_1478] : memref<640000xf32, #tpu.memory_space<hbm>> -> memref<16xf32, #tpu.memory_space<hbm>>
      %dma_wait3A_1500 = tpu.memref_slice %arg8[%add3A_1478] : memref<640000xf32, #tpu.memory_space<hbm>> -> memref<16xf32, #tpu.memory_space<hbm>>
      %dma_wait3A_1501 = arith.constant 4992 : i32
      %dma_wait3A_1502 = tpu.memref_slice %arg20[%dma_wait3A_1501] : memref<5008xf32, #tpu.memory_space<vmem>> -> memref<16xf32, #tpu.memory_space<vmem>>
      tpu.wait_dma2 semaphore(%arg29 : memref<!tpu.dma_semaphore, #tpu.memory_space<semaphore_mem>>) src(%dma_wait3A_1502 : memref<16xf32, #tpu.memory_space<vmem>>) dst(%dma_wait3A_1500 : memref<16xf32, #tpu.memory_space<hbm>>)
      %dma_wait3A_1503 = arith.constant 4992 : i32
      %dma_wait3A_1504 = tpu.memref_slice %arg21[%dma_wait3A_1503] : memref<5008xf32, #tpu.memory_space<vmem>> -> memref<16xf32, #tpu.memory_space<vmem>>
      %dma_wait3A_1505 = tpu.memref_slice %arg8[%add3A_1482] : memref<640000xf32, #tpu.memory_space<hbm>> -> memref<16xf32, #tpu.memory_space<hbm>>
      %dma_wait3A_1506 = tpu.memref_slice %arg8[%add3A_1482] : memref<640000xf32, #tpu.memory_space<hbm>> -> memref<16xf32, #tpu.memory_space<hbm>>
      %dma_wait3A_1507 = arith.constant 4992 : i32
      %dma_wait3A_1508 = tpu.memref_slice %arg21[%dma_wait3A_1507] : memref<5008xf32, #tpu.memory_space<vmem>> -> memref<16xf32, #tpu.memory_space<vmem>>
      tpu.wait_dma2 semaphore(%arg29 : memref<!tpu.dma_semaphore, #tpu.memory_space<semaphore_mem>>) src(%dma_wait3A_1508 : memref<16xf32, #tpu.memory_space<vmem>>) dst(%dma_wait3A_1506 : memref<16xf32, #tpu.memory_space<hbm>>)
      %dma_wait3A_1509 = arith.constant 4992 : i32
      %dma_wait3A_1510 = tpu.memref_slice %arg22[%dma_wait3A_1509] : memref<5008xf32, #tpu.memory_space<vmem>> -> memref<16xf32, #tpu.memory_space<vmem>>
      %dma_wait3A_1511 = tpu.memref_slice %arg8[%add3A_1486] : memref<640000xf32, #tpu.memory_space<hbm>> -> memref<16xf32, #tpu.memory_space<hbm>>
      %dma_wait3A_1512 = tpu.memref_slice %arg8[%add3A_1486] : memref<640000xf32, #tpu.memory_space<hbm>> -> memref<16xf32, #tpu.memory_space<hbm>>
      %dma_wait3A_1513 = arith.constant 4992 : i32
      %dma_wait3A_1514 = tpu.memref_slice %arg22[%dma_wait3A_1513] : memref<5008xf32, #tpu.memory_space<vmem>> -> memref<16xf32, #tpu.memory_space<vmem>>
      tpu.wait_dma2 semaphore(%arg29 : memref<!tpu.dma_semaphore, #tpu.memory_space<semaphore_mem>>) src(%dma_wait3A_1514 : memref<16xf32, #tpu.memory_space<vmem>>) dst(%dma_wait3A_1512 : memref<16xf32, #tpu.memory_space<hbm>>)
      %dma_wait3A_1515 = arith.constant 4992 : i32
      %dma_wait3A_1516 = tpu.memref_slice %arg23[%dma_wait3A_1515] : memref<5008xf32, #tpu.memory_space<vmem>> -> memref<16xf32, #tpu.memory_space<vmem>>
      %dma_wait3A_1517 = tpu.memref_slice %arg8[%add3A_1490] : memref<640000xf32, #tpu.memory_space<hbm>> -> memref<16xf32, #tpu.memory_space<hbm>>
      %dma_wait3A_1518 = tpu.memref_slice %arg8[%add3A_1490] : memref<640000xf32, #tpu.memory_space<hbm>> -> memref<16xf32, #tpu.memory_space<hbm>>
      %dma_wait3A_1519 = arith.constant 4992 : i32
      %dma_wait3A_1520 = tpu.memref_slice %arg23[%dma_wait3A_1519] : memref<5008xf32, #tpu.memory_space<vmem>> -> memref<16xf32, #tpu.memory_space<vmem>>
      tpu.wait_dma2 semaphore(%arg29 : memref<!tpu.dma_semaphore, #tpu.memory_space<semaphore_mem>>) src(%dma_wait3A_1520 : memref<16xf32, #tpu.memory_space<vmem>>) dst(%dma_wait3A_1518 : memref<16xf32, #tpu.memory_space<hbm>>)
      %dma_wait3A_1521 = arith.constant 4992 : i32
      %dma_wait3A_1522 = tpu.memref_slice %arg18[%dma_wait3A_1521] : memref<5008xf32, #tpu.memory_space<vmem>> -> memref<16xf32, #tpu.memory_space<vmem>>
      %dma_wait3A_1523 = tpu.memref_slice %arg6[%add3A_1492] : memref<160000xf32, #tpu.memory_space<hbm>> -> memref<16xf32, #tpu.memory_space<hbm>>
      %dma_wait3A_1524 = tpu.memref_slice %arg6[%add3A_1492] : memref<160000xf32, #tpu.memory_space<hbm>> -> memref<16xf32, #tpu.memory_space<hbm>>
      %dma_wait3A_1525 = arith.constant 4992 : i32
      %dma_wait3A_1526 = tpu.memref_slice %arg18[%dma_wait3A_1525] : memref<5008xf32, #tpu.memory_space<vmem>> -> memref<16xf32, #tpu.memory_space<vmem>>
      tpu.wait_dma2 semaphore(%arg29 : memref<!tpu.dma_semaphore, #tpu.memory_space<semaphore_mem>>) src(%dma_wait3A_1526 : memref<16xf32, #tpu.memory_space<vmem>>) dst(%dma_wait3A_1524 : memref<16xf32, #tpu.memory_space<hbm>>)
      %dma_wait3A_1527 = arith.constant 4992 : i32
      %dma_wait3A_1528 = tpu.memref_slice %arg19[%dma_wait3A_1527] : memref<5008xi32, #tpu.memory_space<vmem>> -> memref<16xi32, #tpu.memory_space<vmem>>
      %dma_wait3A_1529 = tpu.memref_slice %arg7[%add3A_1494] : memref<160000xi32, #tpu.memory_space<hbm>> -> memref<16xi32, #tpu.memory_space<hbm>>
      %dma_wait3A_1530 = tpu.memref_slice %arg7[%add3A_1494] : memref<160000xi32, #tpu.memory_space<hbm>> -> memref<16xi32, #tpu.memory_space<hbm>>
      %dma_wait3A_1531 = arith.constant 4992 : i32
      %dma_wait3A_1532 = tpu.memref_slice %arg19[%dma_wait3A_1531] : memref<5008xi32, #tpu.memory_space<vmem>> -> memref<16xi32, #tpu.memory_space<vmem>>
      tpu.wait_dma2 semaphore(%arg29 : memref<!tpu.dma_semaphore, #tpu.memory_space<semaphore_mem>>) src(%dma_wait3A_1532 : memref<16xi32, #tpu.memory_space<vmem>>) dst(%dma_wait3A_1530 : memref<16xi32, #tpu.memory_space<hbm>>)
      %dma_wait3A_1533 = arith.constant 4992 : i32
      %dma_wait3A_1534 = tpu.memref_slice %arg24[%dma_wait3A_1533] : memref<5008xi32, #tpu.memory_space<vmem>> -> memref<16xi32, #tpu.memory_space<vmem>>
      %dma_wait3A_1535 = tpu.memref_slice %arg9[%add3A_1496] : memref<160000xi32, #tpu.memory_space<hbm>> -> memref<16xi32, #tpu.memory_space<hbm>>
      %dma_wait3A_1536 = tpu.memref_slice %arg9[%add3A_1496] : memref<160000xi32, #tpu.memory_space<hbm>> -> memref<16xi32, #tpu.memory_space<hbm>>
      %dma_wait3A_1537 = arith.constant 4992 : i32
      %dma_wait3A_1538 = tpu.memref_slice %arg24[%dma_wait3A_1537] : memref<5008xi32, #tpu.memory_space<vmem>> -> memref<16xi32, #tpu.memory_space<vmem>>
      tpu.wait_dma2 semaphore(%arg29 : memref<!tpu.dma_semaphore, #tpu.memory_space<semaphore_mem>>) src(%dma_wait3A_1538 : memref<16xi32, #tpu.memory_space<vmem>>) dst(%dma_wait3A_1536 : memref<16xi32, #tpu.memory_space<hbm>>)
    } else {
    }
    return
  }
}

</mosaic_0001>

<sc_bundles>
// kernel: _run.3.cloned.1.call-start
scs
__scs_entry_jumppad:
0x0: {  	(pc) =	sbr.rel $0x88, $3  }
0x1: {  	(tag) =	ssettag $0x0;
	lr =	simm.s32 $0x1  }
0x2: {  	[smem:$0x3F9D] =	sst lr;
	_ =	strace $0xD0000000  }
0x3: {  	_ = 	snop  }
0x4: {  	_ = 	snop  }
0x5: {  	_ = 	snop  }
0x6: {  	_ = 	snop  }
0x7: {  	_ = 	snop  }
__scs_overlays_trampoline_lowered:
0x8: {  	[smem:$0x3FAC] =	sst s0  }
0x9: {  	[smem:$0x3FAD] =	sst s1  }
0xa: {  	[smem:$0x3FAE] =	sst s2  }
0xb: {  	[smem:$0x3FAF] =	sst s3  }
0xc: {  	[smem:$0x3FB0] =	sst s4  }
0xd: {  	[smem:$0x3FB1] =	sst s5  }
0xe: {  	[smem:$0x3FB2] =	sst s6  }
0xf: {  	[smem:$0x3FB3] =	sst s7  }
0x10: {  	[smem:$0x3FB4] =	sst s8  }
0x11: {  	[smem:$0x3FB5] =	sst s9;
	s0 =	simm.s32 @!p0 $0x0  }
0x12: {  	s1 =	sld [smem:$0x3F9B];
	s0 =	simm.s32 @p0 $0x1  }
0x13: {  	[smem:$0x3FB6] =	sst s0;
	s0 =	simm.s32 @!p1 $0x0  }
0x14: {  	s2 =	sld [smem:$0x3F9A];
	s0 =	simm.s32 @p1 $0x1  }
0x15: {  	[smem:$0x3FB7] =	sst s0;
	s0 =	simm.s32 @!p2 $0x0  }
0x16: {  	s3 =	sld [smem:$0x3FDB];
	s0 =	simm.s32 @p2 $0x1  }
0x17: {  	s4 =	simm.s32 $0x1BF5;
	[smem:$0x3FB9] =	sst s0  }
0x18: {  	s0 =	sld [smem:$0x3F9C];
	_ =	swait.ge [sflag:s4], $0x0  }
0x19: {  	s7 =	sld [smem:$0x3F9D]  }
0x1a: {  	s8 =	sadd.s32 $0xFFFFE003, lr  }
0x1b: {  	s9 =	sadd.s32 $0xFFFFFEF7, lr;
	s5 =	simm.s32 $0xFFFFFFFF;
	p2 =	slt.u32 s8, $0xFFFFF086  }
0x1c: {  	p1 =	slt.u32 s9, $0xF7A;
	s5 =	simm.s32 @!p2 $0x0  }
0x1d: {  	s5 =	simm.s32 @p1 $0x1;
	p0 =	seq.s32 s7, s2  }
0x1e: {  	s7 =	smul.u32 @!p0 $0xF7A, s2;
	p2 =	seq.s32 @!p0 s5, $0x0  }
0x1f: {  	s9 =	smul.u32 $0xF7A, s1;
	s8 =	simm.s32 @!p0 $0x1BF5;
	p2 =	por !p2, p0  }
0x20: {  	[sflag:s8] =	ssyncset.s32 @!p0 $0xFFFFF086;
	s6 =	sadd.s32 @!p0 s3, s7;
	s7 =	simm.s32 @!p0 $0x108  }
0x21: {  	s3 =	sadd.s32 s3, s9;
	s6 =	sadd.s32 @!p0 $0x88, s6;
	s7 =	simm.s32 @p2 $0x1082  }
0x22: {  	[simem:s7], [sflag:s8] =	dma.local @!p0 [hbm:s6], $0xF7A  }
0x23: {  	s9 =	sor.u32 $0xD0000000, s2;
	s6 =	simm.s32 $0x108;
	_ =	swait.ge @!p0 [sflag:s8], $0x0  }
0x24: {  	s3 =	sadd.s32 $0x88, s3;
	s6 =	simm.s32 @!p1 $0x1082;
	[sflag:s4] =	ssyncset.s32 $0xFFFFF086  }
0x25: {  	[simem:s6], [sflag:s4] =	dma.local [hbm:s3], $0xF7A  }
0x26: {  	[smem:$0x3F9D] =	sst s1;
	(tag) =	ssettag s2;
	_ =	strace s9  }
0x27: {  	s1 =	sld [smem:$0x3FAD]  }
0x28: {  	s2 =	sld [smem:$0x3FAE]  }
0x29: {  	s4 =	sld [smem:$0x3FB0]  }
0x2a: {  	p0 =	seq.s32 s5, $0x0;
	s5 =	sld [smem:$0x3FB1]  }
0x2b: {  	s6 =	sld [smem:$0x3FB2]  }
0x2c: {  	s7 =	sld [smem:$0x3FB3]  }
0x2d: {  	s3 =	simm.s32 $0x108;
	s8 =	sld [smem:$0x3FB4]  }
0x2e: {  	s3 =	simm.s32 @!p0 $0x1082;
	s9 =	sld [smem:$0x3FB5]  }
0x2f: {  	lr =	sadd.s32 s0, s3;
	s0 =	sld [smem:$0x3FAC]  }
0x30: {  	s3 =	sld [smem:$0x3FAF]  }
0x31: {  	[smem:$0x3FB8] =	sst s10  }
0x32: {  	s10 =	sld [smem:$0x3FB6];
	_ =	sdelay $0x3  }
0x33: {  	p0 =	seq.s32 s10, $0x1;
	s10 =	sld [smem:$0x3FB8];
	_ =	sdelay $0x3  }
0x34: {  	[smem:$0x3FB8] =	sst s10  }
0x35: {  	s10 =	sld [smem:$0x3FB7];
	_ =	sdelay $0x3  }
0x36: {  	p1 =	seq.s32 s10, $0x1;
	s10 =	sld [smem:$0x3FB8];
	_ =	sdelay $0x3  }
0x37: {  	[smem:$0x3FB8] =	sst s10  }
0x38: {  	s10 =	sld [smem:$0x3FB9]  }
0x39: {  	_ = 	snop;
	(pc) =	sbr.ind lr, $3  }
0x3a: {  	_ = 	snop  }
0x3b: {  	_ = 	snop  }
0x3c: {  	p2 =	seq.s32 s10, $0x1;
	s10 =	sld [smem:$0x3FB8]  }
0x3d: {  	_ =	shalt  }
0x3e: {  	_ =	shalt  }
0x3f: {  	_ =	shalt  }
0x40: {  	_ =	shalt  }
0x41: {  	_ =	shalt  }
0x42: {  	_ =	shalt  }
0x43: {  	_ =	shalt  }
0x44: {  	_ =	shalt  }
0x45: {  	_ =	shalt  }
0x46: {  	_ =	shalt  }
0x47: {  	_ =	shalt  }
0x48: {  	_ =	shalt  }
0x49: {  	_ =	shalt  }
0x4a: {  	_ =	shalt  }
0x4b: {  	_ =	shalt  }
0x4c: {  	_ =	shalt  }
0x4d: {  	_ =	shalt  }
0x4e: {  	_ =	shalt  }
0x4f: {  	_ =	shalt  }
0x50: {  	_ =	shalt  }
0x51: {  	_ =	shalt  }
0x52: {  	_ =	shalt  }
0x53: {  	_ =	shalt  }
0x54: {  	_ =	shalt  }
0x55: {  	_ =	shalt  }
0x56: {  	_ =	shalt  }
0x57: {  	_ =	shalt  }
0x58: {  	_ =	shalt  }
0x59: {  	_ =	shalt  }
0x5a: {  	_ =	shalt  }
0x5b: {  	_ =	shalt  }
0x5c: {  	_ =	shalt  }
0x5d: {  	_ =	shalt  }
0x5e: {  	_ =	shalt  }
0x5f: {  	_ =	shalt  }
0x60: {  	_ =	shalt  }
0x61: {  	_ =	shalt  }
0x62: {  	_ =	shalt  }
0x63: {  	_ =	shalt  }
0x64: {  	_ =	shalt  }
0x65: {  	_ =	shalt  }
0x66: {  	_ =	shalt  }
0x67: {  	_ =	shalt  }
0x68: {  	_ =	shalt  }
0x69: {  	_ =	shalt  }
0x6a: {  	_ =	shalt  }
0x6b: {  	_ =	shalt  }
0x6c: {  	_ =	shalt  }
0x6d: {  	_ =	shalt  }
0x6e: {  	_ =	shalt  }
0x6f: {  	_ =	shalt  }
0x70: {  	_ =	shalt  }
0x71: {  	_ =	shalt  }
0x72: {  	_ =	shalt  }
0x73: {  	_ =	shalt  }
0x74: {  	_ =	shalt  }
0x75: {  	_ =	shalt  }
0x76: {  	_ =	shalt  }
0x77: {  	_ =	shalt  }
0x78: {  	_ =	shalt  }
0x79: {  	_ =	shalt  }
0x7a: {  	_ =	shalt  }
0x7b: {  	_ =	shalt  }
0x7c: {  	_ =	shalt  }
0x7d: {  	_ =	shalt  }
0x7e: {  	_ =	shalt  }
0x7f: {  	_ =	shalt  }
0x80: {  	_ =	shalt  }
0x81: {  	_ =	shalt  }
0x82: {  	_ =	shalt  }
0x83: {  	_ =	shalt  }
0x84: {  	_ =	shalt  }
0x85: {  	_ =	shalt  }
0x86: {  	_ =	shalt  }
0x87: {  	_ =	shalt  }
.Lfunc_end0:
.L_simem_size_0:
called_computation_lowered:
.L_overlay_start_0:
0x88: {  	s2 =	sld [smem:$0x3FD9]  }
0x89: {  	s3 =	sld [smem:$0x3FFE];
	_ =	sdelay $0x1  }
0x8a: {  	s1 =	srdreg.scid  }
0x8b: {  	s0 =	sand.u32 $0x1, s1  }
0x8c: {  	s15 =	sshll.u32 s0, $0xA;
	s2 =	sadd.s32 s3, s2  }
0x8d: {  	s2 =	sadd.s32 s2, s15  }
0x8e: {  	[smem:$0x3FC4] =	sst s2  }
0x8f: {  	_ = 	snop  }
0x90: {  	s2 =	sld [smem:$0x3FC9]  }
0x91: {  	s16 =	sld [smem:$0x3FD0]  }
0x92: {  	s4 =	sld [smem:$0x3FC8]  }
0x93: {  	s5 =	sld [smem:$0x3FC7]  }
0x94: {  	s7 =	simm.s32 $0xA;
	s8 =	simm.s32 $0x10;
	s6 =	sld [smem:$0x3FC6]  }
0x95: {  	[smem:s8], [sflag:s7] =	dma.local [hbm:s16], $0x1  }
0x96: {  	_ =	swait.eq [sflag:s7], $0x1  }
0x97: {  	s17 =	sld [smem:$0x10]  }
0x98: {  	s18 =	sld [smem:$0x11];
	[sflag:s7] =	ssyncset.done $0x0  }
0x99: {  	s9 =	sld [smem:$0x12];
	[sflag:s7] =	ssyncadd.s32 $0xFFFFFFFF  }
0x9a: {  	s19 =	sld [smem:$0x13];
	(tm) =	ssettm $0x1  }
0x9b: {  	s10 =	sld [smem:$0x3FFB];
	_ =	sdelay $0x3  }
0x9c: {  	_ =	strace s10  }
0x9d: {  	s10 =	sld [smem:$0x3FFC];
	_ =	sdelay $0x3  }
0x9e: {  	_ =	strace s10  }
0x9f: {  	s10 =	sld [smem:$0x3FFD];
	_ =	sdelay $0x3  }
0xa0: {  	_ =	strace s10  }
0xa1: {  	_ =	strace $0x8FFFFFFF  }
0xa2: {  	s20 =	sld [smem:$0x3FDB];
	_ =	sdelay $0x1  }
0xa3: {  	s11 =	simm.s32 $_scs_section_size  }
0xa4: {  	s12 =	simm.s32 $_size__tile_overlayer_lowered;
	s13 =	simm.s32 $_tile_overlayer_lowered  }
0xa5: {  	s23 =	simm.s32 $0x1BFF;
	s22 =	sshll.u32 s13, $0x1;
	s10 =	sadd.s32 s11, s20  }
0xa6: {  	s14 =	simm.s32 $0x0;
	s21 =	sshll.u32 s12, $0x1;
	s12 =	sadd.s32 s22, s10  }
0xa7: {  	[timem:s14], [sflag:s23] =	dma.local [hbm:s12], s21  }
0xa8: {  	_ =	swait.ge [sflag:s23], s21  }
0xa9: {  	s11 =	ssub.s32 $0x0, s21;
	[sflag:s23] =	ssyncset.done $0x0  }
0xaa: {  	[sflag:s23] =	ssyncadd.s32 s11;
	_ =	sdelay $0x1  }
0xab: {  	s24 =	simm.s32 $0x1B8B  }
0xac: {  	_ =	swait.ge [sflag:s24], $0x1  }
0xad: {  	[sflag:s24] =	ssyncset.done $0x0  }
0xae: {  	s25 =	simm.s32 $0x1B8E;
	[sflag:s24] =	ssyncadd.s32 $0xFFFFFFFF  }
0xaf: {  	s26 =	simm.s32 $execute0_lowered;
	[smem:$0x3FD2] =	sst s25  }
0xb0: {  	s11 =	sshll.u32 s26, $0x1;
	_ =	strace $0x80000046;
	[dreg:$0x1] =	wrdreg $0xFFFFFFFF  }
0xb1: {  	s28 =	simm.s32 $_size_execute0_lowered;
	s10 =	sadd.s32 s10, s11;
	[dreg:$0x0] =	wrdreg $0x0  }
0xb2: {  	s11 =	sshll.u32 s28, $0x1;
	[dreg:$0x2] =	wrdreg s10  }
0xb3: {  	[dreg:$0x3] =	wrdreg s11  }
0xb4: {  	[dreg:$0x4] =	wrdreg $0xC0  }
0xb5: {  	_ =	task [dreg:s14], $0x5FFFF  }
0xb6: {  	[dreg:$0x1] =	wrdreg $0xFFFFFFFF  }
0xb7: {  	[dreg:$0x0] =	wrdreg $0x60  }
0xb8: {  	[dreg:$0x2] =	wrdreg s2  }
0xb9: {  	[dreg:$0x3] =	wrdreg s4  }
0xba: {  	[dreg:$0x4] =	wrdreg s5  }
0xbb: {  	[dreg:$0x5] =	wrdreg s6  }
0xbc: {  	[dreg:$0x6] =	wrdreg s17  }
0xbd: {  	[dreg:$0x7] =	wrdreg s18  }
0xbe: {  	[dreg:$0x8] =	wrdreg s9  }
0xbf: {  	[dreg:$0x9] =	wrdreg s19  }
0xc0: {  	[dreg:$0xa] =	wrdreg $0x9  }
0xc1: {  	_ =	task.clear_ibuf [dreg:s14], $0xBFFFF;
	_ =	strace $0x90000046  }
0xc2: {  	s29 =	simm.s32 $0x9;
	_ =	strace $0x80000048  }
0xc3: {  	_ =	swait.ge [sflag:s29], $0x1  }
0xc4: {  	[sflag:s29] =	ssyncadd.s32 $0xFFFFFFFF  }
0xc5: {  	_ =	strace $0x90000048  }
0xc6: {  	_ =	sfence  }
0xc7: {  	s30 =	sld [smem:$0x0];
	_ =	sdelay $0x2  }
0xc8: {  	s31 =	sshll.u32 s1, $0xD;
	s1 =	sshrl.u32 s1, $0x2  }
0xc9: {  	s3 =	sand.u32 $0x4000, s31;
	s1 =	sadd.s32 s1, s30  }
0xca: {  	s0 =	sor.u32 s3, s0;
	s1 =	sshll.u32 s1, $0x11  }
0xcb: {  	s0 =	sor.u32 s1, s0  }
0xcc: {  	s0 =	sadd.s32 $0x8F2B, s0  }
0xcd: {  	[sflag:s0] =	ssyncadd.remote.s32 $0x1  }
0xce: {  	_ =	sfence.sel $0xFFFF  }
0xcf: {  	[dreg:$0x0] =	wrdreg $0xFFFFFFFF;
	(pc) =	sbr.abs _section_cstart, $3  }
0xd0: {  	[dreg:$0x1] =	wrdreg $0xFFFFFFFF  }
0xd1: {  	_ =	task.clear_ibuf [dreg:s14], $0x2FFFF;
	_ =	strace $0x9FFFFFFF  }
0xd2: {  	(tm) =	ssettm $0x7FFFFFFF  }
0xd3: {  	_ =	shalt  }
tec
execute0_lowered:
.L_overlay_start_1:
0x0: {  	(tag) =	ssettag $0x1  }
0x1: {  	s4 =	stileid.u32  }
0x2: {  	s0 =	srdreg.scid;
	s1 =	sshll.u32 s4, $0x1  }
0x3: {  	s0 =	sand.u32 $0x1, s0;
	s3 =	sand.u32 $0x2, s1  }
0x4: {  	s1 =	sor.u32 s0, s3  }
0x5: {  	s5 =	sshrl.u32 s4, $0x1;
	s2 =	smul.u32 $0x139, s1  }
0x6: {  	s7 =	rddreg [dreg:$0x0];
	s25 =	smul.u32 $0x13880, s5;
	s1 =	smax.u32 s1, $0x2  }
0x7: {  	s6 =	smul.u32 $0x4E20, s5;
	s0 =	ssub.s32 $0x2, s0;
	s1 =	ssub.s32 s2, s1  }
0x8: {  	p0 =	sne.s32 s3, $0x0;
	s26 =	sshrl.u32 s0, $0x1;
	s1 =	sshll.u32 s1, $0x4  }
0x9: {  	v0 =	vlaneseq.u32;
	v30 =	vimm.s32 $0x1EF;
	s4 =	ssub.s32 s0, s26;
	s26 =	rddreg [dreg:$0x6];
	s1 =	sadd.s32 $0x20, s1  }
0xa: {  	vm0 =	vcmask $0x300;
	v31 =	vimm.s32 $0x1F0;
	vm1 =	vcmask $0x704;
	s3 =	smax.u32 s4, $0x1;
	s4 =	simm.s32 $0x1;
	s2 =	sadd.s32 s25, s1  }
0xb: {  	vm2 =	vcmask $0xB08;
	v32 =	vimm.s32 $0x1F1;
	v33 =	vimm.s32 $0x1F2;
	s0 =	sadd.s32 s6, s1;
	s6 =	sadd.s32 $0x4E20, s2;
	s10 =	sshrl.u32 s2, $0x3  }
0xc: {  	v34 =	vimm.s32 $0x1F3;
	v29 =	vmul.u32 $0x5, v0;
	v30 =	vsel vm0, $0x1E0, v30;
	s11 =	sadd.s32 $0x9C40, s2;
	s8 =	sadd.s32 $0xEA60, s2;
	s9 =	sadd.s32 s7, s10  }
0xd: {  	v31 =	vsel vm0, $0x1E1, v31;
	v32 =	vsel vm0, $0x1E2, v32;
	v33 =	vsel vm0, $0x1E3, v33;
	s15 =	sadd.s32 $0x57E0, s2;
	s10 =	sadd.s32 s26, s10;
	[dreg:$0x9] =	wrdreg s9  }
0xe: {  	v34 =	vsel vm0, $0x1E4, v34;
	v30 =	vsel vm1, $0x1E5, v30;
	v31 =	vsel vm1, $0x1E6, v31;
	s18 =	sadd.s32 $0x61A0, s2;
	s1 =	sshrl.u32 s6, $0x3;
	[dreg:$0x15] =	wrdreg s10  }
0xf: {  	v32 =	vsel vm1, $0x1E7, v32;
	v33 =	vsel vm1, $0x1E8, v33;
	v34 =	vsel vm1, $0x1E9, v34;
	s6 =	sshrl.u32 s11, $0x3;
	s12 =	sadd.s32 s7, s1;
	s10 =	rddreg [dreg:$0x3]  }
0x10: {  	v1 =	vadd.s32 $0x1, v29;
	v2 =	vadd.s32 $0x2, v29;
	v3 =	vadd.s32 $0x3, v29;
	s8 =	sshrl.u32 s8, $0x3;
	s13 =	sadd.s32 s7, s6;
	[dreg:$0xa] =	wrdreg s12  }
0x11: {  	v4 =	vadd.s32 $0x4, v29;
	v5 =	vadd.s32 $0x50, v29;
	v6 =	vadd.s32 $0x51, v29;
	s22 =	sshrl.u32 s18, $0x3;
	s14 =	sadd.s32 s7, s8;
	[dreg:$0xb] =	wrdreg s13  }
0x12: {  	v7 =	vadd.s32 $0x52, v29;
	v8 =	vadd.s32 $0x53, v29;
	v9 =	vadd.s32 $0x54, v29;
	s11 =	sadd.s32 $0x9C0, s2;
	s20 =	sadd.s32 s7, s22;
	[dreg:$0xc] =	wrdreg s14  }
0x13: {  	v10 =	vadd.s32 $0xA0, v29;
	v11 =	vadd.s32 $0xA1, v29;
	v12 =	vadd.s32 $0xA2, v29;
	s11 =	sshrl.u32 s11, $0x3;
	s1 =	sadd.s32 s26, s1;
	[dreg:$0x12] =	wrdreg s20  }
0x14: {  	v13 =	vadd.s32 $0xA3, v29;
	v14 =	vadd.s32 $0xA4, v29;
	v15 =	vadd.s32 $0xF0, v29;
	s12 =	sadd.s32 $0xA600, s2;
	s14 =	sadd.s32 s7, s11;
	[dreg:$0x16] =	wrdreg s1  }
0x15: {  	v16 =	vadd.s32 $0xF1, v29;
	v17 =	vadd.s32 $0xF2, v29;
	v18 =	vadd.s32 $0xF3, v29;
	s13 =	sadd.s32 $0xF420, s2;
	[dreg:$0xd] =	wrdreg s14;
	s14 =	sshrl.u32 s15, $0x3  }
0x16: {  	v19 =	vadd.s32 $0xF4, v29;
	v20 =	vadd.s32 $0x140, v29;
	v21 =	vadd.s32 $0x141, v29;
	s12 =	sshrl.u32 s12, $0x3;
	s13 =	sshrl.u32 s13, $0x3;
	s9 =	sadd.s32 s7, s14  }
0x17: {  	v22 =	vadd.s32 $0x142, v29;
	v23 =	vadd.s32 $0x143, v29;
	v24 =	vadd.s32 $0x144, v29;
	s17 =	sadd.s32 s7, s13;
	s20 =	sadd.s32 s26, s13;
	s13 =	rddreg [dreg:$0x7]  }
0x18: {  	v25 =	vadd.s32 $0x190, v29;
	v26 =	vadd.s32 $0x191, v29;
	v27 =	vadd.s32 $0x192, v29;
	s15 =	sadd.s32 $0x1380, s2;
	s16 =	sadd.s32 s7, s12;
	[dreg:$0xe] =	wrdreg s9  }
0x19: {  	v28 =	vadd.s32 $0x193, v29;
	v30 =	vsel vm2, $0x1EA, v30;
	v31 =	vsel vm2, $0x1EB, v31;
	s21 =	sshrl.u32 s15, $0x3;
	[dreg:$0xf] =	wrdreg s16;
	s9 =	smul.u32 $0x1F4, s5  }
0x1a: {  	v32 =	vsel vm2, $0x1EC, v32;
	v33 =	vsel vm2, $0x1ED, v33;
	v34 =	vsel vm2, $0x1EE, v34;
	s15 =	sadd.s32 s26, s6;
	s18 =	sadd.s32 s26, s14;
	[dreg:$0x10] =	wrdreg s17  }
0x1b: {  	s19 =	sadd.s32 s7, s21;
	s17 =	sadd.s32 s26, s11;
	s11 =	rddreg [dreg:$0x4];
	v0 =	vadd.s32 s9, v29;
	v1 =	vadd.s32 s9, v1;
	v2 =	vadd.s32 s9, v2  }
0x1c: {  	s6 =	sadd.s32 $0x9C0, s0;
	s14 =	sadd.s32 s26, s21;
	[dreg:$0x11] =	wrdreg s19;
	v3 =	vadd.s32 s9, v3;
	v4 =	vadd.s32 s9, v4;
	v5 =	vadd.s32 s9, v5  }
0x1d: {  	s16 =	sadd.s32 $0xAFC0, s2;
	s21 =	sadd.s32 s26, s22;
	[dreg:$0x17] =	wrdreg s14;
	v6 =	vadd.s32 s9, v6;
	v7 =	vadd.s32 s9, v7;
	v8 =	vadd.s32 s9, v8  }
0x1e: {  	s2 =	sadd.s32 $0xFDE0, s2;
	s23 =	sshrl.u32 s16, $0x3;
	[dreg:$0x18] =	wrdreg s21;
	v9 =	vadd.s32 s9, v9;
	v10 =	vadd.s32 s9, v10;
	v11 =	vadd.s32 s9, v11  }
0x1f: {  	s2 =	sshrl.u32 s2, $0x3;
	s19 =	sadd.s32 s26, s12;
	s12 =	rddreg [dreg:$0x5];
	v12 =	vadd.s32 s9, v12;
	v13 =	vadd.s32 s9, v13;
	v14 =	vadd.s32 s9, v14  }
0x20: {  	s24 =	sadd.s32 s7, s23;
	s25 =	sadd.s32 s7, s2;
	s7 =	rddreg [dreg:$0x2];
	v15 =	vadd.s32 s9, v15;
	v16 =	vadd.s32 s9, v16;
	v17 =	vadd.s32 s9, v17  }
0x21: {  	s16 =	sadd.s32 s26, s8;
	s22 =	sadd.s32 s26, s23;
	v18 =	vadd.s32 s9, v18;
	v19 =	vadd.s32 s9, v19;
	v20 =	vadd.s32 s9, v20;
	[dreg:$0x13] =	wrdreg s24  }
0x22: {  	s23 =	sadd.s32 s26, s2;
	s2 =	sshrl.u32 s6, $0x3;
	v21 =	vadd.s32 s9, v21;
	v22 =	vadd.s32 s9, v22;
	v23 =	vadd.s32 s9, v23;
	[dreg:$0x14] =	wrdreg s25  }
0x23: {  	v24 =	vadd.s32 s9, v24;
	v25 =	vadd.s32 s9, v25;
	v26 =	vadd.s32 s9, v26;
	s6 =	simm.s32 $0x1000;
	[dreg:$0x19] =	wrdreg s22;
	s24 =	simm.s32 $0x0  }
0x24: {  	v27 =	vadd.s32 s9, v27;
	v28 =	vadd.s32 s9, v28;
	v29 =	vadd.s32 $0x194, v29;
	[dreg:$0x1a] =	wrdreg s23;
	s25 =	sshrl.u32 s0, $0x3;
	s0 =	sadd.s32 $0x1380, s0  }
0x25: {  	v30 =	vadd.s32 s9, v30;
	v31 =	vadd.s32 s9, v31;
	v32 =	vadd.s32 s9, v32;
	s28 =	sadd.s32 s7, s2;
	s31 =	sadd.s32 s10, s2;
	s1 =	sadd.s32 s12, s2  }
0x26: {  	v33 =	vadd.s32 s9, v33;
	v34 =	vadd.s32 s9, v34;
	v29 =	vadd.s32 s9, v29;
	s9 =	simm.s32 $0x5;
	[smem:$0x7FF] =	sst s24;
	s8 =	sshrl.u32 s0, $0x3  }
0x27: {  	s26 =	sadd.s32 s7, s25;
	s30 =	sadd.s32 s10, s25;
	s21 =	sadd.s32 s11, s25  }
0x28: {  	s22 =	sadd.s32 s12, s25;
	s23 =	sadd.s32 s13, s25;
	s25 =	sadd.s32 s11, s2  }
.Ltmp0:
0x29: {  	s29 =	sadd.s32 s7, s8;
	s7 =	sadd.s32 s11, s8;
	(pc) =	sbr.rel .LBB2_1-.Ltmp0, $4  }
0x2a: {  	s2 =	sadd.s32 s13, s2;
	s5 =	sadd.s32 s12, s8;
	[dreg:$0x1b] =	wrdreg s7  }
0x2b: {  	s0 =	sadd.s32 s10, s8;
	s14 =	sadd.s32 s13, s8;
	[dreg:$0x1c] =	wrdreg s5  }
0x2c: {  	s8 =	simm.s32 $0x4;
	s10 =	simm.s32 $0x0;
	[dreg:$0x1d] =	wrdreg s14  }
0x2d: {  	v35 =	vimm.s32 $0x0;
	s5 =	simm.s32 $0x2;
	s7 =	simm.s32 $0x3;
	_ =	strace $0x80000047  }
.LBB2_7:
0x2e: {  	_ =	swait.ge [sflag:s9], $0x9C0  }
0x2f: {  	[sflag:s9] =	ssyncset.done $0x0  }
0x30: {  	[sflag:s9] =	ssyncadd.s32 $0xFFFFF640  }
0x31: {  	_ =	swait.ge [sflag:s9], $0x9C0  }
0x32: {  	[sflag:s9] =	ssyncset.done $0x0  }
0x33: {  	[sflag:s9] =	ssyncadd.s32 $0xFFFFF640  }
0x34: {  	_ =	swait.ge [sflag:s9], $0x9C0  }
0x35: {  	[sflag:s9] =	ssyncset.done $0x0  }
0x36: {  	[sflag:s9] =	ssyncadd.s32 $0xFFFFF640  }
0x37: {  	_ =	swait.ge [sflag:s9], $0x9C0  }
0x38: {  	[sflag:s9] =	ssyncset.done $0x0  }
0x39: {  	[sflag:s9] =	ssyncadd.s32 $0xFFFFF640  }
0x3a: {  	_ =	swait.ge [sflag:s9], $0x9C0  }
0x3b: {  	[sflag:s9] =	ssyncset.done $0x0  }
0x3c: {  	[sflag:s9] =	ssyncadd.s32 $0xFFFFF640  }
0x3d: {  	_ =	swait.ge [sflag:s9], $0x9C0  }
0x3e: {  	[sflag:s9] =	ssyncset.done $0x0  }
0x3f: {  	[sflag:s9] =	ssyncadd.s32 $0xFFFFF640  }
0x40: {  	_ =	swait.ge [sflag:s9], $0x9C0  }
0x41: {  	[sflag:s9] =	ssyncset.done $0x0  }
0x42: {  	[sflag:s9] =	ssyncadd.s32 $0xFFFFF640  }
0x43: {  	_ =	swait.ge [sflag:s9], $0x9C0  }
0x44: {  	[sflag:s9] =	ssyncset.done $0x0  }
0x45: {  	[sflag:s9] =	ssyncadd.s32 $0xFFFFF640  }
0x46: {  	_ =	swait.ge [sflag:s9], $0x9C0  }
0x47: {  	[sflag:s9] =	ssyncset.done $0x0  }
0x48: {  	[sflag:s9] =	ssyncadd.s32 $0xFFFFF640  }
0x49: {  	_ =	swait.ge [sflag:s9], $0x9C0  }
0x4a: {  	[sflag:s9] =	ssyncset.done $0x0  }
0x4b: {  	[sflag:s9] =	ssyncadd.s32 $0xFFFFF640  }
0x4c: {  	_ =	swait.ge [sflag:s9], $0x9C0  }
0x4d: {  	[sflag:s9] =	ssyncset.done $0x0  }
0x4e: {  	[sflag:s9] =	ssyncadd.s32 $0xFFFFF640  }
0x4f: {  	_ =	swait.ge [sflag:s9], $0x9C0  }
0x50: {  	[sflag:s9] =	ssyncset.done $0x0  }
0x51: {  	[sflag:s9] =	ssyncadd.s32 $0xFFFFF640  }
0x52: {  	_ =	swait.ge [sflag:s9], $0x9C0  }
0x53: {  	[sflag:s9] =	ssyncset.done $0x0  }
0x54: {  	[sflag:s9] =	ssyncadd.s32 $0xFFFFF640  }
0x55: {  	_ =	swait.ge [sflag:s9], $0x9C0  }
0x56: {  	[sflag:s9] =	ssyncset.done $0x0  }
0x57: {  	s11 =	simm.s32 @!p0 $0x5;
	[sflag:s9] =	ssyncadd.s32 $0xFFFFF640  }
0x58: {  	_ =	swait.ge @!p0 [sflag:s11], $0x10  }
0x59: {  	[sflag:s11] =	ssyncset.done @!p0 $0x0  }
0x5a: {  	[sflag:s11] =	ssyncadd.s32 @!p0 $0xFFFFFFF0  }
0x5b: {  	_ =	swait.ge @!p0 [sflag:s11], $0x10  }
0x5c: {  	[sflag:s11] =	ssyncset.done @!p0 $0x0  }
0x5d: {  	[sflag:s11] =	ssyncadd.s32 @!p0 $0xFFFFFFF0  }
0x5e: {  	_ =	swait.ge @!p0 [sflag:s11], $0x10  }
0x5f: {  	[sflag:s11] =	ssyncset.done @!p0 $0x0  }
0x60: {  	[sflag:s11] =	ssyncadd.s32 @!p0 $0xFFFFFFF0  }
0x61: {  	_ =	swait.ge @!p0 [sflag:s11], $0x10  }
0x62: {  	[sflag:s11] =	ssyncset.done @!p0 $0x0  }
0x63: {  	[sflag:s11] =	ssyncadd.s32 @!p0 $0xFFFFFFF0  }
0x64: {  	_ =	swait.ge @!p0 [sflag:s11], $0x10  }
0x65: {  	[sflag:s11] =	ssyncset.done @!p0 $0x0  }
0x66: {  	s10 =	sadd.s32 $0x1, s10;
	[sflag:s11] =	ssyncadd.s32 @!p0 $0xFFFFFFF0  }
0x67: {  	p1 =	sne.s32 s10, s3;
	_ =	swait.ge @!p0 [sflag:s11], $0x10  }
.Ltmp1:
0x68: {  	[sflag:s11] =	ssyncset.done @!p0 $0x0;
	(pc) =	sbr.rel @!p1 .LBB2_8-.Ltmp1, $4  }
0x69: {  	[sflag:s11] =	ssyncadd.s32 @!p0 $0xFFFFFFF0  }
0x6a: {  	_ =	swait.ge @!p0 [sflag:s11], $0x10  }
0x6b: {  	[sflag:s11] =	ssyncset.done @!p0 $0x0  }
0x6c: {  	[sflag:s11] =	ssyncadd.s32 @!p0 $0xFFFFFFF0  }
.LBB2_1:
0x6d: {  	s11 =	rddreg [dreg:$0x1]  }
0x6e: {  	[tilespmem:s24], [sflag:$0x1] =	stream.linear.gather [hbm4b:s11+s24], $0x1000, $0x38;
	[tilespmem:$0x11680] =	vst v63  }
0x6f: {  	s14 =	rddreg [dreg:$0x9];
	s12 =	simm.s32 $0x1280  }
0x70: {  	[tilespmem:s12], [sflag:$0x2] =	stream.linear.gather [hbm4b:s14+s24], $0x9C0, $0x38;
	[tilespmem:$0x11680] =	vst v63  }
0x71: {  	s13 =	rddreg [dreg:$0xa];
	s14 =	simm.s32 $0x2680  }
0x72: {  	[tilespmem:s14], [sflag:$0x2] =	stream.linear.gather [hbm4b:s13+s24], $0x9C0, $0x38;
	[tilespmem:$0x11680] =	vst v63  }
0x73: {  	s13 =	rddreg [dreg:$0xb];
	s14 =	simm.s32 $0x3A80  }
0x74: {  	[tilespmem:s14], [sflag:$0x2] =	stream.linear.gather [hbm4b:s13+s24], $0x9C0, $0x38;
	[tilespmem:$0x11680] =	vst v63  }
0x75: {  	s12 =	rddreg [dreg:$0xc];
	s13 =	simm.s32 $0x4E80  }
0x76: {  	[tilespmem:s13], [sflag:$0x2] =	stream.linear.gather [hbm4b:s12+s24], $0x9C0, $0x38;
	[tilespmem:$0x11680] =	vst v63  }
0x77: {  	s14 =	simm.s32 $0x6280  }
0x78: {  	[tilespmem:s14], [sflag:$0x2] =	stream.linear.gather [hbm4b:s26+s24], $0x9C0, $0x38;
	[tilespmem:$0x11680] =	vst v63  }
0x79: {  	s12 =	simm.s32 $0x7680  }
0x7a: {  	[tilespmem:s12], [sflag:$0x2] =	stream.linear.gather [hbm4b:s30+s24], $0x9C0, $0x38;
	[tilespmem:$0x11680] =	vst v63  }
0x7b: {  	s13 =	rddreg [dreg:$0xd];
	s14 =	simm.s32 $0x1C40  }
0x7c: {  	[tilespmem:s14], [sflag:$0x3] =	stream.linear.gather [hbm4b:s13+s24], $0x9C0, $0x38;
	[tilespmem:$0x11680] =	vst v63  }
0x7d: {  	s13 =	rddreg [dreg:$0xe];
	s14 =	simm.s32 $0x3040  }
0x7e: {  	[tilespmem:s14], [sflag:$0x3] =	stream.linear.gather [hbm4b:s13+s24], $0x9C0, $0x38;
	[tilespmem:$0x11680] =	vst v63  }
0x7f: {  	s13 =	rddreg [dreg:$0xf];
	s14 =	simm.s32 $0x4440  }
0x80: {  	[tilespmem:s14], [sflag:$0x3] =	stream.linear.gather [hbm4b:s13+s24], $0x9C0, $0x38;
	[tilespmem:$0x11680] =	vst v63  }
0x81: {  	s13 =	rddreg [dreg:$0x10];
	s14 =	simm.s32 $0x5840  }
0x82: {  	[tilespmem:s14], [sflag:$0x3] =	stream.linear.gather [hbm4b:s13+s24], $0x9C0, $0x38;
	[tilespmem:$0x11680] =	vst v63  }
0x83: {  	s13 =	simm.s32 $0x6C40  }
0x84: {  	[tilespmem:s13], [sflag:$0x3] =	stream.linear.gather [hbm4b:s28+s24], $0x9C0, $0x38;
	[tilespmem:$0x11680] =	vst v63  }
0x85: {  	s14 =	simm.s32 $0x8040  }
0x86: {  	[tilespmem:s14], [sflag:$0x3] =	stream.linear.gather [hbm4b:s31+s24], $0x9C0, $0x38;
	[tilespmem:$0x11680] =	vst v63  }
0x87: {  	s11 =	simm.s32 @!p0 $0x0;
	s12 =	simm.s32 @!p0 $0x2600;
	s13 =	rddreg [dreg:$0x11]  }
0x88: {  	[tilespmem:s12], [sflag:$0x4] =	stream.linear.gather @!p0 [hbm4b:s13+s11], $0x10, $0x38;
	[tilespmem:$0x11680] =	vst v63  }
0x89: {  	s12 =	simm.s32 @!p0 $0x3A00;
	s13 =	rddreg [dreg:$0x12]  }
0x8a: {  	[tilespmem:s12], [sflag:$0x4] =	stream.linear.gather @!p0 [hbm4b:s13+s11], $0x10, $0x38;
	[tilespmem:$0x11680] =	vst v63  }
0x8b: {  	s12 =	simm.s32 @!p0 $0x4E00;
	s13 =	rddreg [dreg:$0x13]  }
0x8c: {  	[tilespmem:s12], [sflag:$0x4] =	stream.linear.gather @!p0 [hbm4b:s13+s11], $0x10, $0x38;
	[tilespmem:$0x11680] =	vst v63  }
0x8d: {  	s12 =	simm.s32 @!p0 $0x6200;
	s13 =	rddreg [dreg:$0x14]  }
0x8e: {  	[tilespmem:s12], [sflag:$0x4] =	stream.linear.gather @!p0 [hbm4b:s13+s11], $0x10, $0x38;
	[tilespmem:$0x11680] =	vst v63  }
0x8f: {  	s12 =	simm.s32 @!p0 $0x7600  }
0x90: {  	[tilespmem:s12], [sflag:$0x4] =	stream.linear.gather @!p0 [hbm4b:s29+s11], $0x10, $0x38;
	[tilespmem:$0x11680] =	vst v63  }
0x91: {  	s12 =	simm.s32 @!p0 $0x8A00  }
0x92: {  	[tilespmem:s12], [sflag:$0x4] =	stream.linear.gather @!p0 [hbm4b:s0+s11], $0x10, $0x38;
	[tilespmem:$0x11680] =	vst v63  }
0x93: {  	_ =	swait.ge [sflag:s4], $0x1000  }
0x94: {  	[sflag:s4] =	ssyncset.done $0x0  }
0x95: {  	[sflag:s4] =	ssyncadd.s32 $0xFFFFF000  }
0x96: {  	v36 =	vld.idx.msk [tilespmem:v0+s24+$0x0], $0xffff  }
0x97: {  	v37 =	vld.idx.msk [tilespmem:v1+s24+$0x0], $0xffff  }
0x98: {  	v38 =	vld.idx.msk [tilespmem:v2+s24+$0x0], $0xffff  }
0x99: {  	v39 =	vld.idx.msk [tilespmem:v3+s24+$0x0], $0xffff;
	_ =	sdelay $0x3  }
0x9a: {  	v40 =	vsub.f32 v38, v36  }
0x9b: {  	v41 =	vsub.f32 v39, v37  }
0x9c: {  	v40 =	vmax.f32 v40, $1.000000050e-03  }
0x9d: {  	v41 =	vmax.f32 v41, $1.000000050e-03;
	v42 =	vand.u32 $0x7FFFFF, v40  }
0x9e: {  	v43 =	vand.u32 $0x7FFFFF, v41;
	v42 =	vor.u32 $0x3F800000, v42  }
0x9f: {  	v43 =	vor.u32 $0x3F800000, v43;
	v44 =	vmul.f32 $4.392863070e-02, v42  }
0xa0: {  	v45 =	vmul.f32 $4.392863070e-02, v43  }
0xa1: {  	v44 =	vadd.f32 $-4.094755950e-01, v44  }
0xa2: {  	v45 =	vadd.f32 $-4.094755950e-01, v45  }
0xa3: {  	v44 =	vmul.f32 v42, v44  }
0xa4: {  	v45 =	vmul.f32 v43, v45  }
0xa5: {  	v44 =	vadd.f32 $1.610177520e+00, v44  }
0xa6: {  	v45 =	vadd.f32 $1.610177520e+00, v45  }
0xa7: {  	v44 =	vmul.f32 v42, v44  }
0xa8: {  	v45 =	vmul.f32 v43, v45  }
0xa9: {  	v44 =	vadd.f32 $-3.520218850e+00, v44  }
0xaa: {  	v45 =	vadd.f32 $-3.520218850e+00, v45  }
0xab: {  	v44 =	vmul.f32 v42, v44  }
0xac: {  	v45 =	vmul.f32 v43, v45  }
0xad: {  	v44 =	vadd.f32 $5.069756510e+00, v44  }
0xae: {  	v40 =	vshrl.u32 v40, $0x17;
	v45 =	vadd.f32 $5.069756510e+00, v45  }
0xaf: {  	v52 =	vld.idx.msk [tilespmem:v4+s24+$0x0], $0xffff;
	v41 =	vshrl.u32 v41, $0x17;
	v40 =	vand.u32 $0xFF, v40;
	v42 =	vmul.f32 v42, v44  }
0xb0: {  	v41 =	vand.u32 $0xFF, v41;
	v40 =	vadd.s32 $0xFFFFFF81, v40;
	v43 =	vmul.f32 v43, v45  }
0xb1: {  	v41 =	vadd.s32 $0xFFFFFF81, v41;
	v40 =	vcvt.s32.f32 v40;
	v42 =	vadd.f32 $-2.794153690e+00, v42  }
0xb2: {  	v41 =	vcvt.s32.f32 v41;
	v43 =	vadd.f32 $-2.794153690e+00, v43  }
0xb3: {  	v36 =	vadd.f32 v38, v36;
	v51 =	vadd.f32 v40, v42  }
0xb4: {  	v37 =	vadd.f32 v39, v37;
	[tilespmem:$0x11C0] =	vst v52;
	v53 =	vadd.f32 v41, v43  }
0xb5: {  	[tilespmem:$0x1000] =	vst v36;
	v54 =	vmul.f32 $6.931471820e-01, v51  }
0xb6: {  	[tilespmem:$0x1070] =	vst v37;
	v55 =	vmul.f32 $6.931471820e-01, v53  }
0xb7: {  	[tilespmem:$0x10E0] =	vst v54  }
0xb8: {  	[tilespmem:$0x1150] =	vst v55  }
0xb9: {  	v36 =	vld.idx.msk [tilespmem:v5+s24+$0x0], $0xffff  }
0xba: {  	v37 =	vld.idx.msk [tilespmem:v6+s24+$0x0], $0xffff  }
0xbb: {  	v56 =	vld.idx.msk [tilespmem:v7+s24+$0x0], $0xffff  }
0xbc: {  	v57 =	vld.idx.msk [tilespmem:v8+s24+$0x0], $0xffff;
	_ =	sdelay $0x3  }
0xbd: {  	v58 =	vsub.f32 v56, v36  }
0xbe: {  	v59 =	vsub.f32 v57, v37  }
0xbf: {  	v40 =	vmax.f32 v58, $1.000000050e-03  }
0xc0: {  	v41 =	vmax.f32 v59, $1.000000050e-03;
	v60 =	vand.u32 $0x7FFFFF, v40  }
0xc1: {  	v61 =	vand.u32 $0x7FFFFF, v41;
	v42 =	vor.u32 $0x3F800000, v60  }
0xc2: {  	v43 =	vor.u32 $0x3F800000, v61;
	v62 =	vmul.f32 $4.392863070e-02, v42  }
0xc3: {  	v63 =	vmul.f32 $4.392863070e-02, v43  }
0xc4: {  	v44 =	vadd.f32 $-4.094755950e-01, v62  }
0xc5: {  	v45 =	vadd.f32 $-4.094755950e-01, v63  }
0xc6: {  	v44 =	vmul.f32 v42, v44  }
0xc7: {  	v45 =	vmul.f32 v43, v45  }
0xc8: {  	v44 =	vadd.f32 $1.610177520e+00, v44  }
0xc9: {  	v45 =	vadd.f32 $1.610177520e+00, v45  }
0xca: {  	v44 =	vmul.f32 v42, v44  }
0xcb: {  	v45 =	vmul.f32 v43, v45  }
0xcc: {  	v44 =	vadd.f32 $-3.520218850e+00, v44  }
0xcd: {  	v45 =	vadd.f32 $-3.520218850e+00, v45  }
0xce: {  	v44 =	vmul.f32 v42, v44  }
0xcf: {  	v45 =	vmul.f32 v43, v45  }
0xd0: {  	v44 =	vadd.f32 $5.069756510e+00, v44  }
0xd1: {  	v40 =	vshrl.u32 v40, $0x17;
	v45 =	vadd.f32 $5.069756510e+00, v45  }
0xd2: {  	v41 =	vshrl.u32 v41, $0x17;
	v40 =	vand.u32 $0xFF, v40;
	v42 =	vmul.f32 v42, v44  }
0xd3: {  	v41 =	vand.u32 $0xFF, v41;
	v40 =	vadd.s32 $0xFFFFFF81, v40;
	v43 =	vmul.f32 v43, v45  }
0xd4: {  	v41 =	vadd.s32 $0xFFFFFF81, v41;
	v40 =	vcvt.s32.f32 v40;
	v45 =	vld.idx.msk [tilespmem:v9+s24+$0x0], $0xffff;
	v42 =	vadd.f32 $-2.794153690e+00, v42  }
0xd5: {  	v36 =	vadd.f32 v56, v36;
	v41 =	vcvt.s32.f32 v41;
	v43 =	vadd.f32 $-2.794153690e+00, v43  }
0xd6: {  	v37 =	vadd.f32 v57, v37;
	v44 =	vadd.f32 v40, v42  }
0xd7: {  	[tilespmem:$0x1010] =	vst v36;
	v46 =	vadd.f32 v41, v43  }
0xd8: {  	[tilespmem:$0x1080] =	vst v37;
	v47 =	vmul.f32 $6.931471820e-01, v44  }
0xd9: {  	[tilespmem:$0x11D0] =	vst v45;
	v48 =	vmul.f32 $6.931471820e-01, v46  }
0xda: {  	[tilespmem:$0x10F0] =	vst v47  }
0xdb: {  	[tilespmem:$0x1160] =	vst v48  }
0xdc: {  	v36 =	vld.idx.msk [tilespmem:v10+s24+$0x0], $0xffff  }
0xdd: {  	v37 =	vld.idx.msk [tilespmem:v11+s24+$0x0], $0xffff  }
0xde: {  	v49 =	vld.idx.msk [tilespmem:v12+s24+$0x0], $0xffff  }
0xdf: {  	v50 =	vld.idx.msk [tilespmem:v13+s24+$0x0], $0xffff;
	_ =	sdelay $0x3  }
0xe0: {  	v51 =	vsub.f32 v49, v36  }
0xe1: {  	v52 =	vsub.f32 v50, v37  }
0xe2: {  	v40 =	vmax.f32 v51, $1.000000050e-03  }
0xe3: {  	v41 =	vmax.f32 v52, $1.000000050e-03;
	v53 =	vand.u32 $0x7FFFFF, v40  }
0xe4: {  	v54 =	vand.u32 $0x7FFFFF, v41;
	v42 =	vor.u32 $0x3F800000, v53  }
0xe5: {  	v43 =	vor.u32 $0x3F800000, v54;
	v55 =	vmul.f32 $4.392863070e-02, v42  }
0xe6: {  	v56 =	vmul.f32 $4.392863070e-02, v43  }
0xe7: {  	v44 =	vadd.f32 $-4.094755950e-01, v55  }
0xe8: {  	v45 =	vadd.f32 $-4.094755950e-01, v56  }
0xe9: {  	v44 =	vmul.f32 v42, v44  }
0xea: {  	v45 =	vmul.f32 v43, v45  }
0xeb: {  	v44 =	vadd.f32 $1.610177520e+00, v44  }
0xec: {  	v45 =	vadd.f32 $1.610177520e+00, v45  }
0xed: {  	v44 =	vmul.f32 v42, v44  }
0xee: {  	v45 =	vmul.f32 v43, v45  }
0xef: {  	v44 =	vadd.f32 $-3.520218850e+00, v44  }
0xf0: {  	v45 =	vadd.f32 $-3.520218850e+00, v45  }
0xf1: {  	v44 =	vmul.f32 v42, v44  }
0xf2: {  	v45 =	vmul.f32 v43, v45  }
0xf3: {  	v44 =	vadd.f32 $5.069756510e+00, v44  }
0xf4: {  	v40 =	vshrl.u32 v40, $0x17;
	v45 =	vadd.f32 $5.069756510e+00, v45  }
0xf5: {  	v58 =	vld.idx.msk [tilespmem:v14+s24+$0x0], $0xffff;
	v41 =	vshrl.u32 v41, $0x17;
	v40 =	vand.u32 $0xFF, v40;
	v42 =	vmul.f32 v42, v44  }
0xf6: {  	v41 =	vand.u32 $0xFF, v41;
	v40 =	vadd.s32 $0xFFFFFF81, v40;
	v43 =	vmul.f32 v43, v45  }
0xf7: {  	v41 =	vadd.s32 $0xFFFFFF81, v41;
	v40 =	vcvt.s32.f32 v40;
	v42 =	vadd.f32 $-2.794153690e+00, v42  }
0xf8: {  	v41 =	vcvt.s32.f32 v41;
	v43 =	vadd.f32 $-2.794153690e+00, v43  }
0xf9: {  	v36 =	vadd.f32 v49, v36;
	v57 =	vadd.f32 v40, v42  }
0xfa: {  	v37 =	vadd.f32 v50, v37;
	[tilespmem:$0x11E0] =	vst v58;
	v59 =	vadd.f32 v41, v43  }
0xfb: {  	[tilespmem:$0x1020] =	vst v36;
	v60 =	vmul.f32 $6.931471820e-01, v57  }
0xfc: {  	[tilespmem:$0x1090] =	vst v37;
	v61 =	vmul.f32 $6.931471820e-01, v59  }
0xfd: {  	[tilespmem:$0x1100] =	vst v60  }
0xfe: {  	[tilespmem:$0x1170] =	vst v61  }
0xff: {  	v36 =	vld.idx.msk [tilespmem:v15+s24+$0x0], $0xffff  }
0x100: {  	v37 =	vld.idx.msk [tilespmem:v16+s24+$0x0], $0xffff  }
0x101: {  	v62 =	vld.idx.msk [tilespmem:v17+s24+$0x0], $0xffff  }
0x102: {  	v63 =	vld.idx.msk [tilespmem:v18+s24+$0x0], $0xffff;
	_ =	sdelay $0x3  }
0x103: {  	v45 =	vsub.f32 v62, v36  }
0x104: {  	v46 =	vsub.f32 v63, v37  }
0x105: {  	v40 =	vmax.f32 v45, $1.000000050e-03  }
0x106: {  	v41 =	vmax.f32 v46, $1.000000050e-03;
	v47 =	vand.u32 $0x7FFFFF, v40  }
0x107: {  	v48 =	vand.u32 $0x7FFFFF, v41;
	v42 =	vor.u32 $0x3F800000, v47  }
0x108: {  	v43 =	vor.u32 $0x3F800000, v48;
	v49 =	vmul.f32 $4.392863070e-02, v42  }
0x109: {  	v50 =	vmul.f32 $4.392863070e-02, v43  }
0x10a: {  	v44 =	vadd.f32 $-4.094755950e-01, v49  }
0x10b: {  	v45 =	vadd.f32 $-4.094755950e-01, v50  }
0x10c: {  	v44 =	vmul.f32 v42, v44  }
0x10d: {  	v45 =	vmul.f32 v43, v45  }
0x10e: {  	v44 =	vadd.f32 $1.610177520e+00, v44  }
0x10f: {  	v45 =	vadd.f32 $1.610177520e+00, v45  }
0x110: {  	v44 =	vmul.f32 v42, v44  }
0x111: {  	v45 =	vmul.f32 v43, v45  }
0x112: {  	v44 =	vadd.f32 $-3.520218850e+00, v44  }
0x113: {  	v45 =	vadd.f32 $-3.520218850e+00, v45  }
0x114: {  	v44 =	vmul.f32 v42, v44  }
0x115: {  	v45 =	vmul.f32 v43, v45  }
0x116: {  	v44 =	vadd.f32 $5.069756510e+00, v44  }
0x117: {  	v40 =	vshrl.u32 v40, $0x17;
	v45 =	vadd.f32 $5.069756510e+00, v45  }
0x118: {  	v52 =	vld.idx.msk [tilespmem:v19+s24+$0x0], $0xffff;
	v41 =	vshrl.u32 v41, $0x17;
	v40 =	vand.u32 $0xFF, v40;
	v42 =	vmul.f32 v42, v44  }
0x119: {  	v41 =	vand.u32 $0xFF, v41;
	v40 =	vadd.s32 $0xFFFFFF81, v40;
	v43 =	vmul.f32 v43, v45  }
0x11a: {  	v41 =	vadd.s32 $0xFFFFFF81, v41;
	v40 =	vcvt.s32.f32 v40;
	v42 =	vadd.f32 $-2.794153690e+00, v42  }
0x11b: {  	v41 =	vcvt.s32.f32 v41;
	v43 =	vadd.f32 $-2.794153690e+00, v43  }
0x11c: {  	v36 =	vadd.f32 v62, v36;
	v51 =	vadd.f32 v40, v42  }
0x11d: {  	v37 =	vadd.f32 v63, v37;
	[tilespmem:$0x11F0] =	vst v52;
	v53 =	vadd.f32 v41, v43  }
0x11e: {  	[tilespmem:$0x1030] =	vst v36;
	v54 =	vmul.f32 $6.931471820e-01, v51  }
0x11f: {  	[tilespmem:$0x10A0] =	vst v37;
	v55 =	vmul.f32 $6.931471820e-01, v53  }
0x120: {  	[tilespmem:$0x1110] =	vst v54  }
0x121: {  	[tilespmem:$0x1180] =	vst v55  }
0x122: {  	v36 =	vld.idx.msk [tilespmem:v20+s24+$0x0], $0xffff  }
0x123: {  	v37 =	vld.idx.msk [tilespmem:v21+s24+$0x0], $0xffff  }
0x124: {  	v56 =	vld.idx.msk [tilespmem:v22+s24+$0x0], $0xffff  }
0x125: {  	v57 =	vld.idx.msk [tilespmem:v23+s24+$0x0], $0xffff;
	_ =	sdelay $0x3  }
0x126: {  	v58 =	vsub.f32 v56, v36  }
0x127: {  	v59 =	vsub.f32 v57, v37  }
0x128: {  	v40 =	vmax.f32 v58, $1.000000050e-03  }
0x129: {  	v41 =	vmax.f32 v59, $1.000000050e-03;
	v60 =	vand.u32 $0x7FFFFF, v40  }
0x12a: {  	v61 =	vand.u32 $0x7FFFFF, v41;
	v42 =	vor.u32 $0x3F800000, v60  }
0x12b: {  	v43 =	vor.u32 $0x3F800000, v61;
	v62 =	vmul.f32 $4.392863070e-02, v42  }
0x12c: {  	v63 =	vmul.f32 $4.392863070e-02, v43  }
0x12d: {  	v44 =	vadd.f32 $-4.094755950e-01, v62  }
0x12e: {  	v45 =	vadd.f32 $-4.094755950e-01, v63  }
0x12f: {  	v44 =	vmul.f32 v42, v44  }
0x130: {  	v45 =	vmul.f32 v43, v45  }
0x131: {  	v44 =	vadd.f32 $1.610177520e+00, v44  }
0x132: {  	v45 =	vadd.f32 $1.610177520e+00, v45  }
0x133: {  	v44 =	vmul.f32 v42, v44  }
0x134: {  	v45 =	vmul.f32 v43, v45  }
0x135: {  	v44 =	vadd.f32 $-3.520218850e+00, v44  }
0x136: {  	v45 =	vadd.f32 $-3.520218850e+00, v45  }
0x137: {  	v44 =	vmul.f32 v42, v44  }
0x138: {  	v45 =	vmul.f32 v43, v45  }
0x139: {  	v44 =	vadd.f32 $5.069756510e+00, v44  }
0x13a: {  	v40 =	vshrl.u32 v40, $0x17;
	v45 =	vadd.f32 $5.069756510e+00, v45  }
0x13b: {  	v46 =	vld.idx.msk [tilespmem:v24+s24+$0x0], $0xffff;
	v41 =	vshrl.u32 v41, $0x17;
	v40 =	vand.u32 $0xFF, v40;
	v42 =	vmul.f32 v42, v44  }
0x13c: {  	v41 =	vand.u32 $0xFF, v41;
	v40 =	vadd.s32 $0xFFFFFF81, v40;
	v43 =	vmul.f32 v43, v45  }
0x13d: {  	v41 =	vadd.s32 $0xFFFFFF81, v41;
	v40 =	vcvt.s32.f32 v40;
	v42 =	vadd.f32 $-2.794153690e+00, v42  }
0x13e: {  	v41 =	vcvt.s32.f32 v41;
	v43 =	vadd.f32 $-2.794153690e+00, v43  }
0x13f: {  	v36 =	vadd.f32 v56, v36;
	v45 =	vadd.f32 v40, v42  }
0x140: {  	v37 =	vadd.f32 v57, v37;
	[tilespmem:$0x1200] =	vst v46;
	v47 =	vadd.f32 v41, v43  }
0x141: {  	[tilespmem:$0x1040] =	vst v36;
	v48 =	vmul.f32 $6.931471820e-01, v45  }
0x142: {  	[tilespmem:$0x10B0] =	vst v37;
	v49 =	vmul.f32 $6.931471820e-01, v47  }
0x143: {  	[tilespmem:$0x1120] =	vst v48  }
0x144: {  	[tilespmem:$0x1190] =	vst v49  }
0x145: {  	v36 =	vld.idx.msk [tilespmem:v25+s24+$0x0], $0xffff  }
0x146: {  	v37 =	vld.idx.msk [tilespmem:v26+s24+$0x0], $0xffff  }
0x147: {  	v50 =	vld.idx.msk [tilespmem:v27+s24+$0x0], $0xffff  }
0x148: {  	v51 =	vld.idx.msk [tilespmem:v28+s24+$0x0], $0xffff;
	_ =	sdelay $0x3  }
0x149: {  	v52 =	vsub.f32 v50, v36  }
0x14a: {  	v53 =	vsub.f32 v51, v37  }
0x14b: {  	v40 =	vmax.f32 v52, $1.000000050e-03  }
0x14c: {  	v41 =	vmax.f32 v53, $1.000000050e-03;
	v54 =	vand.u32 $0x7FFFFF, v40  }
0x14d: {  	v55 =	vand.u32 $0x7FFFFF, v41;
	v42 =	vor.u32 $0x3F800000, v54  }
0x14e: {  	v43 =	vor.u32 $0x3F800000, v55;
	v56 =	vmul.f32 $4.392863070e-02, v42  }
0x14f: {  	v57 =	vmul.f32 $4.392863070e-02, v43  }
0x150: {  	v44 =	vadd.f32 $-4.094755950e-01, v56  }
0x151: {  	v45 =	vadd.f32 $-4.094755950e-01, v57  }
0x152: {  	v44 =	vmul.f32 v42, v44  }
0x153: {  	v45 =	vmul.f32 v43, v45  }
0x154: {  	v44 =	vadd.f32 $1.610177520e+00, v44  }
0x155: {  	v45 =	vadd.f32 $1.610177520e+00, v45  }
0x156: {  	v44 =	vmul.f32 v42, v44  }
0x157: {  	v45 =	vmul.f32 v43, v45  }
0x158: {  	v44 =	vadd.f32 $-3.520218850e+00, v44  }
0x159: {  	v45 =	vadd.f32 $-3.520218850e+00, v45  }
0x15a: {  	v44 =	vmul.f32 v42, v44  }
0x15b: {  	v45 =	vmul.f32 v43, v45  }
0x15c: {  	v44 =	vadd.f32 $5.069756510e+00, v44  }
0x15d: {  	v40 =	vshrl.u32 v40, $0x17;
	v45 =	vadd.f32 $5.069756510e+00, v45  }
0x15e: {  	v59 =	vld.idx.msk [tilespmem:v29+s24+$0x0], $0xffff;
	v41 =	vshrl.u32 v41, $0x17;
	v40 =	vand.u32 $0xFF, v40;
	v42 =	vmul.f32 v42, v44  }
0x15f: {  	v41 =	vand.u32 $0xFF, v41;
	v40 =	vadd.s32 $0xFFFFFF81, v40;
	v43 =	vmul.f32 v43, v45  }
0x160: {  	v41 =	vadd.s32 $0xFFFFFF81, v41;
	v40 =	vcvt.s32.f32 v40;
	v42 =	vadd.f32 $-2.794153690e+00, v42  }
0x161: {  	v41 =	vcvt.s32.f32 v41;
	v43 =	vadd.f32 $-2.794153690e+00, v43  }
0x162: {  	v36 =	vadd.f32 v50, v36;
	v58 =	vadd.f32 v40, v42  }
0x163: {  	v37 =	vadd.f32 v51, v37;
	[tilespmem:$0x1210] =	vst v59;
	v60 =	vadd.f32 v41, v43  }
0x164: {  	[tilespmem:$0x1050] =	vst v36;
	v61 =	vmul.f32 $6.931471820e-01, v58  }
0x165: {  	[tilespmem:$0x10C0] =	vst v37;
	v62 =	vmul.f32 $6.931471820e-01, v60  }
0x166: {  	[tilespmem:$0x1130] =	vst v61  }
0x167: {  	[tilespmem:$0x11A0] =	vst v62  }
0x168: {  	v36 =	vld.idx.msk [tilespmem:v30+s24+$0x0], $0xffff  }
0x169: {  	v37 =	vld.idx.msk [tilespmem:v31+s24+$0x0], $0xffff  }
0x16a: {  	v63 =	vld.idx.msk [tilespmem:v32+s24+$0x0], $0xffff  }
0x16b: {  	v48 =	vld.idx.msk [tilespmem:v33+s24+$0x0], $0xffff;
	_ =	sdelay $0x3  }
0x16c: {  	v49 =	vsub.f32 v63, v36  }
0x16d: {  	v50 =	vsub.f32 v48, v37  }
0x16e: {  	v40 =	vmax.f32 v49, $1.000000050e-03  }
0x16f: {  	v41 =	vmax.f32 v50, $1.000000050e-03;
	v51 =	vand.u32 $0x7FFFFF, v40  }
0x170: {  	v52 =	vand.u32 $0x7FFFFF, v41;
	v42 =	vor.u32 $0x3F800000, v51  }
0x171: {  	v43 =	vor.u32 $0x3F800000, v52;
	v53 =	vmul.f32 $4.392863070e-02, v42  }
0x172: {  	v54 =	vmul.f32 $4.392863070e-02, v43  }
0x173: {  	v44 =	vadd.f32 $-4.094755950e-01, v53  }
0x174: {  	v45 =	vadd.f32 $-4.094755950e-01, v54  }
0x175: {  	v44 =	vmul.f32 v42, v44  }
0x176: {  	v45 =	vmul.f32 v43, v45  }
0x177: {  	v44 =	vadd.f32 $1.610177520e+00, v44  }
0x178: {  	v45 =	vadd.f32 $1.610177520e+00, v45  }
0x179: {  	v44 =	vmul.f32 v42, v44  }
0x17a: {  	v45 =	vmul.f32 v43, v45  }
0x17b: {  	v44 =	vadd.f32 $-3.520218850e+00, v44  }
0x17c: {  	v45 =	vadd.f32 $-3.520218850e+00, v45  }
0x17d: {  	v44 =	vmul.f32 v42, v44  }
0x17e: {  	v45 =	vmul.f32 v43, v45  }
0x17f: {  	v44 =	vadd.f32 $5.069756510e+00, v44  }
0x180: {  	v40 =	vshrl.u32 v40, $0x17;
	v45 =	vadd.f32 $5.069756510e+00, v45  }
0x181: {  	v56 =	vld.idx.msk [tilespmem:v34+s24+$0x0], $0xffff;
	v41 =	vshrl.u32 v41, $0x17;
	v40 =	vand.u32 $0xFF, v40;
	v42 =	vmul.f32 v42, v44  }
0x182: {  	v41 =	vand.u32 $0xFF, v41;
	v40 =	vadd.s32 $0xFFFFFF81, v40;
	v43 =	vmul.f32 v43, v45  }
0x183: {  	v41 =	vadd.s32 $0xFFFFFF81, v41;
	v40 =	vcvt.s32.f32 v40;
	v42 =	vadd.f32 $-2.794153690e+00, v42  }
0x184: {  	v41 =	vcvt.s32.f32 v41;
	v43 =	vadd.f32 $-2.794153690e+00, v43  }
0x185: {  	v36 =	vadd.f32 v63, v36;
	v55 =	vadd.f32 v40, v42  }
0x186: {  	v37 =	vadd.f32 v48, v37;
	[tilespmem:$0x1220] =	vst v56;
	v57 =	vadd.f32 v41, v43  }
0x187: {  	[tilespmem:$0x1060] =	vst v36;
	v58 =	vmul.f32 $6.931471820e-01, v55  }
0x188: {  	[tilespmem:$0x10D0] =	vst v37;
	v59 =	vmul.f32 $6.931471820e-01, v57  }
0x189: {  	[tilespmem:$0x1140] =	vst v58  }
0x18a: {  	[tilespmem:$0x11B0] =	vst v59  }
0x18b: {  	_ =	swait.ge [sflag:s5], $0x9C0  }
0x18c: {  	[sflag:s5] =	ssyncset.done $0x0  }
0x18d: {  	[sflag:s5] =	ssyncadd.s32 $0xFFFFF640  }
0x18e: {  	_ =	swait.ge [sflag:s5], $0x9C0  }
0x18f: {  	[sflag:s5] =	ssyncset.done $0x0  }
0x190: {  	[sflag:s5] =	ssyncadd.s32 $0xFFFFF640  }
0x191: {  	_ =	swait.ge [sflag:s5], $0x9C0  }
0x192: {  	[sflag:s5] =	ssyncset.done $0x0  }
0x193: {  	[sflag:s5] =	ssyncadd.s32 $0xFFFFF640  }
0x194: {  	_ =	swait.ge [sflag:s5], $0x9C0  }
0x195: {  	[sflag:s5] =	ssyncset.done $0x0  }
0x196: {  	[sflag:s5] =	ssyncadd.s32 $0xFFFFF640  }
0x197: {  	_ =	swait.ge [sflag:s5], $0x9C0  }
0x198: {  	[sflag:s5] =	ssyncset.done $0x0  }
0x199: {  	[sflag:s5] =	ssyncadd.s32 $0xFFFFF640  }
0x19a: {  	_ =	swait.ge [sflag:s5], $0x9C0  }
0x19b: {  	[sflag:s5] =	ssyncset.done $0x0  }
0x19c: {  	s12 =	simm.s32 $0x0;
	[sflag:s5] =	ssyncadd.s32 $0xFFFFF640  }
0x19d: {  	v39 =	vld [tilespmem:s12+$0x2680]  }
0x19e: {  	v42 =	vld [tilespmem:s12+$0x4E80];
	_ =	sdelay $0x1  }
0x19f: {  	v46 =	vld [tilespmem:s12+$0x1280]  }
0x1a0: {  	v47 =	vld [tilespmem:s12+$0x3A80];
	_ =	sdelay $0x1  }
0x1a1: {  	v60 =	vsub.f32 v42, v39;
	_ =	sdelay $0x1  }
0x1a2: {  	v45 =	vmax.f32 v60, $1.000000050e-03  }
0x1a3: {  	v62 =	vsub.f32 v47, v46;
	v36 =	vand.u32 $0x7FFFFF, v45  }
0x1a4: {  	v61 =	vor.u32 $0x3F800000, v36  }
0x1a5: {  	v63 =	vmax.f32 v62, $1.000000050e-03;
	v36 =	vmul.f32 $4.392863070e-02, v61  }
0x1a6: {  	v37 =	vand.u32 $0x7FFFFF, v63  }
0x1a7: {  	v48 =	vor.u32 $0x3F800000, v37;
	v36 =	vadd.f32 $-4.094755950e-01, v36  }
0x1a8: {  	v37 =	vmul.f32 $4.392863070e-02, v48  }
0x1a9: {  	v36 =	vmul.f32 v61, v36  }
0x1aa: {  	v37 =	vadd.f32 $-4.094755950e-01, v37  }
0x1ab: {  	v36 =	vadd.f32 $1.610177520e+00, v36  }
0x1ac: {  	v49 =	vld [tilespmem:s12+$0x7680];
	v58 =	vmul.f32 v48, v37  }
0x1ad: {  	s11 =	simm.s32 $0x10;
	v57 =	vmul.f32 v61, v36  }
0x1ae: {  	v37 =	vld [tilespmem:s11+$0x4E80];
	v40 =	vadd.f32 $1.610177520e+00, v58  }
0x1af: {  	v36 =	vld [tilespmem:s11+$0x2680];
	v38 =	vadd.f32 $-3.520218850e+00, v57  }
0x1b0: {  	v59 =	vmul.f32 v48, v40  }
0x1b1: {  	v51 =	vadd.s32 $0x150, v49;
	v38 =	vmul.f32 v61, v38  }
0x1b2: {  	v55 =	vadd.s32 $0x70, v49;
	v56 =	vadd.s32 $0x1C0, v49;
	v44 =	vadd.f32 $-3.520218850e+00, v59  }
0x1b3: {  	v60 =	vadd.s32 $0xE0, v49;
	v53 =	vshrl.u32 v45, $0x17;
	v50 =	vadd.f32 $5.069756510e+00, v38  }
0x1b4: {  	v53 =	vand.u32 $0xFF, v53;
	v40 =	vld [tilespmem:s11+$0x3A80];
	v54 =	vmul.f32 v48, v44;
	v52 =	vsub.f32 v37, v36  }
0x1b5: {  	(erf) = vrcp.f32 v63;
	v53 =	vadd.s32 $0xFFFFFF81, v53;
	v38 =	vld [tilespmem:s11+$0x1280];
	v50 =	vmul.f32 v61, v50  }
0x1b6: {  	v53 =	vcvt.s32.f32 v53;
	v54 =	vadd.f32 $5.069756510e+00, v54;
	v41 =	vmax.f32 v52, $1.000000050e-03  }
0x1b7: {  	v57 =	vshrl.u32 v63, $0x17;
	v61 =	vand.u32 $0x7FFFFF, v41;
	v50 =	vadd.f32 $-2.794153690e+00, v50  }
0x1b8: {  	v51 =	vld.idx.msk [tilespmem:v51+s6+$0x0], $0xffff;
	v57 =	vand.u32 $0xFF, v57;
	v48 =	vmul.f32 v48, v54;
	v44 =	vor.u32 $0x3F800000, v61  }
0x1b9: {  	v49 =	vld.idx.msk [tilespmem:v49+s6+$0x0], $0xffff;
	v57 =	vadd.s32 $0xFFFFFF81, v57;
	v58 =	vmul.f32 $4.392863070e-02, v44;
	v50 =	vadd.f32 v53, v50  }
0x1ba: {  	v57 =	vcvt.s32.f32 v57;
	v52 =	vld.idx.msk [tilespmem:v60+s6+$0x0], $0xffff;
	v48 =	vadd.f32 $-2.794153690e+00, v48;
	v62 =	vsub.f32 v40, v38  }
0x1bb: {  	v46 =	vadd.f32 v47, v46;
	v54 =	vld [tilespmem:s12+$0x6280];
	v58 =	vadd.f32 $-4.094755950e-01, v58;
	v50 =	vmul.f32 $6.931471820e-01, v50  }
0x1bc: {  	(erf) = vrcp.f32 v45;
	v60 =	vld.idx.msk [tilespmem:v56+s6+$0x0], $0xffff;
	v48 =	vadd.f32 v57, v48;
	v43 =	vmax.f32 v62, $1.000000050e-03  }
0x1bd: {  	v63 =	vand.u32 $0x7FFFFF, v43;
	v59 =	vmul.f32 v44, v58;
	v50 =	vsub.f32 v51, v50;
	v51 =	vld.idx.msk [tilespmem:v55+s6+$0x0], $0xffff  }
0x1be: {  	v49 =	vsub.f32 v49, v46;
	v45 =	vor.u32 $0x3F800000, v63  }
0x1bf: {  	v48 =	vmul.f32 $6.931471820e-01, v48;
	v61 =	vmul.f32 $4.392863070e-02, v45;
	v53 =	vadd.f32 $1.610177520e+00, v59  }
0x1c0: {  	v39 =	vadd.f32 v42, v39;
	v49 =	vmul.f32 $5.000000000e-01, v49;
	vm2 =	veq.s32 v54, $0x0  }
0x1c1: {  	v48 =	vsub.f32 v52, v48;
	[tilespmem:s12+$0xEE80] =	vst v50;
	v62 =	vadd.f32 $-4.094755950e-01, v61;
	v63 =	vmul.f32 v44, v53  }
0x1c2: {  	s13 =	simm.s32 $0x20;
	vm1 =	vgt.s32 v54, $0x0;
	v47 =	vsel vm2, $0x0, v60;
	v59 =	vpop (erf);
	v46 =	vld [tilespmem:s11+$0x7680];
	v56 =	vsub.f32 v51, v39  }
0x1c3: {  	vm2 =	vgt.f32 v47, $0.0e+00;
	v60 =	vmul.f32 v59, v49;
	v57 =	vmul.f32 v45, v62;
	v39 =	vld [tilespmem:s13+$0x2680];
	[tilespmem:s12+$0xDA80] =	vst v48  }
0x1c4: {  	v58 =	vadd.f32 $-3.520218850e+00, v63;
	v62 =	vand.u32 $0x7FFFFFFF, v47;
	v42 =	vld [tilespmem:s13+$0x4E80];
	v61 =	vmul.f32 $5.000000000e-01, v56  }
0x1c5: {  	vm0 =	vlt.s32 v54, $0x0;
	vm1 =	vmand vm1, vm2;
	v49 =	vsub.f32 $0.0e+00, v62;
	v63 =	vpop (erf)  }
0x1c6: {  	s14 =	simm.s32 $0xC0;
	v48 =	vadd.f32 $1.610177520e+00, v57;
	v50 =	vmul.f32 v44, v58;
	[tilespmem:s12+$0xB280] =	vst v60;
	v51 =	vmul.f32 v63, v61  }
.LBB2_2:
0x1c7: {  	p1 =	sne.s32 s14, $0x26C0;
	v52 =	vadd.s32 $0x150, v46;
	v53 =	vsel vm1, $0x1, v35;
	v47 =	vsel vm0, v49, v47  }
0x1c8: {  	v48 =	vmul.f32 v45, v48;
	v49 =	vadd.f32 $5.069756510e+00, v50;
	[tilespmem:s12+$0xC680] =	vst v51;
	vm0 =	vge.f32 v47, $0.0e+00  }
0x1c9: {  	v54 =	vshrl.u32 v41, $0x17;
	v50 =	vld [tilespmem:s13+$0x1280];
	v51 =	vsub.f32 v42, v39;
	[tilespmem:s12+$0x8A80] =	vst v47;
	v47 =	vsel vm0, $0x1, v35  }
0x1ca: {  	v54 =	vand.u32 $0xFF, v54;
	v48 =	vadd.f32 $-3.520218850e+00, v48;
	v55 =	vld [tilespmem:s13+$0x3A80];
	v44 =	vmul.f32 v44, v49;
	[tilespmem:s12+$0x9E80] =	vst v47  }
0x1cb: {  	v49 =	vadd.s32 $0xE0, v46;
	v47 =	vmax.f32 v51, $1.000000050e-03;
	v51 =	vadd.s32 $0xFFFFFF81, v54;
	[tilespmem:s12+$0x10280] =	vst v53;
	s12 =	smov.u32 s11;
	s11 =	smov.u32 s13  }
0x1cc: {  	v48 =	vmul.f32 v45, v48;
	v52 =	vld.idx.msk [tilespmem:v52+s6+$0x0], $0xffff;
	v53 =	vadd.f32 $-2.794153690e+00, v44;
	v51 =	vcvt.s32.f32 v51  }
0x1cd: {  	v56 =	vadd.s32 $0x1C0, v46;
	v54 =	vadd.s32 $0x70, v46;
	v44 =	vand.u32 $0x7FFFFF, v47  }
0x1ce: {  	v44 =	vor.u32 $0x3F800000, v44;
	v48 =	vadd.f32 $5.069756510e+00, v48;
	v51 =	vadd.f32 v51, v53  }
0x1cf: {  	v58 =	vshrl.u32 v43, $0x17;
	v57 =	vmul.f32 $4.392863070e-02, v44;
	v53 =	vsub.f32 v55, v50  }
0x1d0: {  	v58 =	vand.u32 $0xFF, v58;
	v45 =	vmul.f32 v45, v48;
	v48 =	vmul.f32 $6.931471820e-01, v51;
	v51 =	vld [tilespmem:s12+$0x6280]  }
0x1d1: {  	v58 =	vadd.s32 $0xFFFFFF81, v58;
	v57 =	vadd.f32 $-4.094755950e-01, v57;
	v46 =	vld.idx.msk [tilespmem:v46+s6+$0x0], $0xffff;
	(erf) = vrcp.f32 v43  }
0x1d2: {  	v58 =	vcvt.s32.f32 v58;
	v45 =	vadd.f32 $-2.794153690e+00, v45;
	v49 =	vld.idx.msk [tilespmem:v49+s6+$0x0], $0xffff;
	v48 =	vsub.f32 v52, v48  }
0x1d3: {  	v43 =	vmax.f32 v53, $1.000000050e-03;
	v52 =	vld.idx.msk [tilespmem:v54+s6+$0x0], $0xffff;
	(erf) = vrcp.f32 v41;
	v41 =	vmov v47  }
0x1d4: {  	v53 =	vmul.f32 v44, v57;
	v47 =	vand.u32 $0x7FFFFF, v43;
	v54 =	vld.idx.msk [tilespmem:v56+s6+$0x0], $0xffff;
	v56 =	vadd.f32 v58, v45;
	[tilespmem:s12+$0xEE80] =	vst v48  }
0x1d5: {  	v45 =	vor.u32 $0x3F800000, v47;
	v47 =	vadd.f32 v40, v38;
	v38 =	vmovc v50;
	v40 =	vmovc v55;
	vm1 =	vgt.s32 v51, $0x0  }
0x1d6: {  	v50 =	vadd.f32 $1.610177520e+00, v53;
	v48 =	vmul.f32 $4.392863070e-02, v45;
	v53 =	vmul.f32 $6.931471820e-01, v56  }
0x1d7: {  	v55 =	vadd.f32 v37, v36;
	v36 =	vmovc v39;
	v37 =	vmovc v42;
	vm0 =	vlt.s32 v51, $0x0;
	v47 =	vsub.f32 v46, v47  }
0x1d8: {  	v56 =	vmul.f32 v44, v50;
	v42 =	vadd.f32 $-4.094755950e-01, v48;
	v49 =	vsub.f32 v49, v53  }
.Ltmp2:
0x1d9: {  	s13 =	sshra.s32 s14, $0x2;
	vm2 =	veq.s32 v51, $0x0;
	v50 =	vmul.f32 $5.000000000e-01, v47;
	v52 =	vsub.f32 v52, v55;
	v46 =	vld [tilespmem:s11+$0x7680];
	(pc) =	sbr.rel @p1 .LBB2_2-.Ltmp2, $4  }
0x1da: {  	v53 =	vadd.f32 $-3.520218850e+00, v56;
	v55 =	vmul.f32 v45, v42;
	v47 =	vsel vm2, $0x0, v54;
	v39 =	vld [tilespmem:s13+$0x2680];
	[tilespmem:s12+$0xDA80] =	vst v49;
	v48 =	vpop (erf)  }
0x1db: {  	v52 =	vmul.f32 $5.000000000e-01, v52;
	v49 =	vand.u32 $0x7FFFFFFF, v47;
	v42 =	vld [tilespmem:s13+$0x4E80];
	v54 =	vmul.f32 v48, v50  }
0x1dc: {  	vm2 =	vgt.f32 v47, $0.0e+00;
	v48 =	vadd.f32 $1.610177520e+00, v55;
	v49 =	vsub.f32 $0.0e+00, v49;
	v51 =	vpop (erf)  }
0x1dd: {  	s14 =	sadd.s32 $0x40, s14;
	v50 =	vmul.f32 v44, v53;
	vm1 =	vmand vm1, vm2;
	[tilespmem:s12+$0xB280] =	vst v54;
	v51 =	vmul.f32 v51, v52  }
0x1de: {  	v52 =	vadd.s32 $0x150, v46;
	v53 =	vsel vm1, $0x1, v35  }
0x1df: {  	v47 =	vsel vm0, v49, v47;
	v48 =	vmul.f32 v45, v48;
	v54 =	vshrl.u32 v41, $0x17  }
0x1e0: {  	v55 =	vadd.s32 $0xE0, v46;
	v57 =	vadd.s32 $0x70, v46;
	v63 =	vshrl.u32 v43, $0x17  }
0x1e1: {  	(erf) = vrcp.f32 v43;
	v59 =	vadd.f32 $5.069756510e+00, v50;
	[tilespmem:s12+$0xC680] =	vst v51;
	vm0 =	vge.f32 v47, $0.0e+00  }
0x1e2: {  	v54 =	vand.u32 $0xFF, v54;
	v50 =	vld [tilespmem:s13+$0x1280];
	v60 =	vsub.f32 v42, v39;
	[tilespmem:s12+$0x8A80] =	vst v47;
	v61 =	vsel vm0, $0x1, v35  }
0x1e3: {  	v48 =	vadd.f32 $-3.520218850e+00, v48;
	v54 =	vadd.s32 $0xFFFFFF81, v54;
	v44 =	vmul.f32 v44, v59;
	v49 =	vld [tilespmem:s13+$0x3A80];
	[tilespmem:s12+$0x9E80] =	vst v61  }
0x1e4: {  	v38 =	vadd.f32 v40, v38;
	v36 =	vadd.f32 v37, v36;
	v54 =	vcvt.s32.f32 v54;
	[tilespmem:s12+$0x10280] =	vst v53  }
0x1e5: {  	v51 =	vmax.f32 v60, $1.000000050e-03;
	v48 =	vmul.f32 v45, v48;
	v60 =	vld.idx.msk [tilespmem:v46+s6+$0x0], $0xffff;
	v44 =	vadd.f32 $-2.794153690e+00, v44  }
0x1e6: {  	(erf) = vrcp.f32 v41;
	v47 =	vadd.s32 $0x1C0, v46;
	v56 =	vand.u32 $0x7FFFFF, v51;
	v57 =	vld.idx.msk [tilespmem:v57+s6+$0x0], $0xffff  }
0x1e7: {  	v52 =	vld.idx.msk [tilespmem:v52+s6+$0x0], $0xffff;
	v56 =	vor.u32 $0x3F800000, v56;
	v48 =	vadd.f32 $5.069756510e+00, v48;
	v44 =	vadd.f32 v54, v44  }
0x1e8: {  	v62 =	vmul.f32 $4.392863070e-02, v56;
	v54 =	vand.u32 $0xFF, v63;
	v58 =	vsub.f32 v49, v50  }
0x1e9: {  	v59 =	vmul.f32 v45, v48;
	v48 =	vld [tilespmem:s11+$0x6280];
	v54 =	vadd.s32 $0xFFFFFF81, v54;
	v44 =	vmul.f32 $6.931471820e-01, v44  }
0x1ea: {  	v53 =	vadd.f32 $-4.094755950e-01, v62;
	v54 =	vcvt.s32.f32 v54;
	v38 =	vsub.f32 v60, v38  }
0x1eb: {  	v47 =	vld.idx.msk [tilespmem:v47+s6+$0x0], $0xffff;
	v61 =	vadd.f32 $-2.794153690e+00, v59;
	v45 =	vmax.f32 v58, $1.000000050e-03;
	v36 =	vsub.f32 v57, v36  }
0x1ec: {  	v62 =	vand.u32 $0x7FFFFF, v45;
	v53 =	vmul.f32 v56, v53;
	v44 =	vsub.f32 v52, v44  }
0x1ed: {  	v55 =	vld.idx.msk [tilespmem:v55+s6+$0x0], $0xffff;
	v38 =	vmul.f32 $5.000000000e-01, v38;
	v41 =	vor.u32 $0x3F800000, v62;
	v43 =	vadd.f32 v54, v61  }
0x1ee: {  	v59 =	vpop (erf);
	v36 =	vmul.f32 $5.000000000e-01, v36;
	v63 =	vmul.f32 $4.392863070e-02, v41;
	vm0 =	vgt.s32 v48, $0x0  }
0x1ef: {  	v53 =	vadd.f32 $1.610177520e+00, v53;
	[tilespmem:s11+$0xEE80] =	vst v44;
	vm2 =	veq.s32 v48, $0x0;
	v38 =	vmul.f32 v59, v38  }
0x1f0: {  	v43 =	vmul.f32 $6.931471820e-01, v43;
	v44 =	vld [tilespmem:s13+$0x7680];
	v58 =	vsel vm2, $0x0, v47;
	v62 =	vpop (erf);
	v54 =	vadd.f32 $-4.094755950e-01, v63  }
0x1f1: {  	v40 =	vmul.f32 v56, v53;
	v60 =	vand.u32 $0x7FFFFFFF, v58;
	v36 =	vmul.f32 v62, v36  }
0x1f2: {  	vm2 =	vgt.f32 v58, $0.0e+00;
	[tilespmem:s11+$0xB280] =	vst v38;
	v43 =	vsub.f32 v55, v43;
	v61 =	vsub.f32 $0.0e+00, v60  }
0x1f3: {  	vm1 =	vlt.s32 v48, $0x0;
	vm0 =	vmand vm0, vm2;
	v37 =	vmul.f32 v41, v54;
	[tilespmem:s11+$0xC680] =	vst v36  }
0x1f4: {  	v40 =	vadd.f32 $-3.520218850e+00, v40;
	v53 =	vsel vm0, $0x1, v35;
	[tilespmem:s11+$0xDA80] =	vst v43;
	v48 =	vsel vm1, v61, v58  }
0x1f5: {  	[tilespmem:s11+$0x10280] =	vst v53;
	v37 =	vadd.f32 $1.610177520e+00, v37;
	v63 =	vadd.s32 $0x150, v44;
	vm1 =	vge.f32 v48, $0.0e+00  }
0x1f6: {  	v40 =	vmul.f32 v56, v40;
	[tilespmem:s11+$0x8A80] =	vst v48;
	v57 =	vadd.s32 $0x1C0, v44;
	v54 =	vsel vm1, $0x1, v35  }
0x1f7: {  	v43 =	vadd.s32 $0x70, v44;
	v37 =	vmul.f32 v41, v37;
	[tilespmem:s11+$0x9E80] =	vst v54  }
0x1f8: {  	v40 =	vadd.f32 $5.069756510e+00, v40;
	v60 =	vld [tilespmem:s13+$0x6280]  }
0x1f9: {  	v49 =	vadd.f32 v49, v50;
	v55 =	vshrl.u32 v51, $0x17;
	v62 =	vld.idx.msk [tilespmem:v44+s6+$0x0], $0xffff;
	v52 =	vadd.f32 $-3.520218850e+00, v37  }
0x1fa: {  	(erf) = vrcp.f32 v45;
	v46 =	vand.u32 $0xFF, v55;
	v40 =	vmul.f32 v56, v40;
	v38 =	vld.idx.msk [tilespmem:v63+s6+$0x0], $0xffff  }
0x1fb: {  	(erf) = vrcp.f32 v51;
	v46 =	vadd.s32 $0xFFFFFF81, v46;
	v37 =	vld.idx.msk [tilespmem:v57+s6+$0x0], $0xffff;
	v36 =	vmul.f32 v41, v52  }
0x1fc: {  	v59 =	vshrl.u32 v45, $0x17;
	v63 =	vcvt.s32.f32 v46;
	v43 =	vld.idx.msk [tilespmem:v43+s6+$0x0], $0xffff;
	v40 =	vadd.f32 $-2.794153690e+00, v40  }
0x1fd: {  	v50 =	vadd.f32 v42, v39;
	v61 =	vand.u32 $0xFF, v59;
	v36 =	vadd.f32 $5.069756510e+00, v36  }
0x1fe: {  	v58 =	vadd.s32 $0xE0, v44;
	v45 =	vadd.s32 $0xFFFFFF81, v61;
	v40 =	vadd.f32 v63, v40  }
0x1ff: {  	v45 =	vcvt.s32.f32 v45;
	vm0 =	veq.s32 v60, $0x0;
	v36 =	vmul.f32 v41, v36  }
0x200: {  	v40 =	vmul.f32 $6.931471820e-01, v40;
	v41 =	vsub.f32 v62, v49;
	v37 =	vsel vm0, $0x0, v37  }
0x201: {  	v39 =	vsub.f32 v43, v50;
	v54 =	vand.u32 $0x7FFFFFFF, v37;
	v36 =	vadd.f32 $-2.794153690e+00, v36  }
0x202: {  	v38 =	vsub.f32 v38, v40;
	v51 =	vmul.f32 $5.000000000e-01, v41;
	v56 =	vsub.f32 $0.0e+00, v54  }
0x203: {  	v53 =	vpop (erf);
	v48 =	vld.idx.msk [tilespmem:v58+s6+$0x0], $0xffff;
	vm0 =	vlt.s32 v60, $0x0;
	v39 =	vmul.f32 $5.000000000e-01, v39  }
0x204: {  	v57 =	vpop (erf);
	v36 =	vadd.f32 v45, v36;
	[tilespmem:s13+$0xEE80] =	vst v38;
	v55 =	vmul.f32 v53, v51;
	v59 =	vsel vm0, v56, v37  }
0x205: {  	vm1 =	vgt.f32 v37, $0.0e+00;
	v58 =	vmul.f32 v57, v39;
	[tilespmem:s13+$0x8A80] =	vst v59  }
0x206: {  	vm0 =	vgt.s32 v60, $0x0;
	vm2 =	vge.f32 v59, $0.0e+00;
	v36 =	vmul.f32 $6.931471820e-01, v36;
	[tilespmem:s13+$0xB280] =	vst v55  }
0x207: {  	vm0 =	vmand vm0, vm1;
	[tilespmem:s13+$0xC680] =	vst v58;
	v60 =	vsel vm2, $0x1, v35  }
0x208: {  	v61 =	vsel vm0, $0x1, v35;
	[tilespmem:s13+$0x9E80] =	vst v60;
	v36 =	vsub.f32 v48, v36  }
0x209: {  	[tilespmem:s13+$0x10280] =	vst v61  }
0x20a: {  	s14 =	simm.s32 $0xB280;
	[tilespmem:s13+$0xDA80] =	vst v36;
	s13 =	rddreg [dreg:$0x15]  }
0x20b: {  	[hbm4b:s13+s24] =	stream.linear.scatter [tilespmem:s14], [sflag:$0x5], $0x9C0, $0x38;
	[tilespmem:$0x11680] =	vst v63  }
0x20c: {  	s13 =	rddreg [dreg:$0x16];
	s14 =	simm.s32 $0xC680  }
0x20d: {  	[hbm4b:s13+s24] =	stream.linear.scatter [tilespmem:s14], [sflag:$0x5], $0x9C0, $0x38;
	[tilespmem:$0x11680] =	vst v63  }
0x20e: {  	s13 =	simm.s32 $0xDA80  }
0x20f: {  	[hbm4b:s15+s24] =	stream.linear.scatter [tilespmem:s13], [sflag:$0x5], $0x9C0, $0x38;
	[tilespmem:$0x11680] =	vst v63  }
0x210: {  	s14 =	simm.s32 $0xEE80  }
0x211: {  	[hbm4b:s16+s24] =	stream.linear.scatter [tilespmem:s14], [sflag:$0x5], $0x9C0, $0x38;
	[tilespmem:$0x11680] =	vst v63  }
0x212: {  	s12 =	simm.s32 $0x8A80  }
0x213: {  	[hbm4b:s21+s24] =	stream.linear.scatter [tilespmem:s12], [sflag:$0x5], $0x9C0, $0x38;
	[tilespmem:$0x11680] =	vst v63  }
0x214: {  	s13 =	simm.s32 $0x9E80  }
0x215: {  	[hbm4b:s22+s24] =	stream.linear.scatter [tilespmem:s13], [sflag:$0x5], $0x9C0, $0x38;
	[tilespmem:$0x11680] =	vst v63  }
0x216: {  	s14 =	simm.s32 $0x10280  }
0x217: {  	[hbm4b:s23+s24] =	stream.linear.scatter [tilespmem:s14], [sflag:$0x5], $0x9C0, $0x38;
	[tilespmem:$0x11680] =	vst v63  }
0x218: {  	_ =	swait.ge [sflag:s7], $0x9C0  }
0x219: {  	[sflag:s7] =	ssyncset.done $0x0  }
0x21a: {  	[sflag:s7] =	ssyncadd.s32 $0xFFFFF640  }
0x21b: {  	_ =	swait.ge [sflag:s7], $0x9C0  }
0x21c: {  	[sflag:s7] =	ssyncset.done $0x0  }
0x21d: {  	[sflag:s7] =	ssyncadd.s32 $0xFFFFF640  }
0x21e: {  	_ =	swait.ge [sflag:s7], $0x9C0  }
0x21f: {  	[sflag:s7] =	ssyncset.done $0x0  }
0x220: {  	[sflag:s7] =	ssyncadd.s32 $0xFFFFF640  }
0x221: {  	_ =	swait.ge [sflag:s7], $0x9C0  }
0x222: {  	[sflag:s7] =	ssyncset.done $0x0  }
0x223: {  	[sflag:s7] =	ssyncadd.s32 $0xFFFFF640  }
0x224: {  	_ =	swait.ge [sflag:s7], $0x9C0  }
0x225: {  	[sflag:s7] =	ssyncset.done $0x0  }
0x226: {  	[sflag:s7] =	ssyncadd.s32 $0xFFFFF640  }
0x227: {  	_ =	swait.ge [sflag:s7], $0x9C0  }
0x228: {  	[sflag:s7] =	ssyncset.done $0x0  }
0x229: {  	s12 =	simm.s32 $0x9C0;
	[sflag:s7] =	ssyncadd.s32 $0xFFFFF640  }
0x22a: {  	v39 =	vld [tilespmem:s12+$0x2680]  }
0x22b: {  	v42 =	vld [tilespmem:s12+$0x4E80];
	_ =	sdelay $0x1  }
0x22c: {  	v46 =	vld [tilespmem:s12+$0x1280]  }
0x22d: {  	v47 =	vld [tilespmem:s12+$0x3A80];
	_ =	sdelay $0x1  }
0x22e: {  	v62 =	vsub.f32 v42, v39;
	_ =	sdelay $0x1  }
0x22f: {  	v45 =	vmax.f32 v62, $1.000000050e-03  }
0x230: {  	v53 =	vsub.f32 v47, v46;
	v36 =	vand.u32 $0x7FFFFF, v45  }
0x231: {  	v63 =	vor.u32 $0x3F800000, v36  }
0x232: {  	v43 =	vmax.f32 v53, $1.000000050e-03;
	v36 =	vmul.f32 $4.392863070e-02, v63  }
0x233: {  	v37 =	vand.u32 $0x7FFFFF, v43  }
0x234: {  	v48 =	vor.u32 $0x3F800000, v37;
	v36 =	vadd.f32 $-4.094755950e-01, v36  }
0x235: {  	v37 =	vmul.f32 $4.392863070e-02, v48  }
0x236: {  	v36 =	vmul.f32 v63, v36  }
0x237: {  	v37 =	vadd.f32 $-4.094755950e-01, v37  }
0x238: {  	v36 =	vadd.f32 $1.610177520e+00, v36  }
0x239: {  	v55 =	vmul.f32 v48, v37  }
0x23a: {  	s11 =	simm.s32 $0x9D0;
	v49 =	vld [tilespmem:s12+$0x7680];
	v54 =	vmul.f32 v63, v36  }
0x23b: {  	v37 =	vld [tilespmem:s11+$0x4E80];
	v40 =	vadd.f32 $1.610177520e+00, v55  }
0x23c: {  	v36 =	vld [tilespmem:s11+$0x2680];
	v38 =	vadd.f32 $-3.520218850e+00, v54  }
0x23d: {  	v56 =	vmul.f32 v48, v40  }
0x23e: {  	v38 =	vmul.f32 v63, v38  }
0x23f: {  	v58 =	vadd.s32 $0x150, v49;
	v60 =	vshrl.u32 v45, $0x17;
	v44 =	vadd.f32 $-3.520218850e+00, v56  }
0x240: {  	(erf) = vrcp.f32 v43;
	v53 =	vand.u32 $0xFF, v60;
	v57 =	vadd.f32 $5.069756510e+00, v38  }
0x241: {  	v53 =	vadd.s32 $0xFFFFFF81, v53;
	v40 =	vld [tilespmem:s11+$0x3A80];
	v61 =	vmul.f32 v48, v44;
	v59 =	vsub.f32 v37, v36  }
0x242: {  	v52 =	vadd.s32 $0xE0, v49;
	v53 =	vcvt.s32.f32 v53;
	v38 =	vld [tilespmem:s11+$0x1280];
	v50 =	vmul.f32 v63, v57  }
0x243: {  	v56 =	vadd.s32 $0x1C0, v49;
	v54 =	vadd.f32 $5.069756510e+00, v61;
	v41 =	vmax.f32 v59, $1.000000050e-03  }
0x244: {  	v61 =	vshrl.u32 v43, $0x17;
	v62 =	vand.u32 $0x7FFFFF, v41;
	v50 =	vadd.f32 $-2.794153690e+00, v50  }
0x245: {  	v51 =	vld.idx.msk [tilespmem:v58+s6+$0x0], $0xffff;
	v63 =	vadd.s32 $0x70, v49;
	v48 =	vmul.f32 v48, v54;
	v44 =	vor.u32 $0x3F800000, v62  }
0x246: {  	v57 =	vand.u32 $0xFF, v61;
	v49 =	vld.idx.msk [tilespmem:v49+s6+$0x0], $0xffff;
	v62 =	vmul.f32 $4.392863070e-02, v44;
	v50 =	vadd.f32 v53, v50  }
0x247: {  	v52 =	vld.idx.msk [tilespmem:v52+s6+$0x0], $0xffff;
	v57 =	vadd.s32 $0xFFFFFF81, v57;
	v48 =	vadd.f32 $-2.794153690e+00, v48;
	v60 =	vsub.f32 v40, v38  }
0x248: {  	v54 =	vld [tilespmem:s12+$0x6280];
	v57 =	vcvt.s32.f32 v57;
	v58 =	vadd.f32 $-4.094755950e-01, v62;
	v50 =	vmul.f32 $6.931471820e-01, v50  }
0x249: {  	v46 =	vadd.f32 v47, v46;
	(erf) = vrcp.f32 v45;
	v43 =	vmax.f32 v60, $1.000000050e-03;
	v60 =	vld.idx.msk [tilespmem:v56+s6+$0x0], $0xffff  }
0x24a: {  	v48 =	vadd.f32 v57, v48;
	v59 =	vmul.f32 v44, v58;
	v50 =	vsub.f32 v51, v50;
	v51 =	vld.idx.msk [tilespmem:v63+s6+$0x0], $0xffff  }
0x24b: {  	v39 =	vadd.f32 v42, v39;
	v49 =	vsub.f32 v49, v46;
	v63 =	vand.u32 $0x7FFFFF, v43  }
0x24c: {  	v48 =	vmul.f32 $6.931471820e-01, v48;
	v53 =	vadd.f32 $1.610177520e+00, v59;
	v45 =	vor.u32 $0x3F800000, v63  }
0x24d: {  	vm1 =	vgt.s32 v54, $0x0;
	vm2 =	veq.s32 v54, $0x0;
	v61 =	vmul.f32 $4.392863070e-02, v45  }
0x24e: {  	v49 =	vmul.f32 $5.000000000e-01, v49;
	v48 =	vsub.f32 v52, v48;
	[tilespmem:s12+$0xEE80] =	vst v50;
	v63 =	vmul.f32 v44, v53  }
0x24f: {  	s13 =	simm.s32 $0x9E0;
	v47 =	vsel vm2, $0x0, v60;
	v59 =	vpop (erf);
	v46 =	vld [tilespmem:s11+$0x7680];
	v62 =	vadd.f32 $-4.094755950e-01, v61;
	v56 =	vsub.f32 v51, v39  }
0x250: {  	v60 =	vmul.f32 v59, v49;
	vm2 =	vgt.f32 v47, $0.0e+00;
	v58 =	vadd.f32 $-3.520218850e+00, v63;
	v39 =	vld [tilespmem:s13+$0x2680];
	[tilespmem:s12+$0xDA80] =	vst v48  }
0x251: {  	v57 =	vmul.f32 v45, v62;
	v62 =	vand.u32 $0x7FFFFFFF, v47;
	v42 =	vld [tilespmem:s13+$0x4E80];
	v61 =	vmul.f32 $5.000000000e-01, v56  }
0x252: {  	vm0 =	vlt.s32 v54, $0x0;
	vm1 =	vmand vm1, vm2;
	v63 =	vpop (erf);
	v49 =	vsub.f32 $0.0e+00, v62  }
0x253: {  	s14 =	simm.s32 $0x27C0;
	v50 =	vmul.f32 v44, v58;
	[tilespmem:s12+$0xB280] =	vst v60;
	v48 =	vadd.f32 $1.610177520e+00, v57;
	v51 =	vmul.f32 v63, v61  }
.LBB2_4:
0x254: {  	p1 =	sne.s32 s14, $0x4DC0;
	v52 =	vadd.s32 $0x150, v46;
	v53 =	vsel vm1, $0x1, v35;
	v47 =	vsel vm0, v49, v47  }
0x255: {  	v48 =	vmul.f32 v45, v48;
	v49 =	vadd.f32 $5.069756510e+00, v50;
	[tilespmem:s12+$0xC680] =	vst v51;
	vm0 =	vge.f32 v47, $0.0e+00  }
0x256: {  	v54 =	vshrl.u32 v41, $0x17;
	v50 =	vld [tilespmem:s13+$0x1280];
	v51 =	vsub.f32 v42, v39;
	[tilespmem:s12+$0x8A80] =	vst v47;
	v47 =	vsel vm0, $0x1, v35  }
0x257: {  	v54 =	vand.u32 $0xFF, v54;
	v48 =	vadd.f32 $-3.520218850e+00, v48;
	v55 =	vld [tilespmem:s13+$0x3A80];
	v44 =	vmul.f32 v44, v49;
	[tilespmem:s12+$0x9E80] =	vst v47  }
0x258: {  	v49 =	vadd.s32 $0xE0, v46;
	v47 =	vmax.f32 v51, $1.000000050e-03;
	v51 =	vadd.s32 $0xFFFFFF81, v54;
	[tilespmem:s12+$0x10280] =	vst v53;
	s12 =	smov.u32 s11;
	s11 =	smov.u32 s13  }
0x259: {  	v48 =	vmul.f32 v45, v48;
	v52 =	vld.idx.msk [tilespmem:v52+s6+$0x0], $0xffff;
	v53 =	vadd.f32 $-2.794153690e+00, v44;
	v51 =	vcvt.s32.f32 v51  }
0x25a: {  	v56 =	vadd.s32 $0x1C0, v46;
	v54 =	vadd.s32 $0x70, v46;
	v44 =	vand.u32 $0x7FFFFF, v47  }
0x25b: {  	v44 =	vor.u32 $0x3F800000, v44;
	v48 =	vadd.f32 $5.069756510e+00, v48;
	v51 =	vadd.f32 v51, v53  }
0x25c: {  	v58 =	vshrl.u32 v43, $0x17;
	v57 =	vmul.f32 $4.392863070e-02, v44;
	v53 =	vsub.f32 v55, v50  }
0x25d: {  	v58 =	vand.u32 $0xFF, v58;
	v45 =	vmul.f32 v45, v48;
	v48 =	vmul.f32 $6.931471820e-01, v51;
	v51 =	vld [tilespmem:s12+$0x6280]  }
0x25e: {  	v58 =	vadd.s32 $0xFFFFFF81, v58;
	v57 =	vadd.f32 $-4.094755950e-01, v57;
	v46 =	vld.idx.msk [tilespmem:v46+s6+$0x0], $0xffff;
	(erf) = vrcp.f32 v43  }
0x25f: {  	v58 =	vcvt.s32.f32 v58;
	v45 =	vadd.f32 $-2.794153690e+00, v45;
	v49 =	vld.idx.msk [tilespmem:v49+s6+$0x0], $0xffff;
	v48 =	vsub.f32 v52, v48  }
0x260: {  	v43 =	vmax.f32 v53, $1.000000050e-03;
	v52 =	vld.idx.msk [tilespmem:v54+s6+$0x0], $0xffff;
	(erf) = vrcp.f32 v41;
	v41 =	vmov v47  }
0x261: {  	v53 =	vmul.f32 v44, v57;
	v47 =	vand.u32 $0x7FFFFF, v43;
	v54 =	vld.idx.msk [tilespmem:v56+s6+$0x0], $0xffff;
	v56 =	vadd.f32 v58, v45;
	[tilespmem:s12+$0xEE80] =	vst v48  }
0x262: {  	v45 =	vor.u32 $0x3F800000, v47;
	v47 =	vadd.f32 v40, v38;
	v38 =	vmovc v50;
	v40 =	vmovc v55;
	vm1 =	vgt.s32 v51, $0x0  }
0x263: {  	v50 =	vadd.f32 $1.610177520e+00, v53;
	v48 =	vmul.f32 $4.392863070e-02, v45;
	v53 =	vmul.f32 $6.931471820e-01, v56  }
0x264: {  	v55 =	vadd.f32 v37, v36;
	v36 =	vmovc v39;
	v37 =	vmovc v42;
	vm0 =	vlt.s32 v51, $0x0;
	v47 =	vsub.f32 v46, v47  }
0x265: {  	v56 =	vmul.f32 v44, v50;
	v42 =	vadd.f32 $-4.094755950e-01, v48;
	v49 =	vsub.f32 v49, v53  }
.Ltmp3:
0x266: {  	s13 =	sshra.s32 s14, $0x2;
	vm2 =	veq.s32 v51, $0x0;
	v50 =	vmul.f32 $5.000000000e-01, v47;
	v52 =	vsub.f32 v52, v55;
	v46 =	vld [tilespmem:s11+$0x7680];
	(pc) =	sbr.rel @p1 .LBB2_4-.Ltmp3, $4  }
0x267: {  	v53 =	vadd.f32 $-3.520218850e+00, v56;
	v55 =	vmul.f32 v45, v42;
	v47 =	vsel vm2, $0x0, v54;
	v39 =	vld [tilespmem:s13+$0x2680];
	[tilespmem:s12+$0xDA80] =	vst v49;
	v48 =	vpop (erf)  }
0x268: {  	v52 =	vmul.f32 $5.000000000e-01, v52;
	v49 =	vand.u32 $0x7FFFFFFF, v47;
	v42 =	vld [tilespmem:s13+$0x4E80];
	v54 =	vmul.f32 v48, v50  }
0x269: {  	vm2 =	vgt.f32 v47, $0.0e+00;
	v48 =	vadd.f32 $1.610177520e+00, v55;
	v49 =	vsub.f32 $0.0e+00, v49;
	v51 =	vpop (erf)  }
0x26a: {  	s14 =	sadd.s32 $0x40, s14;
	v50 =	vmul.f32 v44, v53;
	vm1 =	vmand vm1, vm2;
	[tilespmem:s12+$0xB280] =	vst v54;
	v51 =	vmul.f32 v51, v52  }
0x26b: {  	v52 =	vadd.s32 $0x150, v46  }
0x26c: {  	v53 =	vsel vm1, $0x1, v35;
	v47 =	vsel vm0, v49, v47;
	v48 =	vmul.f32 v45, v48  }
0x26d: {  	v54 =	vshrl.u32 v41, $0x17;
	v55 =	vadd.s32 $0xE0, v46;
	v57 =	vadd.s32 $0x70, v46  }
0x26e: {  	v63 =	vshrl.u32 v43, $0x17;
	(erf) = vrcp.f32 v43;
	v38 =	vadd.f32 v40, v38  }
0x26f: {  	v59 =	vadd.f32 $5.069756510e+00, v50;
	[tilespmem:s12+$0xC680] =	vst v51;
	vm0 =	vge.f32 v47, $0.0e+00;
	v54 =	vand.u32 $0xFF, v54  }
0x270: {  	v50 =	vld [tilespmem:s13+$0x1280];
	v60 =	vsub.f32 v42, v39;
	[tilespmem:s12+$0x8A80] =	vst v47;
	v61 =	vsel vm0, $0x1, v35;
	v48 =	vadd.f32 $-3.520218850e+00, v48  }
0x271: {  	v36 =	vadd.f32 v37, v36;
	v54 =	vadd.s32 $0xFFFFFF81, v54;
	v44 =	vmul.f32 v44, v59;
	v49 =	vld [tilespmem:s13+$0x3A80];
	[tilespmem:s12+$0x9E80] =	vst v61  }
0x272: {  	v47 =	vadd.s32 $0x1C0, v46;
	[tilespmem:s12+$0x10280] =	vst v53;
	v51 =	vmax.f32 v60, $1.000000050e-03;
	v48 =	vmul.f32 v45, v48  }
0x273: {  	v54 =	vcvt.s32.f32 v54;
	v60 =	vld.idx.msk [tilespmem:v46+s6+$0x0], $0xffff;
	v44 =	vadd.f32 $-2.794153690e+00, v44;
	v56 =	vand.u32 $0x7FFFFF, v51  }
0x274: {  	(erf) = vrcp.f32 v41;
	v57 =	vld.idx.msk [tilespmem:v57+s6+$0x0], $0xffff;
	v56 =	vor.u32 $0x3F800000, v56;
	v48 =	vadd.f32 $5.069756510e+00, v48  }
0x275: {  	v52 =	vld.idx.msk [tilespmem:v52+s6+$0x0], $0xffff;
	v44 =	vadd.f32 v54, v44;
	v62 =	vmul.f32 $4.392863070e-02, v56;
	v54 =	vand.u32 $0xFF, v63  }
0x276: {  	v58 =	vsub.f32 v49, v50;
	v59 =	vmul.f32 v45, v48;
	v54 =	vadd.s32 $0xFFFFFF81, v54  }
0x277: {  	v48 =	vld [tilespmem:s11+$0x6280];
	v44 =	vmul.f32 $6.931471820e-01, v44;
	v53 =	vadd.f32 $-4.094755950e-01, v62;
	v54 =	vcvt.s32.f32 v54  }
0x278: {  	v47 =	vld.idx.msk [tilespmem:v47+s6+$0x0], $0xffff;
	v38 =	vsub.f32 v60, v38;
	v61 =	vadd.f32 $-2.794153690e+00, v59;
	v45 =	vmax.f32 v58, $1.000000050e-03  }
0x279: {  	v36 =	vsub.f32 v57, v36;
	v62 =	vand.u32 $0x7FFFFF, v45;
	v53 =	vmul.f32 v56, v53  }
0x27a: {  	v55 =	vld.idx.msk [tilespmem:v55+s6+$0x0], $0xffff;
	v44 =	vsub.f32 v52, v44;
	v38 =	vmul.f32 $5.000000000e-01, v38;
	v41 =	vor.u32 $0x3F800000, v62  }
0x27b: {  	v43 =	vadd.f32 v54, v61;
	v36 =	vmul.f32 $5.000000000e-01, v36;
	v63 =	vmul.f32 $4.392863070e-02, v41  }
0x27c: {  	v59 =	vpop (erf);
	vm9 =	vgt.s32 v48, $0x0;
	v53 =	vadd.f32 $1.610177520e+00, v53;
	[tilespmem:s11+$0xEE80] =	vst v44;
	vm2 =	veq.s32 v48, $0x0  }
0x27d: {  	v38 =	vmul.f32 v59, v38;
	v43 =	vmul.f32 $6.931471820e-01, v43;
	v44 =	vld [tilespmem:s13+$0x7680];
	v58 =	vsel vm2, $0x0, v47  }
0x27e: {  	v62 =	vpop (erf);
	v54 =	vadd.f32 $-4.094755950e-01, v63;
	v40 =	vmul.f32 v56, v53;
	v60 =	vand.u32 $0x7FFFFFFF, v58  }
0x27f: {  	vm2 =	vgt.f32 v58, $0.0e+00;
	v36 =	vmul.f32 v62, v36;
	v43 =	vsub.f32 v55, v43  }
0x280: {  	[tilespmem:s11+$0xB280] =	vst v38;
	v61 =	vsub.f32 $0.0e+00, v60;
	vm0 =	vmand vm9, vm2;
	v37 =	vmul.f32 v41, v54  }
0x281: {  	vm10 =	vlt.s32 v48, $0x0;
	v40 =	vadd.f32 $-3.520218850e+00, v40;
	[tilespmem:s11+$0xC680] =	vst v36;
	v53 =	vsel vm0, $0x1, v35  }
0x282: {  	[tilespmem:s11+$0xDA80] =	vst v43;
	v48 =	vsel vm10, v61, v58;
	v37 =	vadd.f32 $1.610177520e+00, v37;
	v57 =	vadd.s32 $0x70, v44  }
0x283: {  	[tilespmem:s11+$0x10280] =	vst v53;
	v40 =	vmul.f32 v56, v40;
	vm1 =	vge.f32 v48, $0.0e+00  }
0x284: {  	v63 =	vadd.s32 $0x150, v44;
	[tilespmem:s11+$0x8A80] =	vst v48;
	v54 =	vsel vm1, $0x1, v35;
	v37 =	vmul.f32 v41, v37  }
0x285: {  	v58 =	vadd.s32 $0x1C0, v44;
	v40 =	vadd.f32 $5.069756510e+00, v40;
	[tilespmem:s11+$0x9E80] =	vst v54  }
0x286: {  	(erf) = vrcp.f32 v45;
	v55 =	vshrl.u32 v51, $0x17;
	v62 =	vld.idx.msk [tilespmem:v44+s6+$0x0], $0xffff;
	v52 =	vadd.f32 $-3.520218850e+00, v37  }
0x287: {  	(erf) = vrcp.f32 v51;
	v46 =	vand.u32 $0xFF, v55;
	v40 =	vmul.f32 v56, v40;
	v43 =	vld.idx.msk [tilespmem:v57+s6+$0x0], $0xffff  }
0x288: {  	v60 =	vshrl.u32 v45, $0x17;
	v46 =	vadd.s32 $0xFFFFFF81, v46;
	v36 =	vmul.f32 v41, v52;
	v52 =	vld [tilespmem:s13+$0x6280]  }
0x289: {  	v51 =	vadd.f32 v49, v50;
	v38 =	vld.idx.msk [tilespmem:v63+s6+$0x0], $0xffff;
	v63 =	vcvt.s32.f32 v46;
	v40 =	vadd.f32 $-2.794153690e+00, v40  }
0x28a: {  	v61 =	vand.u32 $0xFF, v60;
	v53 =	vadd.f32 v42, v39;
	v37 =	vld.idx.msk [tilespmem:v58+s6+$0x0], $0xffff;
	v36 =	vadd.f32 $5.069756510e+00, v36  }
0x28b: {  	v59 =	vadd.s32 $0xE0, v44;
	v45 =	vadd.s32 $0xFFFFFF81, v61;
	v40 =	vadd.f32 v63, v40  }
0x28c: {  	v45 =	vcvt.s32.f32 v45;
	v36 =	vmul.f32 v41, v36;
	v41 =	vsub.f32 v62, v51  }
0x28d: {  	v40 =	vmul.f32 $6.931471820e-01, v40;
	v39 =	vsub.f32 v43, v53;
	vm11 =	veq.s32 v52, $0x0  }
0x28e: {  	vm13 =	vgt.s32 v52, $0x0;
	v36 =	vadd.f32 $-2.794153690e+00, v36;
	v54 =	vmul.f32 $5.000000000e-01, v41  }
0x28f: {  	v55 =	vpop (erf);
	v38 =	vsub.f32 v38, v40;
	v37 =	vsel vm11, $0x0, v37;
	v39 =	vmul.f32 $5.000000000e-01, v39  }
0x290: {  	v48 =	vld.idx.msk [tilespmem:v59+s6+$0x0], $0xffff;
	v59 =	vpop (erf);
	v56 =	vand.u32 $0x7FFFFFFF, v37;
	vm14 =	vgt.f32 v37, $0.0e+00;
	v57 =	vmul.f32 v55, v54  }
0x291: {  	v36 =	vadd.f32 v45, v36;
	[tilespmem:s13+$0xEE80] =	vst v38;
	v58 =	vsub.f32 $0.0e+00, v56;
	v60 =	vmul.f32 v59, v39  }
0x292: {  	vm12 =	vlt.s32 v52, $0x0;
	vm0 =	vmand vm13, vm14;
	[tilespmem:s13+$0xB280] =	vst v57  }
0x293: {  	v63 =	vsel vm0, $0x1, v35;
	v36 =	vmul.f32 $6.931471820e-01, v36;
	v61 =	vsel vm12, v58, v37;
	[tilespmem:s13+$0xC680] =	vst v60  }
0x294: {  	[tilespmem:s13+$0x10280] =	vst v63;
	vm15 =	vge.f32 v61, $0.0e+00  }
0x295: {  	[tilespmem:s13+$0x8A80] =	vst v61;
	v36 =	vsub.f32 v48, v36;
	v62 =	vsel vm15, $0x1, v35  }
0x296: {  	[tilespmem:s13+$0x9E80] =	vst v62  }
0x297: {  	s14 =	simm.s32 $0xBC40;
	[tilespmem:s13+$0xDA80] =	vst v36  }
0x298: {  	[hbm4b:s17+s24] =	stream.linear.scatter [tilespmem:s14], [sflag:$0x5], $0x9C0, $0x38;
	[tilespmem:$0x11680] =	vst v63  }
0x299: {  	s12 =	simm.s32 $0xD040  }
0x29a: {  	[hbm4b:s18+s24] =	stream.linear.scatter [tilespmem:s12], [sflag:$0x5], $0x9C0, $0x38;
	[tilespmem:$0x11680] =	vst v63  }
0x29b: {  	s13 =	simm.s32 $0xE440  }
0x29c: {  	[hbm4b:s19+s24] =	stream.linear.scatter [tilespmem:s13], [sflag:$0x5], $0x9C0, $0x38;
	[tilespmem:$0x11680] =	vst v63  }
0x29d: {  	s14 =	simm.s32 $0xF840  }
0x29e: {  	[hbm4b:s20+s24] =	stream.linear.scatter [tilespmem:s14], [sflag:$0x5], $0x9C0, $0x38;
	[tilespmem:$0x11680] =	vst v63  }
0x29f: {  	s12 =	simm.s32 $0x9440  }
0x2a0: {  	[hbm4b:s25+s24] =	stream.linear.scatter [tilespmem:s12], [sflag:$0x5], $0x9C0, $0x38;
	[tilespmem:$0x11680] =	vst v63  }
.Ltmp4:
0x2a1: {  	_ = 	snop;
	(pc) =	sbr.rel @p0 .LBB2_7-.Ltmp4, $4  }
0x2a2: {  	s13 =	simm.s32 $0xA840  }
0x2a3: {  	[hbm4b:s1+s24] =	stream.linear.scatter [tilespmem:s13], [sflag:$0x5], $0x9C0, $0x38;
	[tilespmem:$0x11680] =	vst v63  }
0x2a4: {  	s14 =	simm.s32 $0x10C40  }
0x2a5: {  	[hbm4b:s2+s24] =	stream.linear.scatter [tilespmem:s14], [sflag:$0x5], $0x9C0, $0x38;
	[tilespmem:$0x11680] =	vst v63  }
0x2a6: {  	_ =	swait.ge [sflag:s8], $0x10  }
0x2a7: {  	[sflag:s8] =	ssyncset.done $0x0  }
0x2a8: {  	[sflag:s8] =	ssyncadd.s32 $0xFFFFFFF0  }
0x2a9: {  	_ =	swait.ge [sflag:s8], $0x10  }
0x2aa: {  	[sflag:s8] =	ssyncset.done $0x0  }
0x2ab: {  	[sflag:s8] =	ssyncadd.s32 $0xFFFFFFF0  }
0x2ac: {  	_ =	swait.ge [sflag:s8], $0x10  }
0x2ad: {  	[sflag:s8] =	ssyncset.done $0x0  }
0x2ae: {  	[sflag:s8] =	ssyncadd.s32 $0xFFFFFFF0  }
0x2af: {  	_ =	swait.ge [sflag:s8], $0x10  }
0x2b0: {  	[sflag:s8] =	ssyncset.done $0x0  }
0x2b1: {  	[sflag:s8] =	ssyncadd.s32 $0xFFFFFFF0  }
0x2b2: {  	_ =	swait.ge [sflag:s8], $0x10  }
0x2b3: {  	[sflag:s8] =	ssyncset.done $0x0  }
0x2b4: {  	[sflag:s8] =	ssyncadd.s32 $0xFFFFFFF0  }
0x2b5: {  	_ =	swait.ge [sflag:s8], $0x10  }
0x2b6: {  	[sflag:s8] =	ssyncset.done $0x0  }
0x2b7: {  	[sflag:s8] =	ssyncadd.s32 $0xFFFFFFF0  }
0x2b8: {  	v36 =	vld [tilespmem:$0x2600]  }
0x2b9: {  	v37 =	vld [tilespmem:$0x3A00]  }
0x2ba: {  	v38 =	vld [tilespmem:$0x4E00]  }
0x2bb: {  	v39 =	vld [tilespmem:$0x6200];
	_ =	sdelay $0x3  }
0x2bc: {  	v40 =	vsub.f32 v38, v36  }
0x2bd: {  	v41 =	vsub.f32 v39, v37  }
0x2be: {  	v40 =	vmax.f32 v40, $1.000000050e-03  }
0x2bf: {  	v41 =	vmax.f32 v41, $1.000000050e-03;
	v42 =	vand.u32 $0x7FFFFF, v40  }
0x2c0: {  	v43 =	vand.u32 $0x7FFFFF, v41;
	v42 =	vor.u32 $0x3F800000, v42  }
0x2c1: {  	v44 =	vld [tilespmem:$0x8A00];
	v43 =	vor.u32 $0x3F800000, v43;
	v45 =	vmul.f32 $4.392863070e-02, v42  }
0x2c2: {  	v46 =	vmul.f32 $4.392863070e-02, v43  }
0x2c3: {  	v45 =	vadd.f32 $-4.094755950e-01, v45  }
0x2c4: {  	v46 =	vadd.f32 $-4.094755950e-01, v46  }
0x2c5: {  	v54 =	vld [tilespmem:$0x7600];
	v45 =	vmul.f32 v42, v45  }
0x2c6: {  	v48 =	vadd.s32 $0x70, v44;
	v46 =	vmul.f32 v43, v46  }
0x2c7: {  	v51 =	vadd.s32 $0x1C0, v44;
	v45 =	vadd.f32 $1.610177520e+00, v45  }
0x2c8: {  	v36 =	vadd.f32 v38, v36;
	v46 =	vadd.f32 $1.610177520e+00, v46  }
0x2c9: {  	v50 =	vadd.s32 $0xE0, v44;
	v37 =	vadd.f32 v39, v37;
	v45 =	vmul.f32 v42, v45  }
0x2ca: {  	vm0 =	veq.s32 v54, $0x0;
	v47 =	vld.idx.msk [tilespmem:v44+s6+$0x0], $0xffff;
	(erf) = vrcp.f32 v40;
	v46 =	vmul.f32 v43, v46  }
0x2cb: {  	vm13 =	vgt.s32 v54, $0x0;
	(erf) = vrcp.f32 v41;
	v52 =	vld.idx.msk [tilespmem:v48+s6+$0x0], $0xffff;
	v45 =	vadd.f32 $-3.520218850e+00, v45  }
0x2cc: {  	v44 =	vadd.s32 $0x150, v44;
	v40 =	vshrl.u32 v40, $0x17;
	v55 =	vld.idx.msk [tilespmem:v51+s6+$0x0], $0xffff;
	v49 =	vadd.f32 $-3.520218850e+00, v46  }
0x2cd: {  	v41 =	vshrl.u32 v41, $0x17;
	v40 =	vand.u32 $0xFF, v40;
	v45 =	vmul.f32 v42, v45  }
0x2ce: {  	v41 =	vand.u32 $0xFF, v41;
	v40 =	vadd.s32 $0xFFFFFF81, v40;
	v38 =	vmul.f32 v43, v49  }
0x2cf: {  	v41 =	vadd.s32 $0xFFFFFF81, v41;
	v40 =	vcvt.s32.f32 v40;
	v45 =	vadd.f32 $5.069756510e+00, v45  }
0x2d0: {  	v41 =	vcvt.s32.f32 v41;
	v36 =	vsub.f32 v47, v36;
	v38 =	vadd.f32 $5.069756510e+00, v38  }
0x2d1: {  	v37 =	vsub.f32 v52, v37;
	v58 =	vsel vm0, $0x0, v55;
	v42 =	vmul.f32 v42, v45  }
0x2d2: {  	v36 =	vmul.f32 $5.000000000e-01, v36;
	v60 =	vand.u32 $0x7FFFFFFF, v58;
	v38 =	vmul.f32 v43, v38  }
0x2d3: {  	vm1 =	vgt.f32 v58, $0.0e+00;
	v56 =	vpop (erf);
	v37 =	vmul.f32 $5.000000000e-01, v37;
	v42 =	vadd.f32 $-2.794153690e+00, v42  }
0x2d4: {  	v53 =	vld.idx.msk [tilespmem:v50+s6+$0x0], $0xffff;
	v61 =	vsub.f32 $0.0e+00, v60;
	vm0 =	vmand vm13, vm1;
	v57 =	vpop (erf);
	v38 =	vadd.f32 $-2.794153690e+00, v38  }
0x2d5: {  	v44 =	vld.idx.msk [tilespmem:v44+s6+$0x0], $0xffff;
	v62 =	vsel vm0, $0x1, v35;
	v37 =	vmul.f32 v57, v37;
	v40 =	vadd.f32 v40, v42  }
0x2d6: {  	vm14 =	vlt.s32 v54, $0x0;
	v36 =	vmul.f32 v56, v36;
	[tilespmem:$0x11600] =	vst v62;
	v38 =	vadd.f32 v41, v38  }
0x2d7: {  	[tilespmem:$0xDA00] =	vst v37;
	v37 =	vsel vm14, v61, v58;
	v40 =	vmul.f32 $6.931471820e-01, v40  }
0x2d8: {  	[tilespmem:$0xC600] =	vst v36;
	vm15 =	vge.f32 v37, $0.0e+00;
	v38 =	vmul.f32 $6.931471820e-01, v38  }
0x2d9: {  	[tilespmem:$0x9E00] =	vst v37;
	v63 =	vsel vm15, $0x1, v35;
	v59 =	vsub.f32 v53, v40  }
0x2da: {  	[tilespmem:$0xB200] =	vst v63;
	v38 =	vsub.f32 v44, v38  }
0x2db: {  	[tilespmem:$0xEE00] =	vst v59  }
0x2dc: {  	s12 =	simm.s32 $0xC600;
	s11 =	rddreg [dreg:$0x17];
	[tilespmem:$0x10200] =	vst v38  }
0x2dd: {  	[hbm4b:s11+s24] =	stream.linear.scatter [tilespmem:s12], [sflag:$0x5], $0x10, $0x38;
	[tilespmem:$0x11680] =	vst v63  }
0x2de: {  	s14 =	simm.s32 $0xDA00;
	s13 =	rddreg [dreg:$0x18]  }
0x2df: {  	[hbm4b:s13+s24] =	stream.linear.scatter [tilespmem:s14], [sflag:$0x5], $0x10, $0x38;
	[tilespmem:$0x11680] =	vst v63  }
0x2e0: {  	s13 =	rddreg [dreg:$0x19];
	s14 =	simm.s32 $0xEE00  }
0x2e1: {  	[hbm4b:s13+s24] =	stream.linear.scatter [tilespmem:s14], [sflag:$0x5], $0x10, $0x38;
	[tilespmem:$0x11680] =	vst v63  }
0x2e2: {  	s13 =	rddreg [dreg:$0x1a];
	s14 =	simm.s32 $0x10200  }
0x2e3: {  	[hbm4b:s13+s24] =	stream.linear.scatter [tilespmem:s14], [sflag:$0x5], $0x10, $0x38;
	[tilespmem:$0x11680] =	vst v63  }
0x2e4: {  	s13 =	rddreg [dreg:$0x1b];
	s14 =	simm.s32 $0x9E00  }
0x2e5: {  	[hbm4b:s13+s24] =	stream.linear.scatter [tilespmem:s14], [sflag:$0x5], $0x10, $0x38;
	[tilespmem:$0x11680] =	vst v63  }
.Ltmp5:
0x2e6: {  	_ = 	snop;
	(pc) =	sbr.rel .LBB2_7-.Ltmp5, $4  }
0x2e7: {  	s13 =	rddreg [dreg:$0x1c];
	s14 =	simm.s32 $0xB200  }
0x2e8: {  	[hbm4b:s13+s24] =	stream.linear.scatter [tilespmem:s14], [sflag:$0x5], $0x10, $0x38;
	[tilespmem:$0x11680] =	vst v63  }
0x2e9: {  	s13 =	rddreg [dreg:$0x1d];
	s14 =	simm.s32 $0x11600  }
0x2ea: {  	[hbm4b:s13+s24] =	stream.linear.scatter [tilespmem:s14], [sflag:$0x5], $0x10, $0x38;
	[tilespmem:$0x11680] =	vst v63  }
.LBB2_8:
0x2eb: {  	_ =	sfence.sel $0x180000  }
0x2ec: {  	[bflag:$0x0] =	sbarrier.arrive $0xFFFF  }
0x2ed: {  	_ =	strace $0x90000047  }
0x2ee: {  	s0 =	stileid.u32;
	[bflag:$0x2] =	sbarrier.arrive $0xFFFF  }
0x2ef: {  	p0 =	sne.s32 s0, $0x0;
	s0 =	rddreg [dreg:$0x8]  }
0x2f0: {  	s0 =	sadd.s32 @!p0 $0x100000, s0  }
0x2f1: {  	[sflag:s0] =	ssyncadd.tile.s32 @!p0 $0x1;
	_ =	shalt  }
.Lfunc_end2:
_tile_overlayer_lowered:
.L_overlay_start_2:
0x2f2: {  	(tag) =	ssettag $0x2  }
0x2f3: {  	s0 =	rddreg [dreg:$0x0];
	s2 =	stileid.u32  }
0x2f4: {  	s1 =	rddreg [dreg:$0x1];
	p0 =	sne.s32 s2, $0x0  }
0x2f5: {  	s3 =	rddreg [dreg:$0x2];
	[bflag:$0x3] =	sbarrier.arrive $0xFFFF;
	s2 =	simm.s32 @!p0 $0x1C06  }
0x2f6: {  	[timem:s3], [sflag:s2] =	dma.local @!p0 [hbm:s0], s1  }
0x2f7: {  	s0 =	simm.s32 @!p0 $0x6  }
0x2f8: {  	_ =	swait.ge @!p0 [sflag:s0], s1  }
0x2f9: {  	s1 =	ssub.s32 @!p0 $0x0, s1;
	[sflag:s0] =	ssyncset.done @!p0 $0x0  }
0x2fa: {  	[sflag:s0] =	ssyncadd.s32 @!p0 s1  }
0x2fb: {  	[bflag:$0x3] =	sbarrier.arrive $0xFFFF  }
0x2fc: {  	_ =	shalt  }

</sc_bundles>
